<compile_context>
chip_gen: v7x
topology: tpu7x:2x2x1
jax: 0.10.2.dev20260603
libtpu: 0.0.44.dev20260713+nightly
codegen_flags: <defaults>
</compile_context>

<pallas_src>
import functools

import jax
import jax.numpy as jnp
from jax import lax
from jax.experimental import pallas as pl
from jax.experimental.pallas import tpu as pltpu
from jax.experimental.pallas import tpu_sc as plsc

N = 10000
NNZ = 320000
D = 128

NC = 2
NS = 16
NW = NC * NS
CHUNK = 48
NBUF = 7
CPW = 217
PER_W = CPW * CHUNK
PAD_TOTAL = NW * PER_W
NPAD = 10008
ROWS_PER_TILE = 632
LAST_ROWS = NPAD - 15 * ROWS_PER_TILE

_EPS = 1e-5


def _ln_mlp(xb, g0, b0, w1t, b1, g1, b1_, w2t, b2):
    m = jnp.mean(xb, axis=-1, keepdims=True)
    v = jnp.mean((xb - m) ** 2, axis=-1, keepdims=True)
    xn = (xb - m) * lax.rsqrt(v + _EPS) * g0 + b0
    hh = jnp.maximum(jnp.dot(xn, w1t, preferred_element_type=jnp.float32) + b1, 0.0)
    m2 = jnp.mean(hh, axis=-1, keepdims=True)
    v2 = jnp.mean((hh - m2) ** 2, axis=-1, keepdims=True)
    hn = (hh - m2) * lax.rsqrt(v2 + _EPS) * g1 + b1_
    return jnp.dot(hn, w2t, preferred_element_type=jnp.float32) + b2


def _enc_body(x_ref, g0, b0, w1t, b1, g1, b1_, w2t, b2, o_ref):
    o_ref[...] = jnp.maximum(
        _ln_mlp(x_ref[...], g0[...], b0[...], w1t[...], b1[...], g1[...],
                b1_[...], w2t[...], b2[...]), 0.0)


def _dec_body(p0_ref, p1_ref, g0, b0, w1t, b1, g1, b1_, w2t, b2, o_ref):
    agg = p0_ref[0] + p1_ref[0]
    o_ref[...] = jnp.maximum(
        _ln_mlp(agg, g0[...], b0[...], w1t[...], b1[...], g1[...],
                b1_[...], w2t[...], b2[...]), 0.0)


_ROWS_BLK = 5000
_GRID = N // _ROWS_BLK

def _wspecs():
    vec = lambda i: (0, 0)
    return [
        pl.BlockSpec((1, D), vec),
        pl.BlockSpec((1, D), vec),
        pl.BlockSpec((D, D), vec),
        pl.BlockSpec((1, D), vec),
        pl.BlockSpec((1, D), vec),
        pl.BlockSpec((1, D), vec),
        pl.BlockSpec((D, D), vec),
        pl.BlockSpec((1, D), vec),
    ]


def _enc_call(x, *w):
    return pl.pallas_call(
        _enc_body,
        grid=(_GRID,),
        in_specs=[pl.BlockSpec((_ROWS_BLK, D), lambda i: (i, 0))] + _wspecs(),
        out_specs=pl.BlockSpec((_ROWS_BLK, D), lambda i: (i, 0)),
        out_shape=jax.ShapeDtypeStruct((N, D), jnp.float32),
    )(x, *w)


def _dec_call(parts, *w):
    return pl.pallas_call(
        _dec_body,
        grid=(_GRID,),
        in_specs=[
            pl.BlockSpec((1, _ROWS_BLK, D), lambda i: (0, i, 0)),
            pl.BlockSpec((1, _ROWS_BLK, D), lambda i: (1, i, 0)),
        ] + _wspecs(),
        out_specs=pl.BlockSpec((_ROWS_BLK, D), lambda i: (i, 0)),
        out_shape=jax.ShapeDtypeStruct((N, D), jnp.float32),
    )(parts, parts, *w)


@functools.cache
def _sc_call():
    mesh = plsc.VectorSubcoreMesh(
        core_axis_name="c", subcore_axis_name="s",
        num_cores=NC, num_subcores=NS)
    return pl.kernel(
        _gather_segsum,
        out_type=jax.ShapeDtypeStruct((NC, NPAD, D), jnp.float32),
        mesh=mesh,
        scratch_types=[
            pltpu.VMEM((NBUF, CHUNK), jnp.int32),
            pltpu.VMEM((NBUF, CHUNK), jnp.int32),
            pltpu.VMEM((NBUF, CHUNK), jnp.int32),
            pltpu.VMEM((NBUF, CHUNK, D), jnp.float32),
            pltpu.VMEM_SHARED((NPAD, D), jnp.float32),
            pltpu.SemaphoreType.DMA((NBUF,)),
            pltpu.SemaphoreType.DMA((NBUF,)),
            pltpu.SemaphoreType.DMA((NBUF,)),
        ],
    )


def _gather_segsum(h_hbm, p_hbm, z_hbm, out_hbm,
                   pk, ibv, ibe, rows, acc, isem, gsem, ssem):
    c = lax.axis_index("c")
    s = lax.axis_index("s")
    wid = s * NC + c
    r0 = s * ROWS_PER_TILE
    base = wid * PER_W

    def _start_idx(j, b):
        pltpu.async_copy(p_hbm.at[pl.ds(base + j * CHUNK, CHUNK)],
                         pk.at[b], isem.at[b])

    def _wait_idx(j, b):
        pltpu.make_async_copy(p_hbm.at[pl.ds(base + j * CHUNK, CHUNK)],
                              pk.at[b], isem.at[b]).wait()

    def _unpack(b):
        for i in range(CHUNK // 16):
            p = pk[b, pl.ds(i * 16, 16)]
            ibv[b, pl.ds(i * 16, 16)] = p & 0xFFFF
            ibe[b, pl.ds(i * 16, 16)] = p >> 16

    def _start_gather(b):
        pltpu.async_copy(h_hbm.at[ibv.at[b]], rows.at[b], gsem.at[b])

    def _wait_gather(b):
        pltpu.make_async_copy(h_hbm.at[ibv.at[b]], rows.at[b],
                              gsem.at[b]).wait()

    def _start_scatter(b):
        pltpu.async_copy(rows.at[b], acc.at[ibe.at[b]], ssem.at[b], add=True)

    def _wait_scatter(b):
        pltpu.make_async_copy(rows.at[b], acc.at[ibe.at[b]],
                              ssem.at[b]).wait()

    @pl.when(s < NS - 1)
    def _():
        pltpu.sync_copy(z_hbm.at[pl.ds(r0, ROWS_PER_TILE)],
                        acc.at[pl.ds(r0, ROWS_PER_TILE)])

    @pl.when(s == NS - 1)
    def _():
        pltpu.sync_copy(z_hbm.at[pl.ds(r0, LAST_ROWS)],
                        acc.at[pl.ds(r0, LAST_ROWS)])

    plsc.subcore_barrier()

    for t in range(4):
        _start_idx(t, t)
    for t in range(3):
        _wait_idx(t, t)
        _unpack(t)
        _start_gather(t)

    @pl.loop(0, CPW // NBUF)
    def _outer(jj):
        for b in range(NBUF):
            j = jj * NBUF + b
            b3 = (b + 3) % NBUF
            b4 = (b + 4) % NBUF

            @pl.when(j + 4 < CPW)
            def _():
                @pl.when(j >= NBUF - 4)
                def _():
                    _wait_scatter(b4)
                _start_idx(j + 4, b4)

            @pl.when(j + 3 < CPW)
            def _():
                _wait_idx(j + 3, b3)
                _unpack(b3)
                _start_gather(b3)

            _wait_gather(b)
            _start_scatter(b)

    for b in range(NBUF):
        _wait_scatter(b)
    plsc.subcore_barrier()

    @pl.when(s < NS - 1)
    def _():
        pltpu.sync_copy(acc.at[pl.ds(r0, ROWS_PER_TILE)],
                        out_hbm.at[c, pl.ds(r0, ROWS_PER_TILE)])

    @pl.when(s == NS - 1)
    def _():
        pltpu.sync_copy(acc.at[pl.ds(r0, LAST_ROWS)],
                        out_hbm.at[c, pl.ds(r0, LAST_ROWS)])


def kernel(x, V, E, enc_ln0_g, enc_ln0_b, enc_W1, enc_b1, enc_ln1_g,
           enc_ln1_b, enc_W2, enc_b2, dec_ln0_g, dec_ln0_b, dec_W1, dec_b1,
           dec_ln1_g, dec_ln1_b, dec_W2, dec_b2):
    pad = PAD_TOTAL - NNZ
    pad_v = jnp.arange(pad, dtype=jnp.int32) % N
    pad_e = N + jnp.arange(pad, dtype=jnp.int32) % (NPAD - N)
    Vp = jnp.concatenate([V, pad_v])
    Ep = jnp.concatenate([E, pad_e])
    packed = jnp.bitwise_or(Vp, Ep << 16)
    zeros = jnp.zeros((NPAD, D), jnp.float32)

    r = lambda a: a.reshape(1, D)
    enc_w = (r(enc_ln0_g), r(enc_ln0_b), enc_W1.T, r(enc_b1),
             r(enc_ln1_g), r(enc_ln1_b), enc_W2.T, r(enc_b2))
    dec_w = (r(dec_ln0_g), r(dec_ln0_b), dec_W1.T, r(dec_b1),
             r(dec_ln1_g), r(dec_ln1_b), dec_W2.T, r(dec_b2))

    h = _enc_call(x, *enc_w)
    parts = _sc_call()(h, packed, zeros)
    return _dec_call(parts, *dec_w)

# --- scband reference (transcript-rebuilt; emitter-appended) ---
"""Pipeline reference for scband-all-set-81020263071820 (READ-ONLY COPY).

The authoritative reference and input builder live on the scoring server;
editing this copy changes nothing except your own understanding.
"""

import jax, jax.numpy as jnp
import numpy as np

N = 10000
NNZ = 320000
D = 128

def _ln(x, g, b, eps=1e-5):
    m = jnp.mean(x, axis=-1, keepdims=True)
    v = jnp.var(x, axis=-1, keepdims=True)
    return (x - m) / jnp.sqrt(v + eps) * g + b

def _mlp(x, ln0_g, ln0_b, W1, b1, ln1_g, ln1_b, W2, b2):
    # MLP(in,hid,out,num_layers=2,norm='ln',input_norm=True)
    x = _ln(x, ln0_g, ln0_b)
    x = x @ W1.T + b1
    x = jax.nn.relu(x)
    x = _ln(x, ln1_g, ln1_b)
    x = x @ W2.T + b2
    return x

def setup_inputs(seed: int = 0):
    key = jax.random.key(seed)
    ks = jax.random.split(key, 24)
    inp = {}
    inp['x'] = jax.random.normal(ks[0], (N, D), dtype=jnp.float32)
    inp['V'] = jax.random.randint(ks[1], (NNZ,), 0, N, dtype=jnp.int32)
    inp['E'] = jnp.sort(jax.random.randint(ks[2], (NNZ,), 0, N, dtype=jnp.int32))
    s = 0.05
    names = ['enc_ln0_g','enc_ln0_b','enc_W1','enc_b1','enc_ln1_g','enc_ln1_b','enc_W2','enc_b2','dec_ln0_g','dec_ln0_b','dec_W1','dec_b1','dec_ln1_g','dec_ln1_b','dec_W2','dec_b2']
    shapes = [(D,),(D,),(D,D),(D,),(D,),(D,),(D,D),(D,),(D,),(D,),(D,D),(D,),(D,),(D,),(D,D),(D,)]
    for i, (nm, sh) in enumerate(zip(names, shapes)):
        if nm.endswith('ln0_g') or nm.endswith('ln1_g'):
            inp[nm] = jnp.ones(sh, dtype=jnp.float32)
        elif nm.endswith('_b') and 'ln' in nm:
            inp[nm] = jnp.zeros(sh, dtype=jnp.float32)
        elif nm.endswith('b1') or nm.endswith('b2'):
            inp[nm] = jnp.zeros(sh, dtype=jnp.float32)
        else:
            inp[nm] = jax.random.normal(ks[3 + i], sh, dtype=jnp.float32) * s
    return inp

def reference(x, V, E, enc_ln0_g, enc_ln0_b, enc_W1, enc_b1, enc_ln1_g, enc_ln1_b, enc_W2, enc_b2, dec_ln0_g, dec_ln0_b, dec_W1, dec_b1, dec_ln1_g, dec_ln1_b, dec_W2, dec_b2):
    # HalfNLHconv, attention=False, num_layers=2, aggr='add'
    h = jax.nn.relu(_mlp(x, enc_ln0_g, enc_ln0_b, enc_W1, enc_b1, enc_ln1_g, enc_ln1_b, enc_W2, enc_b2))
    # propagate: message = norm(=1) * x_j gathered by V, scatter-add by E
    msgs = jnp.take(h, V, axis=0)
    agg = jax.ops.segment_sum(msgs, E, num_segments=N)
    out = jax.nn.relu(_mlp(agg, dec_ln0_g, dec_ln0_b, dec_W1, dec_b1, dec_ln1_g, dec_ln1_b, dec_W2, dec_b2))
    return out

if __name__ == "__main__":
    import jax
    _d = setup_inputs()
    print(jax.jit(kernel)(*tuple(_d.values())))

</pallas_src>

<mosaic_0001>
#map = affine_map<(d0, d1) -> (0, 0)>
#map1 = affine_map<(d0, d1) -> (0)>
#map2 = affine_map<(d0, d1) -> (0, 0, 0)>
module attributes {stable_mosaic.version = 14 : i64} {
  func.func @_gather_segsum(%arg0: i32, %arg1: i32, %arg2: memref<10000x128xf32, #tpu.memory_space<hbm>>, %arg3: memref<333312xi32, #tpu.memory_space<hbm>>, %arg4: memref<10008x128xf32, #tpu.memory_space<hbm>>, %arg5: memref<2x10008x128xf32, #tpu.memory_space<hbm>>, %arg6: memref<7x48xi32, #tpu.memory_space<vmem>>, %arg7: memref<7x48xi32, #tpu.memory_space<vmem>>, %arg8: memref<7x48xi32, #tpu.memory_space<vmem>>, %arg9: memref<7x48x128xf32, #tpu.memory_space<vmem>>, %arg10: memref<10008x128xf32, #tpu.memory_space<vmem_shared>>, %arg11: memref<7x!tpu.dma_semaphore, #tpu.memory_space<semaphore_mem>>, %arg12: memref<7x!tpu.dma_semaphore, #tpu.memory_space<semaphore_mem>>, %arg13: memref<7x!tpu.dma_semaphore, #tpu.memory_space<semaphore_mem>>) attributes {dimension_semantics = [#tpu.dimension_semantics<core_parallel>, #tpu.dimension_semantics<subcore_parallel>], iteration_bounds = array<i64: 2, 16>, scalar_prefetch = 0 : i64, scratch_operands = 8 : i64, tpu.core_type = #tpu.core_type<sc_vector_subcore>, window_params = [{transform_indices = #map}, {transform_indices = #map1}, {transform_indices = #map}, {transform_indices = #map2}]} {
    %mul3A = arith.constant 2 : i32
    %mul3A_0 = arith.muli %arg1, %mul3A : i32
    %add3A = arith.addi %mul3A_0, %arg0 : i32
    %mul3A_1 = arith.constant 632 : i32
    %mul3A_2 = arith.muli %arg1, %mul3A_1 : i32
    %mul3A_3 = arith.constant 10416 : i32
    %mul3A_4 = arith.muli %add3A, %mul3A_3 : i32
    %lt3A = arith.constant 15 : i32
    %lt3A_5 = arith.cmpi slt, %arg1, %lt3A : i32
    %convert_element_type3A = arith.extui %lt3A_5 : i1 to i32
    %cond3A = arith.constant 0 : i32
    %cond3A_6 = arith.cmpi ne, %convert_element_type3A, %cond3A : i32
    scf.if %cond3A_6 {
      "tpu.region"() ({
        %run_scoped3A = tpu.sem_alloc : memref<!tpu.dma_semaphore, #tpu.memory_space<semaphore_mem>>
        %dma_start3A_475 = arith.constant 0 : i32
        %dma_start3A_476 = tpu.memref_slice %arg10[%mul3A_2, %dma_start3A_475] : memref<10008x128xf32, #tpu.memory_space<vmem_shared>> -> memref<632x128xf32, #tpu.memory_space<vmem_shared>>
        %dma_start3A_477 = arith.constant 0 : i32
        %dma_start3A_478 = tpu.memref_slice %arg4[%mul3A_2, %dma_start3A_477] : memref<10008x128xf32, #tpu.memory_space<hbm>> -> memref<632x128xf32, #tpu.memory_space<hbm>>
        tpu.enqueue_dma source(%dma_start3A_478 : memref<632x128xf32, #tpu.memory_space<hbm>>) target(%dma_start3A_476 : memref<632x128xf32, #tpu.memory_space<vmem_shared>>) target_semaphore(%run_scoped3A : memref<!tpu.dma_semaphore, #tpu.memory_space<semaphore_mem>>)
        %dma_wait3A_479 = arith.constant 0 : i32
        %dma_wait3A_480 = tpu.memref_slice %arg10[%mul3A_2, %dma_wait3A_479] : memref<10008x128xf32, #tpu.memory_space<vmem_shared>> -> memref<632x128xf32, #tpu.memory_space<vmem_shared>>
        %dma_wait3A_481 = arith.constant 0 : i32
        %dma_wait3A_482 = tpu.memref_slice %arg4[%mul3A_2, %dma_wait3A_481] : memref<10008x128xf32, #tpu.memory_space<hbm>> -> memref<632x128xf32, #tpu.memory_space<hbm>>
        tpu.wait_dma2 semaphore(%run_scoped3A : memref<!tpu.dma_semaphore, #tpu.memory_space<semaphore_mem>>) src(%dma_wait3A_482 : memref<632x128xf32, #tpu.memory_space<hbm>>) dst(%dma_wait3A_480 : memref<632x128xf32, #tpu.memory_space<vmem_shared>>)
        tpu.yield
      }) : () -> ()
    } else {
    }
    %eq3A = arith.constant 15 : i32
    %eq3A_7 = arith.cmpi eq, %arg1, %eq3A : i32
    %convert_element_type3A_8 = arith.extui %eq3A_7 : i1 to i32
    %cond3A_9 = arith.constant 0 : i32
    %cond3A_10 = arith.cmpi ne, %convert_element_type3A_8, %cond3A_9 : i32
    scf.if %cond3A_10 {
      "tpu.region"() ({
        %run_scoped3A = tpu.sem_alloc : memref<!tpu.dma_semaphore, #tpu.memory_space<semaphore_mem>>
        %dma_start3A_475 = arith.constant 0 : i32
        %dma_start3A_476 = tpu.memref_slice %arg10[%mul3A_2, %dma_start3A_475] : memref<10008x128xf32, #tpu.memory_space<vmem_shared>> -> memref<528x128xf32, #tpu.memory_space<vmem_shared>>
        %dma_start3A_477 = arith.constant 0 : i32
        %dma_start3A_478 = tpu.memref_slice %arg4[%mul3A_2, %dma_start3A_477] : memref<10008x128xf32, #tpu.memory_space<hbm>> -> memref<528x128xf32, #tpu.memory_space<hbm>>
        tpu.enqueue_dma source(%dma_start3A_478 : memref<528x128xf32, #tpu.memory_space<hbm>>) target(%dma_start3A_476 : memref<528x128xf32, #tpu.memory_space<vmem_shared>>) target_semaphore(%run_scoped3A : memref<!tpu.dma_semaphore, #tpu.memory_space<semaphore_mem>>)
        %dma_wait3A_479 = arith.constant 0 : i32
        %dma_wait3A_480 = tpu.memref_slice %arg10[%mul3A_2, %dma_wait3A_479] : memref<10008x128xf32, #tpu.memory_space<vmem_shared>> -> memref<528x128xf32, #tpu.memory_space<vmem_shared>>
        %dma_wait3A_481 = arith.constant 0 : i32
        %dma_wait3A_482 = tpu.memref_slice %arg4[%mul3A_2, %dma_wait3A_481] : memref<10008x128xf32, #tpu.memory_space<hbm>> -> memref<528x128xf32, #tpu.memory_space<hbm>>
        tpu.wait_dma2 semaphore(%run_scoped3A : memref<!tpu.dma_semaphore, #tpu.memory_space<semaphore_mem>>) src(%dma_wait3A_482 : memref<528x128xf32, #tpu.memory_space<hbm>>) dst(%dma_wait3A_480 : memref<528x128xf32, #tpu.memory_space<vmem_shared>>)
        tpu.yield
      }) : () -> ()
    } else {
    }
    %barrier3A = arith.constant 0 : index
    tpu.barrier barrier_id(%barrier3A)
    %add3A_11 = arith.constant 0 : i32
    %add3A_12 = arith.addi %mul3A_4, %add3A_11 : i32
    %dma_start3A = arith.constant 0 : i32
    %dma_start3A_13 = arith.constant 0 : i32
    %dma_start3A_14 = arith.constant 0 : i32
    %dma_start3A_15 = tpu.memref_slice %arg6[%dma_start3A, %dma_start3A_14] : memref<7x48xi32, #tpu.memory_space<vmem>> -> memref<1x48xi32, #tpu.memory_space<vmem>>
    %dma_start3A_16 = tpu.memref_squeeze %dma_start3A_15 : memref<1x48xi32, #tpu.memory_space<vmem>> -> memref<48xi32, #tpu.memory_space<vmem>>
    %dma_start3A_17 = tpu.memref_slice %arg3[%add3A_12] : memref<333312xi32, #tpu.memory_space<hbm>> -> memref<48xi32, #tpu.memory_space<hbm>>
    %dma_start3A_18 = tpu.memref_slice %arg11[%dma_start3A_13] : memref<7x!tpu.dma_semaphore, #tpu.memory_space<semaphore_mem>> -> memref<1x!tpu.dma_semaphore, #tpu.memory_space<semaphore_mem>>
    %dma_start3A_19 = tpu.memref_squeeze %dma_start3A_18 : memref<1x!tpu.dma_semaphore, #tpu.memory_space<semaphore_mem>> -> memref<!tpu.dma_semaphore, #tpu.memory_space<semaphore_mem>>
    %dma_start3A_20 = arith.constant 0 : i32
    %dma_start3A_21 = tpu.memref_slice %arg6[%dma_start3A, %dma_start3A_20] : memref<7x48xi32, #tpu.memory_space<vmem>> -> memref<1x48xi32, #tpu.memory_space<vmem>>
    %dma_start3A_22 = tpu.memref_squeeze %dma_start3A_21 : memref<1x48xi32, #tpu.memory_space<vmem>> -> memref<48xi32, #tpu.memory_space<vmem>>
    %dma_start3A_23 = tpu.memref_slice %arg3[%add3A_12] : memref<333312xi32, #tpu.memory_space<hbm>> -> memref<48xi32, #tpu.memory_space<hbm>>
    tpu.enqueue_dma source(%dma_start3A_23 : memref<48xi32, #tpu.memory_space<hbm>>) target(%dma_start3A_22 : memref<48xi32, #tpu.memory_space<vmem>>) target_semaphore(%dma_start3A_19 : memref<!tpu.dma_semaphore, #tpu.memory_space<semaphore_mem>>)
    %add3A_24 = arith.constant 48 : i32
    %add3A_25 = arith.addi %mul3A_4, %add3A_24 : i32
    %dma_start3A_26 = arith.constant 1 : i32
    %dma_start3A_27 = arith.constant 1 : i32
    %dma_start3A_28 = arith.constant 0 : i32
    %dma_start3A_29 = tpu.memref_slice %arg6[%dma_start3A_26, %dma_start3A_28] : memref<7x48xi32, #tpu.memory_space<vmem>> -> memref<1x48xi32, #tpu.memory_space<vmem>>
    %dma_start3A_30 = tpu.memref_squeeze %dma_start3A_29 : memref<1x48xi32, #tpu.memory_space<vmem>> -> memref<48xi32, #tpu.memory_space<vmem>>
    %dma_start3A_31 = tpu.memref_slice %arg3[%add3A_25] : memref<333312xi32, #tpu.memory_space<hbm>> -> memref<48xi32, #tpu.memory_space<hbm>>
    %dma_start3A_32 = tpu.memref_slice %arg11[%dma_start3A_27] : memref<7x!tpu.dma_semaphore, #tpu.memory_space<semaphore_mem>> -> memref<1x!tpu.dma_semaphore, #tpu.memory_space<semaphore_mem>>
    %dma_start3A_33 = tpu.memref_squeeze %dma_start3A_32 : memref<1x!tpu.dma_semaphore, #tpu.memory_space<semaphore_mem>> -> memref<!tpu.dma_semaphore, #tpu.memory_space<semaphore_mem>>
    %dma_start3A_34 = arith.constant 0 : i32
    %dma_start3A_35 = tpu.memref_slice %arg6[%dma_start3A_26, %dma_start3A_34] : memref<7x48xi32, #tpu.memory_space<vmem>> -> memref<1x48xi32, #tpu.memory_space<vmem>>
    %dma_start3A_36 = tpu.memref_squeeze %dma_start3A_35 : memref<1x48xi32, #tpu.memory_space<vmem>> -> memref<48xi32, #tpu.memory_space<vmem>>
    %dma_start3A_37 = tpu.memref_slice %arg3[%add3A_25] : memref<333312xi32, #tpu.memory_space<hbm>> -> memref<48xi32, #tpu.memory_space<hbm>>
    tpu.enqueue_dma source(%dma_start3A_37 : memref<48xi32, #tpu.memory_space<hbm>>) target(%dma_start3A_36 : memref<48xi32, #tpu.memory_space<vmem>>) target_semaphore(%dma_start3A_33 : memref<!tpu.dma_semaphore, #tpu.memory_space<semaphore_mem>>)
    %add3A_38 = arith.constant 96 : i32
    %add3A_39 = arith.addi %mul3A_4, %add3A_38 : i32
    %dma_start3A_40 = arith.constant 2 : i32
    %dma_start3A_41 = arith.constant 2 : i32
    %dma_start3A_42 = arith.constant 0 : i32
    %dma_start3A_43 = tpu.memref_slice %arg6[%dma_start3A_40, %dma_start3A_42] : memref<7x48xi32, #tpu.memory_space<vmem>> -> memref<1x48xi32, #tpu.memory_space<vmem>>
    %dma_start3A_44 = tpu.memref_squeeze %dma_start3A_43 : memref<1x48xi32, #tpu.memory_space<vmem>> -> memref<48xi32, #tpu.memory_space<vmem>>
    %dma_start3A_45 = tpu.memref_slice %arg3[%add3A_39] : memref<333312xi32, #tpu.memory_space<hbm>> -> memref<48xi32, #tpu.memory_space<hbm>>
    %dma_start3A_46 = tpu.memref_slice %arg11[%dma_start3A_41] : memref<7x!tpu.dma_semaphore, #tpu.memory_space<semaphore_mem>> -> memref<1x!tpu.dma_semaphore, #tpu.memory_space<semaphore_mem>>
    %dma_start3A_47 = tpu.memref_squeeze %dma_start3A_46 : memref<1x!tpu.dma_semaphore, #tpu.memory_space<semaphore_mem>> -> memref<!tpu.dma_semaphore, #tpu.memory_space<semaphore_mem>>
    %dma_start3A_48 = arith.constant 0 : i32
    %dma_start3A_49 = tpu.memref_slice %arg6[%dma_start3A_40, %dma_start3A_48] : memref<7x48xi32, #tpu.memory_space<vmem>> -> memref<1x48xi32, #tpu.memory_space<vmem>>
    %dma_start3A_50 = tpu.memref_squeeze %dma_start3A_49 : memref<1x48xi32, #tpu.memory_space<vmem>> -> memref<48xi32, #tpu.memory_space<vmem>>
    %dma_start3A_51 = tpu.memref_slice %arg3[%add3A_39] : memref<333312xi32, #tpu.memory_space<hbm>> -> memref<48xi32, #tpu.memory_space<hbm>>
    tpu.enqueue_dma source(%dma_start3A_51 : memref<48xi32, #tpu.memory_space<hbm>>) target(%dma_start3A_50 : memref<48xi32, #tpu.memory_space<vmem>>) target_semaphore(%dma_start3A_47 : memref<!tpu.dma_semaphore, #tpu.memory_space<semaphore_mem>>)
    %add3A_52 = arith.constant 144 : i32
    %add3A_53 = arith.addi %mul3A_4, %add3A_52 : i32
    %dma_start3A_54 = arith.constant 3 : i32
    %dma_start3A_55 = arith.constant 3 : i32
    %dma_start3A_56 = arith.constant 0 : i32
    %dma_start3A_57 = tpu.memref_slice %arg6[%dma_start3A_54, %dma_start3A_56] : memref<7x48xi32, #tpu.memory_space<vmem>> -> memref<1x48xi32, #tpu.memory_space<vmem>>
    %dma_start3A_58 = tpu.memref_squeeze %dma_start3A_57 : memref<1x48xi32, #tpu.memory_space<vmem>> -> memref<48xi32, #tpu.memory_space<vmem>>
    %dma_start3A_59 = tpu.memref_slice %arg3[%add3A_53] : memref<333312xi32, #tpu.memory_space<hbm>> -> memref<48xi32, #tpu.memory_space<hbm>>
    %dma_start3A_60 = tpu.memref_slice %arg11[%dma_start3A_55] : memref<7x!tpu.dma_semaphore, #tpu.memory_space<semaphore_mem>> -> memref<1x!tpu.dma_semaphore, #tpu.memory_space<semaphore_mem>>
    %dma_start3A_61 = tpu.memref_squeeze %dma_start3A_60 : memref<1x!tpu.dma_semaphore, #tpu.memory_space<semaphore_mem>> -> memref<!tpu.dma_semaphore, #tpu.memory_space<semaphore_mem>>
    %dma_start3A_62 = arith.constant 0 : i32
    %dma_start3A_63 = tpu.memref_slice %arg6[%dma_start3A_54, %dma_start3A_62] : memref<7x48xi32, #tpu.memory_space<vmem>> -> memref<1x48xi32, #tpu.memory_space<vmem>>
    %dma_start3A_64 = tpu.memref_squeeze %dma_start3A_63 : memref<1x48xi32, #tpu.memory_space<vmem>> -> memref<48xi32, #tpu.memory_space<vmem>>
    %dma_start3A_65 = tpu.memref_slice %arg3[%add3A_53] : memref<333312xi32, #tpu.memory_space<hbm>> -> memref<48xi32, #tpu.memory_space<hbm>>
    tpu.enqueue_dma source(%dma_start3A_65 : memref<48xi32, #tpu.memory_space<hbm>>) target(%dma_start3A_64 : memref<48xi32, #tpu.memory_space<vmem>>) target_semaphore(%dma_start3A_61 : memref<!tpu.dma_semaphore, #tpu.memory_space<semaphore_mem>>)
    %add3A_66 = arith.constant 0 : i32
    %add3A_67 = arith.addi %mul3A_4, %add3A_66 : i32
    %dma_wait3A = arith.constant 0 : i32
    %dma_wait3A_68 = arith.constant 0 : i32
    %dma_wait3A_69 = arith.constant 0 : i32
    %dma_wait3A_70 = tpu.memref_slice %arg6[%dma_wait3A, %dma_wait3A_69] : memref<7x48xi32, #tpu.memory_space<vmem>> -> memref<1x48xi32, #tpu.memory_space<vmem>>
    %dma_wait3A_71 = tpu.memref_squeeze %dma_wait3A_70 : memref<1x48xi32, #tpu.memory_space<vmem>> -> memref<48xi32, #tpu.memory_space<vmem>>
    %dma_wait3A_72 = tpu.memref_slice %arg3[%add3A_67] : memref<333312xi32, #tpu.memory_space<hbm>> -> memref<48xi32, #tpu.memory_space<hbm>>
    %dma_wait3A_73 = tpu.memref_slice %arg11[%dma_wait3A_68] : memref<7x!tpu.dma_semaphore, #tpu.memory_space<semaphore_mem>> -> memref<1x!tpu.dma_semaphore, #tpu.memory_space<semaphore_mem>>
    %dma_wait3A_74 = tpu.memref_squeeze %dma_wait3A_73 : memref<1x!tpu.dma_semaphore, #tpu.memory_space<semaphore_mem>> -> memref<!tpu.dma_semaphore, #tpu.memory_space<semaphore_mem>>
    %dma_wait3A_75 = arith.constant 0 : i32
    %dma_wait3A_76 = tpu.memref_slice %arg6[%dma_wait3A, %dma_wait3A_75] : memref<7x48xi32, #tpu.memory_space<vmem>> -> memref<1x48xi32, #tpu.memory_space<vmem>>
    %dma_wait3A_77 = tpu.memref_squeeze %dma_wait3A_76 : memref<1x48xi32, #tpu.memory_space<vmem>> -> memref<48xi32, #tpu.memory_space<vmem>>
    %dma_wait3A_78 = tpu.memref_slice %arg3[%add3A_67] : memref<333312xi32, #tpu.memory_space<hbm>> -> memref<48xi32, #tpu.memory_space<hbm>>
    tpu.wait_dma2 semaphore(%dma_wait3A_74 : memref<!tpu.dma_semaphore, #tpu.memory_space<semaphore_mem>>) src(%dma_wait3A_78 : memref<48xi32, #tpu.memory_space<hbm>>) dst(%dma_wait3A_77 : memref<48xi32, #tpu.memory_space<vmem>>)
    %get3A = arith.constant 0 : i32
    %get3A_79 = arith.index_cast %get3A : i32 to index
    %get3A_80 = arith.constant 0 : index
    %get3A_81 = tpu.vector_load %arg6[%get3A_79, %get3A_80] {strides = array<i32>} : memref<7x48xi32, #tpu.memory_space<vmem>>, vector<1x16xi32>,
    %get3A_82 = vector.shape_cast %get3A_81 : vector<1x16xi32> to vector<16xi32>
    %and3A = arith.constant 65535 : i32
    %and3A_83 = vector.broadcast %and3A : i32 to vector<16xi32>
    %and3A_84 = arith.andi %get3A_82, %and3A_83 : vector<16xi32>
    %swap3A = arith.constant 0 : i32
    %swap3A_85 = arith.index_cast %swap3A : i32 to index
    %swap3A_86 = arith.constant 0 : index
    %swap3A_87 = tpu.vector_load %arg7[%swap3A_85, %swap3A_86] {strides = array<i32>} : memref<7x48xi32, #tpu.memory_space<vmem>>, vector<1x16xi32>,
    %swap3A_88 = vector.shape_cast %swap3A_87 : vector<1x16xi32> to vector<16xi32>
    %swap3A_89 = vector.shape_cast %and3A_84 : vector<16xi32> to vector<1x16xi32>
    tpu.vector_store %arg7[%swap3A_85, %swap3A_86], %swap3A_89 {strides = array<i32>} : memref<7x48xi32, #tpu.memory_space<vmem>>, vector<1x16xi32>,
    %shift_right_arithmetic3A = arith.constant 16 : i32
    %shift_right_arithmetic3A_90 = vector.broadcast %shift_right_arithmetic3A : i32 to vector<16xi32>
    %shift_right_arithmetic3A_91 = arith.shrsi %get3A_82, %shift_right_arithmetic3A_90 : vector<16xi32>
    %swap3A_92 = arith.constant 0 : i32
    %swap3A_93 = arith.index_cast %swap3A_92 : i32 to index
    %swap3A_94 = arith.constant 0 : index
    %swap3A_95 = tpu.vector_load %arg8[%swap3A_93, %swap3A_94] {strides = array<i32>} : memref<7x48xi32, #tpu.memory_space<vmem>>, vector<1x16xi32>,
    %swap3A_96 = vector.shape_cast %swap3A_95 : vector<1x16xi32> to vector<16xi32>
    %swap3A_97 = vector.shape_cast %shift_right_arithmetic3A_91 : vector<16xi32> to vector<1x16xi32>
    tpu.vector_store %arg8[%swap3A_93, %swap3A_94], %swap3A_97 {strides = array<i32>} : memref<7x48xi32, #tpu.memory_space<vmem>>, vector<1x16xi32>,
    %get3A_98 = arith.constant 0 : i32
    %get3A_99 = arith.index_cast %get3A_98 : i32 to index
    %get3A_100 = arith.constant 16 : index
    %get3A_101 = tpu.vector_load %arg6[%get3A_99, %get3A_100] {strides = array<i32>} : memref<7x48xi32, #tpu.memory_space<vmem>>, vector<1x16xi32>,
    %get3A_102 = vector.shape_cast %get3A_101 : vector<1x16xi32> to vector<16xi32>
    %and3A_103 = arith.constant 65535 : i32
    %and3A_104 = vector.broadcast %and3A_103 : i32 to vector<16xi32>
    %and3A_105 = arith.andi %get3A_102, %and3A_104 : vector<16xi32>
    %swap3A_106 = arith.constant 0 : i32
    %swap3A_107 = arith.index_cast %swap3A_106 : i32 to index
    %swap3A_108 = arith.constant 16 : index
    %swap3A_109 = tpu.vector_load %arg7[%swap3A_107, %swap3A_108] {strides = array<i32>} : memref<7x48xi32, #tpu.memory_space<vmem>>, vector<1x16xi32>,
    %swap3A_110 = vector.shape_cast %swap3A_109 : vector<1x16xi32> to vector<16xi32>
    %swap3A_111 = vector.shape_cast %and3A_105 : vector<16xi32> to vector<1x16xi32>
    tpu.vector_store %arg7[%swap3A_107, %swap3A_108], %swap3A_111 {strides = array<i32>} : memref<7x48xi32, #tpu.memory_space<vmem>>, vector<1x16xi32>,
    %shift_right_arithmetic3A_112 = arith.constant 16 : i32
    %shift_right_arithmetic3A_113 = vector.broadcast %shift_right_arithmetic3A_112 : i32 to vector<16xi32>
    %shift_right_arithmetic3A_114 = arith.shrsi %get3A_102, %shift_right_arithmetic3A_113 : vector<16xi32>
    %swap3A_115 = arith.constant 0 : i32
    %swap3A_116 = arith.index_cast %swap3A_115 : i32 to index
    %swap3A_117 = arith.constant 16 : index
    %swap3A_118 = tpu.vector_load %arg8[%swap3A_116, %swap3A_117] {strides = array<i32>} : memref<7x48xi32, #tpu.memory_space<vmem>>, vector<1x16xi32>,
    %swap3A_119 = vector.shape_cast %swap3A_118 : vector<1x16xi32> to vector<16xi32>
    %swap3A_120 = vector.shape_cast %shift_right_arithmetic3A_114 : vector<16xi32> to vector<1x16xi32>
    tpu.vector_store %arg8[%swap3A_116, %swap3A_117], %swap3A_120 {strides = array<i32>} : memref<7x48xi32, #tpu.memory_space<vmem>>, vector<1x16xi32>,
    %get3A_121 = arith.constant 0 : i32
    %get3A_122 = arith.index_cast %get3A_121 : i32 to index
    %get3A_123 = arith.constant 32 : index
    %get3A_124 = tpu.vector_load %arg6[%get3A_122, %get3A_123] {strides = array<i32>} : memref<7x48xi32, #tpu.memory_space<vmem>>, vector<1x16xi32>,
    %get3A_125 = vector.shape_cast %get3A_124 : vector<1x16xi32> to vector<16xi32>
    %and3A_126 = arith.constant 65535 : i32
    %and3A_127 = vector.broadcast %and3A_126 : i32 to vector<16xi32>
    %and3A_128 = arith.andi %get3A_125, %and3A_127 : vector<16xi32>
    %swap3A_129 = arith.constant 0 : i32
    %swap3A_130 = arith.index_cast %swap3A_129 : i32 to index
    %swap3A_131 = arith.constant 32 : index
    %swap3A_132 = tpu.vector_load %arg7[%swap3A_130, %swap3A_131] {strides = array<i32>} : memref<7x48xi32, #tpu.memory_space<vmem>>, vector<1x16xi32>,
    %swap3A_133 = vector.shape_cast %swap3A_132 : vector<1x16xi32> to vector<16xi32>
    %swap3A_134 = vector.shape_cast %and3A_128 : vector<16xi32> to vector<1x16xi32>
    tpu.vector_store %arg7[%swap3A_130, %swap3A_131], %swap3A_134 {strides = array<i32>} : memref<7x48xi32, #tpu.memory_space<vmem>>, vector<1x16xi32>,
    %shift_right_arithmetic3A_135 = arith.constant 16 : i32
    %shift_right_arithmetic3A_136 = vector.broadcast %shift_right_arithmetic3A_135 : i32 to vector<16xi32>
    %shift_right_arithmetic3A_137 = arith.shrsi %get3A_125, %shift_right_arithmetic3A_136 : vector<16xi32>
    %swap3A_138 = arith.constant 0 : i32
    %swap3A_139 = arith.index_cast %swap3A_138 : i32 to index
    %swap3A_140 = arith.constant 32 : index
    %swap3A_141 = tpu.vector_load %arg8[%swap3A_139, %swap3A_140] {strides = array<i32>} : memref<7x48xi32, #tpu.memory_space<vmem>>, vector<1x16xi32>,
    %swap3A_142 = vector.shape_cast %swap3A_141 : vector<1x16xi32> to vector<16xi32>
    %swap3A_143 = vector.shape_cast %shift_right_arithmetic3A_137 : vector<16xi32> to vector<1x16xi32>
    tpu.vector_store %arg8[%swap3A_139, %swap3A_140], %swap3A_143 {strides = array<i32>} : memref<7x48xi32, #tpu.memory_space<vmem>>, vector<1x16xi32>,
    %dma_start3A_144 = arith.constant 0 : i32
    %dma_start3A_145 = arith.constant 0 : i32
    %dma_start3A_146 = arith.constant 0 : i32
    %dma_start3A_147 = arith.constant 0 : i32
    %dma_start3A_148 = arith.constant 0 : i32
    %dma_start3A_149 = tpu.memref_slice %arg9[%dma_start3A_145, %dma_start3A_147, %dma_start3A_148] : memref<7x48x128xf32, #tpu.memory_space<vmem>> -> memref<1x48x128xf32, #tpu.memory_space<vmem>>
    %dma_start3A_150 = tpu.memref_squeeze %dma_start3A_149 : memref<1x48x128xf32, #tpu.memory_space<vmem>> -> memref<48x128xf32, #tpu.memory_space<vmem>>
    %dma_start3A_151 = arith.constant 0 : i32
    %dma_start3A_152 = tpu.memref_slice %arg7[%dma_start3A_144, %dma_start3A_151] : memref<7x48xi32, #tpu.memory_space<vmem>> -> memref<1x48xi32, #tpu.memory_space<vmem>>
    %dma_start3A_153 = tpu.memref_squeeze %dma_start3A_152 : memref<1x48xi32, #tpu.memory_space<vmem>> -> memref<48xi32, #tpu.memory_space<vmem>>
    %dma_start3A_154 = arith.constant 0 : i32
    %dma_start3A_155 = arith.constant 0 : i32
    %dma_start3A_156 = tpu.memref_slice %arg2[%dma_start3A_154, %dma_start3A_155] : memref<10000x128xf32, #tpu.memory_space<hbm>> -> memref<10000x128xf32, #tpu.memory_space<hbm>>
    %dma_start3A_157 = tpu.memref_slice %arg12[%dma_start3A_146] : memref<7x!tpu.dma_semaphore, #tpu.memory_space<semaphore_mem>> -> memref<1x!tpu.dma_semaphore, #tpu.memory_space<semaphore_mem>>
    %dma_start3A_158 = tpu.memref_squeeze %dma_start3A_157 : memref<1x!tpu.dma_semaphore, #tpu.memory_space<semaphore_mem>> -> memref<!tpu.dma_semaphore, #tpu.memory_space<semaphore_mem>>
    tpu.enqueue_indirect_dma source(%dma_start3A_156 : memref<10000x128xf32, #tpu.memory_space<hbm>>) target(%dma_start3A_150 : memref<48x128xf32, #tpu.memory_space<vmem>>) offsets(%dma_start3A_153 : memref<48xi32, #tpu.memory_space<vmem>>) semaphore(%dma_start3A_158 : memref<!tpu.dma_semaphore, #tpu.memory_space<semaphore_mem>>)
    %add3A_159 = arith.constant 48 : i32
    %add3A_160 = arith.addi %mul3A_4, %add3A_159 : i32
    %dma_wait3A_161 = arith.constant 1 : i32
    %dma_wait3A_162 = arith.constant 1 : i32
    %dma_wait3A_163 = arith.constant 0 : i32
    %dma_wait3A_164 = tpu.memref_slice %arg6[%dma_wait3A_161, %dma_wait3A_163] : memref<7x48xi32, #tpu.memory_space<vmem>> -> memref<1x48xi32, #tpu.memory_space<vmem>>
    %dma_wait3A_165 = tpu.memref_squeeze %dma_wait3A_164 : memref<1x48xi32, #tpu.memory_space<vmem>> -> memref<48xi32, #tpu.memory_space<vmem>>
    %dma_wait3A_166 = tpu.memref_slice %arg3[%add3A_160] : memref<333312xi32, #tpu.memory_space<hbm>> -> memref<48xi32, #tpu.memory_space<hbm>>
    %dma_wait3A_167 = tpu.memref_slice %arg11[%dma_wait3A_162] : memref<7x!tpu.dma_semaphore, #tpu.memory_space<semaphore_mem>> -> memref<1x!tpu.dma_semaphore, #tpu.memory_space<semaphore_mem>>
    %dma_wait3A_168 = tpu.memref_squeeze %dma_wait3A_167 : memref<1x!tpu.dma_semaphore, #tpu.memory_space<semaphore_mem>> -> memref<!tpu.dma_semaphore, #tpu.memory_space<semaphore_mem>>
    %dma_wait3A_169 = arith.constant 0 : i32
    %dma_wait3A_170 = tpu.memref_slice %arg6[%dma_wait3A_161, %dma_wait3A_169] : memref<7x48xi32, #tpu.memory_space<vmem>> -> memref<1x48xi32, #tpu.memory_space<vmem>>
    %dma_wait3A_171 = tpu.memref_squeeze %dma_wait3A_170 : memref<1x48xi32, #tpu.memory_space<vmem>> -> memref<48xi32, #tpu.memory_space<vmem>>
    %dma_wait3A_172 = tpu.memref_slice %arg3[%add3A_160] : memref<333312xi32, #tpu.memory_space<hbm>> -> memref<48xi32, #tpu.memory_space<hbm>>
    tpu.wait_dma2 semaphore(%dma_wait3A_168 : memref<!tpu.dma_semaphore, #tpu.memory_space<semaphore_mem>>) src(%dma_wait3A_172 : memref<48xi32, #tpu.memory_space<hbm>>) dst(%dma_wait3A_171 : memref<48xi32, #tpu.memory_space<vmem>>)
    %get3A_173 = arith.constant 1 : i32
    %get3A_174 = arith.index_cast %get3A_173 : i32 to index
    %get3A_175 = arith.constant 0 : index
    %get3A_176 = tpu.vector_load %arg6[%get3A_174, %get3A_175] {strides = array<i32>} : memref<7x48xi32, #tpu.memory_space<vmem>>, vector<1x16xi32>,
    %get3A_177 = vector.shape_cast %get3A_176 : vector<1x16xi32> to vector<16xi32>
    %and3A_178 = arith.constant 65535 : i32
    %and3A_179 = vector.broadcast %and3A_178 : i32 to vector<16xi32>
    %and3A_180 = arith.andi %get3A_177, %and3A_179 : vector<16xi32>
    %swap3A_181 = arith.constant 1 : i32
    %swap3A_182 = arith.index_cast %swap3A_181 : i32 to index
    %swap3A_183 = arith.constant 0 : index
    %swap3A_184 = tpu.vector_load %arg7[%swap3A_182, %swap3A_183] {strides = array<i32>} : memref<7x48xi32, #tpu.memory_space<vmem>>, vector<1x16xi32>,
    %swap3A_185 = vector.shape_cast %swap3A_184 : vector<1x16xi32> to vector<16xi32>
    %swap3A_186 = vector.shape_cast %and3A_180 : vector<16xi32> to vector<1x16xi32>
    tpu.vector_store %arg7[%swap3A_182, %swap3A_183], %swap3A_186 {strides = array<i32>} : memref<7x48xi32, #tpu.memory_space<vmem>>, vector<1x16xi32>,
    %shift_right_arithmetic3A_187 = arith.constant 16 : i32
    %shift_right_arithmetic3A_188 = vector.broadcast %shift_right_arithmetic3A_187 : i32 to vector<16xi32>
    %shift_right_arithmetic3A_189 = arith.shrsi %get3A_177, %shift_right_arithmetic3A_188 : vector<16xi32>
    %swap3A_190 = arith.constant 1 : i32
    %swap3A_191 = arith.index_cast %swap3A_190 : i32 to index
    %swap3A_192 = arith.constant 0 : index
    %swap3A_193 = tpu.vector_load %arg8[%swap3A_191, %swap3A_192] {strides = array<i32>} : memref<7x48xi32, #tpu.memory_space<vmem>>, vector<1x16xi32>,
    %swap3A_194 = vector.shape_cast %swap3A_193 : vector<1x16xi32> to vector<16xi32>
    %swap3A_195 = vector.shape_cast %shift_right_arithmetic3A_189 : vector<16xi32> to vector<1x16xi32>
    tpu.vector_store %arg8[%swap3A_191, %swap3A_192], %swap3A_195 {strides = array<i32>} : memref<7x48xi32, #tpu.memory_space<vmem>>, vector<1x16xi32>,
    %get3A_196 = arith.constant 1 : i32
    %get3A_197 = arith.index_cast %get3A_196 : i32 to index
    %get3A_198 = arith.constant 16 : index
    %get3A_199 = tpu.vector_load %arg6[%get3A_197, %get3A_198] {strides = array<i32>} : memref<7x48xi32, #tpu.memory_space<vmem>>, vector<1x16xi32>,
    %get3A_200 = vector.shape_cast %get3A_199 : vector<1x16xi32> to vector<16xi32>
    %and3A_201 = arith.constant 65535 : i32
    %and3A_202 = vector.broadcast %and3A_201 : i32 to vector<16xi32>
    %and3A_203 = arith.andi %get3A_200, %and3A_202 : vector<16xi32>
    %swap3A_204 = arith.constant 1 : i32
    %swap3A_205 = arith.index_cast %swap3A_204 : i32 to index
    %swap3A_206 = arith.constant 16 : index
    %swap3A_207 = tpu.vector_load %arg7[%swap3A_205, %swap3A_206] {strides = array<i32>} : memref<7x48xi32, #tpu.memory_space<vmem>>, vector<1x16xi32>,
    %swap3A_208 = vector.shape_cast %swap3A_207 : vector<1x16xi32> to vector<16xi32>
    %swap3A_209 = vector.shape_cast %and3A_203 : vector<16xi32> to vector<1x16xi32>
    tpu.vector_store %arg7[%swap3A_205, %swap3A_206], %swap3A_209 {strides = array<i32>} : memref<7x48xi32, #tpu.memory_space<vmem>>, vector<1x16xi32>,
    %shift_right_arithmetic3A_210 = arith.constant 16 : i32
    %shift_right_arithmetic3A_211 = vector.broadcast %shift_right_arithmetic3A_210 : i32 to vector<16xi32>
    %shift_right_arithmetic3A_212 = arith.shrsi %get3A_200, %shift_right_arithmetic3A_211 : vector<16xi32>
    %swap3A_213 = arith.constant 1 : i32
    %swap3A_214 = arith.index_cast %swap3A_213 : i32 to index
    %swap3A_215 = arith.constant 16 : index
    %swap3A_216 = tpu.vector_load %arg8[%swap3A_214, %swap3A_215] {strides = array<i32>} : memref<7x48xi32, #tpu.memory_space<vmem>>, vector<1x16xi32>,
    %swap3A_217 = vector.shape_cast %swap3A_216 : vector<1x16xi32> to vector<16xi32>
    %swap3A_218 = vector.shape_cast %shift_right_arithmetic3A_212 : vector<16xi32> to vector<1x16xi32>
    tpu.vector_store %arg8[%swap3A_214, %swap3A_215], %swap3A_218 {strides = array<i32>} : memref<7x48xi32, #tpu.memory_space<vmem>>, vector<1x16xi32>,
    %get3A_219 = arith.constant 1 : i32
    %get3A_220 = arith.index_cast %get3A_219 : i32 to index
    %get3A_221 = arith.constant 32 : index
    %get3A_222 = tpu.vector_load %arg6[%get3A_220, %get3A_221] {strides = array<i32>} : memref<7x48xi32, #tpu.memory_space<vmem>>, vector<1x16xi32>,
    %get3A_223 = vector.shape_cast %get3A_222 : vector<1x16xi32> to vector<16xi32>
    %and3A_224 = arith.constant 65535 : i32
    %and3A_225 = vector.broadcast %and3A_224 : i32 to vector<16xi32>
    %and3A_226 = arith.andi %get3A_223, %and3A_225 : vector<16xi32>
    %swap3A_227 = arith.constant 1 : i32
    %swap3A_228 = arith.index_cast %swap3A_227 : i32 to index
    %swap3A_229 = arith.constant 32 : index
    %swap3A_230 = tpu.vector_load %arg7[%swap3A_228, %swap3A_229] {strides = array<i32>} : memref<7x48xi32, #tpu.memory_space<vmem>>, vector<1x16xi32>,
    %swap3A_231 = vector.shape_cast %swap3A_230 : vector<1x16xi32> to vector<16xi32>
    %swap3A_232 = vector.shape_cast %and3A_226 : vector<16xi32> to vector<1x16xi32>
    tpu.vector_store %arg7[%swap3A_228, %swap3A_229], %swap3A_232 {strides = array<i32>} : memref<7x48xi32, #tpu.memory_space<vmem>>, vector<1x16xi32>,
    %shift_right_arithmetic3A_233 = arith.constant 16 : i32
    %shift_right_arithmetic3A_234 = vector.broadcast %shift_right_arithmetic3A_233 : i32 to vector<16xi32>
    %shift_right_arithmetic3A_235 = arith.shrsi %get3A_223, %shift_right_arithmetic3A_234 : vector<16xi32>
    %swap3A_236 = arith.constant 1 : i32
    %swap3A_237 = arith.index_cast %swap3A_236 : i32 to index
    %swap3A_238 = arith.constant 32 : index
    %swap3A_239 = tpu.vector_load %arg8[%swap3A_237, %swap3A_238] {strides = array<i32>} : memref<7x48xi32, #tpu.memory_space<vmem>>, vector<1x16xi32>,
    %swap3A_240 = vector.shape_cast %swap3A_239 : vector<1x16xi32> to vector<16xi32>
    %swap3A_241 = vector.shape_cast %shift_right_arithmetic3A_235 : vector<16xi32> to vector<1x16xi32>
    tpu.vector_store %arg8[%swap3A_237, %swap3A_238], %swap3A_241 {strides = array<i32>} : memref<7x48xi32, #tpu.memory_space<vmem>>, vector<1x16xi32>,
    %dma_start3A_242 = arith.constant 1 : i32
    %dma_start3A_243 = arith.constant 1 : i32
    %dma_start3A_244 = arith.constant 1 : i32
    %dma_start3A_245 = arith.constant 0 : i32
    %dma_start3A_246 = arith.constant 0 : i32
    %dma_start3A_247 = tpu.memref_slice %arg9[%dma_start3A_243, %dma_start3A_245, %dma_start3A_246] : memref<7x48x128xf32, #tpu.memory_space<vmem>> -> memref<1x48x128xf32, #tpu.memory_space<vmem>>
    %dma_start3A_248 = tpu.memref_squeeze %dma_start3A_247 : memref<1x48x128xf32, #tpu.memory_space<vmem>> -> memref<48x128xf32, #tpu.memory_space<vmem>>
    %dma_start3A_249 = arith.constant 0 : i32
    %dma_start3A_250 = tpu.memref_slice %arg7[%dma_start3A_242, %dma_start3A_249] : memref<7x48xi32, #tpu.memory_space<vmem>> -> memref<1x48xi32, #tpu.memory_space<vmem>>
    %dma_start3A_251 = tpu.memref_squeeze %dma_start3A_250 : memref<1x48xi32, #tpu.memory_space<vmem>> -> memref<48xi32, #tpu.memory_space<vmem>>
    %dma_start3A_252 = arith.constant 0 : i32
    %dma_start3A_253 = arith.constant 0 : i32
    %dma_start3A_254 = tpu.memref_slice %arg2[%dma_start3A_252, %dma_start3A_253] : memref<10000x128xf32, #tpu.memory_space<hbm>> -> memref<10000x128xf32, #tpu.memory_space<hbm>>
    %dma_start3A_255 = tpu.memref_slice %arg12[%dma_start3A_244] : memref<7x!tpu.dma_semaphore, #tpu.memory_space<semaphore_mem>> -> memref<1x!tpu.dma_semaphore, #tpu.memory_space<semaphore_mem>>
    %dma_start3A_256 = tpu.memref_squeeze %dma_start3A_255 : memref<1x!tpu.dma_semaphore, #tpu.memory_space<semaphore_mem>> -> memref<!tpu.dma_semaphore, #tpu.memory_space<semaphore_mem>>
    tpu.enqueue_indirect_dma source(%dma_start3A_254 : memref<10000x128xf32, #tpu.memory_space<hbm>>) target(%dma_start3A_248 : memref<48x128xf32, #tpu.memory_space<vmem>>) offsets(%dma_start3A_251 : memref<48xi32, #tpu.memory_space<vmem>>) semaphore(%dma_start3A_256 : memref<!tpu.dma_semaphore, #tpu.memory_space<semaphore_mem>>)
    %add3A_257 = arith.constant 96 : i32
    %add3A_258 = arith.addi %mul3A_4, %add3A_257 : i32
    %dma_wait3A_259 = arith.constant 2 : i32
    %dma_wait3A_260 = arith.constant 2 : i32
    %dma_wait3A_261 = arith.constant 0 : i32
    %dma_wait3A_262 = tpu.memref_slice %arg6[%dma_wait3A_259, %dma_wait3A_261] : memref<7x48xi32, #tpu.memory_space<vmem>> -> memref<1x48xi32, #tpu.memory_space<vmem>>
    %dma_wait3A_263 = tpu.memref_squeeze %dma_wait3A_262 : memref<1x48xi32, #tpu.memory_space<vmem>> -> memref<48xi32, #tpu.memory_space<vmem>>
    %dma_wait3A_264 = tpu.memref_slice %arg3[%add3A_258] : memref<333312xi32, #tpu.memory_space<hbm>> -> memref<48xi32, #tpu.memory_space<hbm>>
    %dma_wait3A_265 = tpu.memref_slice %arg11[%dma_wait3A_260] : memref<7x!tpu.dma_semaphore, #tpu.memory_space<semaphore_mem>> -> memref<1x!tpu.dma_semaphore, #tpu.memory_space<semaphore_mem>>
    %dma_wait3A_266 = tpu.memref_squeeze %dma_wait3A_265 : memref<1x!tpu.dma_semaphore, #tpu.memory_space<semaphore_mem>> -> memref<!tpu.dma_semaphore, #tpu.memory_space<semaphore_mem>>
    %dma_wait3A_267 = arith.constant 0 : i32
    %dma_wait3A_268 = tpu.memref_slice %arg6[%dma_wait3A_259, %dma_wait3A_267] : memref<7x48xi32, #tpu.memory_space<vmem>> -> memref<1x48xi32, #tpu.memory_space<vmem>>
    %dma_wait3A_269 = tpu.memref_squeeze %dma_wait3A_268 : memref<1x48xi32, #tpu.memory_space<vmem>> -> memref<48xi32, #tpu.memory_space<vmem>>
    %dma_wait3A_270 = tpu.memref_slice %arg3[%add3A_258] : memref<333312xi32, #tpu.memory_space<hbm>> -> memref<48xi32, #tpu.memory_space<hbm>>
    tpu.wait_dma2 semaphore(%dma_wait3A_266 : memref<!tpu.dma_semaphore, #tpu.memory_space<semaphore_mem>>) src(%dma_wait3A_270 : memref<48xi32, #tpu.memory_space<hbm>>) dst(%dma_wait3A_269 : memref<48xi32, #tpu.memory_space<vmem>>)
    %get3A_271 = arith.constant 2 : i32
    %get3A_272 = arith.index_cast %get3A_271 : i32 to index
    %get3A_273 = arith.constant 0 : index
    %get3A_274 = tpu.vector_load %arg6[%get3A_272, %get3A_273] {strides = array<i32>} : memref<7x48xi32, #tpu.memory_space<vmem>>, vector<1x16xi32>,
    %get3A_275 = vector.shape_cast %get3A_274 : vector<1x16xi32> to vector<16xi32>
    %and3A_276 = arith.constant 65535 : i32
    %and3A_277 = vector.broadcast %and3A_276 : i32 to vector<16xi32>
    %and3A_278 = arith.andi %get3A_275, %and3A_277 : vector<16xi32>
    %swap3A_279 = arith.constant 2 : i32
    %swap3A_280 = arith.index_cast %swap3A_279 : i32 to index
    %swap3A_281 = arith.constant 0 : index
    %swap3A_282 = tpu.vector_load %arg7[%swap3A_280, %swap3A_281] {strides = array<i32>} : memref<7x48xi32, #tpu.memory_space<vmem>>, vector<1x16xi32>,
    %swap3A_283 = vector.shape_cast %swap3A_282 : vector<1x16xi32> to vector<16xi32>
    %swap3A_284 = vector.shape_cast %and3A_278 : vector<16xi32> to vector<1x16xi32>
    tpu.vector_store %arg7[%swap3A_280, %swap3A_281], %swap3A_284 {strides = array<i32>} : memref<7x48xi32, #tpu.memory_space<vmem>>, vector<1x16xi32>,
    %shift_right_arithmetic3A_285 = arith.constant 16 : i32
    %shift_right_arithmetic3A_286 = vector.broadcast %shift_right_arithmetic3A_285 : i32 to vector<16xi32>
    %shift_right_arithmetic3A_287 = arith.shrsi %get3A_275, %shift_right_arithmetic3A_286 : vector<16xi32>
    %swap3A_288 = arith.constant 2 : i32
    %swap3A_289 = arith.index_cast %swap3A_288 : i32 to index
    %swap3A_290 = arith.constant 0 : index
    %swap3A_291 = tpu.vector_load %arg8[%swap3A_289, %swap3A_290] {strides = array<i32>} : memref<7x48xi32, #tpu.memory_space<vmem>>, vector<1x16xi32>,
    %swap3A_292 = vector.shape_cast %swap3A_291 : vector<1x16xi32> to vector<16xi32>
    %swap3A_293 = vector.shape_cast %shift_right_arithmetic3A_287 : vector<16xi32> to vector<1x16xi32>
    tpu.vector_store %arg8[%swap3A_289, %swap3A_290], %swap3A_293 {strides = array<i32>} : memref<7x48xi32, #tpu.memory_space<vmem>>, vector<1x16xi32>,
    %get3A_294 = arith.constant 2 : i32
    %get3A_295 = arith.index_cast %get3A_294 : i32 to index
    %get3A_296 = arith.constant 16 : index
    %get3A_297 = tpu.vector_load %arg6[%get3A_295, %get3A_296] {strides = array<i32>} : memref<7x48xi32, #tpu.memory_space<vmem>>, vector<1x16xi32>,
    %get3A_298 = vector.shape_cast %get3A_297 : vector<1x16xi32> to vector<16xi32>
    %and3A_299 = arith.constant 65535 : i32
    %and3A_300 = vector.broadcast %and3A_299 : i32 to vector<16xi32>
    %and3A_301 = arith.andi %get3A_298, %and3A_300 : vector<16xi32>
    %swap3A_302 = arith.constant 2 : i32
    %swap3A_303 = arith.index_cast %swap3A_302 : i32 to index
    %swap3A_304 = arith.constant 16 : index
    %swap3A_305 = tpu.vector_load %arg7[%swap3A_303, %swap3A_304] {strides = array<i32>} : memref<7x48xi32, #tpu.memory_space<vmem>>, vector<1x16xi32>,
    %swap3A_306 = vector.shape_cast %swap3A_305 : vector<1x16xi32> to vector<16xi32>
    %swap3A_307 = vector.shape_cast %and3A_301 : vector<16xi32> to vector<1x16xi32>
    tpu.vector_store %arg7[%swap3A_303, %swap3A_304], %swap3A_307 {strides = array<i32>} : memref<7x48xi32, #tpu.memory_space<vmem>>, vector<1x16xi32>,
    %shift_right_arithmetic3A_308 = arith.constant 16 : i32
    %shift_right_arithmetic3A_309 = vector.broadcast %shift_right_arithmetic3A_308 : i32 to vector<16xi32>
    %shift_right_arithmetic3A_310 = arith.shrsi %get3A_298, %shift_right_arithmetic3A_309 : vector<16xi32>
    %swap3A_311 = arith.constant 2 : i32
    %swap3A_312 = arith.index_cast %swap3A_311 : i32 to index
    %swap3A_313 = arith.constant 16 : index
    %swap3A_314 = tpu.vector_load %arg8[%swap3A_312, %swap3A_313] {strides = array<i32>} : memref<7x48xi32, #tpu.memory_space<vmem>>, vector<1x16xi32>,
    %swap3A_315 = vector.shape_cast %swap3A_314 : vector<1x16xi32> to vector<16xi32>
    %swap3A_316 = vector.shape_cast %shift_right_arithmetic3A_310 : vector<16xi32> to vector<1x16xi32>
    tpu.vector_store %arg8[%swap3A_312, %swap3A_313], %swap3A_316 {strides = array<i32>} : memref<7x48xi32, #tpu.memory_space<vmem>>, vector<1x16xi32>,
    %get3A_317 = arith.constant 2 : i32
    %get3A_318 = arith.index_cast %get3A_317 : i32 to index
    %get3A_319 = arith.constant 32 : index
    %get3A_320 = tpu.vector_load %arg6[%get3A_318, %get3A_319] {strides = array<i32>} : memref<7x48xi32, #tpu.memory_space<vmem>>, vector<1x16xi32>,
    %get3A_321 = vector.shape_cast %get3A_320 : vector<1x16xi32> to vector<16xi32>
    %and3A_322 = arith.constant 65535 : i32
    %and3A_323 = vector.broadcast %and3A_322 : i32 to vector<16xi32>
    %and3A_324 = arith.andi %get3A_321, %and3A_323 : vector<16xi32>
    %swap3A_325 = arith.constant 2 : i32
    %swap3A_326 = arith.index_cast %swap3A_325 : i32 to index
    %swap3A_327 = arith.constant 32 : index
    %swap3A_328 = tpu.vector_load %arg7[%swap3A_326, %swap3A_327] {strides = array<i32>} : memref<7x48xi32, #tpu.memory_space<vmem>>, vector<1x16xi32>,
    %swap3A_329 = vector.shape_cast %swap3A_328 : vector<1x16xi32> to vector<16xi32>
    %swap3A_330 = vector.shape_cast %and3A_324 : vector<16xi32> to vector<1x16xi32>
    tpu.vector_store %arg7[%swap3A_326, %swap3A_327], %swap3A_330 {strides = array<i32>} : memref<7x48xi32, #tpu.memory_space<vmem>>, vector<1x16xi32>,
    %shift_right_arithmetic3A_331 = arith.constant 16 : i32
    %shift_right_arithmetic3A_332 = vector.broadcast %shift_right_arithmetic3A_331 : i32 to vector<16xi32>
    %shift_right_arithmetic3A_333 = arith.shrsi %get3A_321, %shift_right_arithmetic3A_332 : vector<16xi32>
    %swap3A_334 = arith.constant 2 : i32
    %swap3A_335 = arith.index_cast %swap3A_334 : i32 to index
    %swap3A_336 = arith.constant 32 : index
    %swap3A_337 = tpu.vector_load %arg8[%swap3A_335, %swap3A_336] {strides = array<i32>} : memref<7x48xi32, #tpu.memory_space<vmem>>, vector<1x16xi32>,
    %swap3A_338 = vector.shape_cast %swap3A_337 : vector<1x16xi32> to vector<16xi32>
    %swap3A_339 = vector.shape_cast %shift_right_arithmetic3A_333 : vector<16xi32> to vector<1x16xi32>
    tpu.vector_store %arg8[%swap3A_335, %swap3A_336], %swap3A_339 {strides = array<i32>} : memref<7x48xi32, #tpu.memory_space<vmem>>, vector<1x16xi32>,
    %dma_start3A_340 = arith.constant 2 : i32
    %dma_start3A_341 = arith.constant 2 : i32
    %dma_start3A_342 = arith.constant 2 : i32
    %dma_start3A_343 = arith.constant 0 : i32
    %dma_start3A_344 = arith.constant 0 : i32
    %dma_start3A_345 = tpu.memref_slice %arg9[%dma_start3A_341, %dma_start3A_343, %dma_start3A_344] : memref<7x48x128xf32, #tpu.memory_space<vmem>> -> memref<1x48x128xf32, #tpu.memory_space<vmem>>
    %dma_start3A_346 = tpu.memref_squeeze %dma_start3A_345 : memref<1x48x128xf32, #tpu.memory_space<vmem>> -> memref<48x128xf32, #tpu.memory_space<vmem>>
    %dma_start3A_347 = arith.constant 0 : i32
    %dma_start3A_348 = tpu.memref_slice %arg7[%dma_start3A_340, %dma_start3A_347] : memref<7x48xi32, #tpu.memory_space<vmem>> -> memref<1x48xi32, #tpu.memory_space<vmem>>
    %dma_start3A_349 = tpu.memref_squeeze %dma_start3A_348 : memref<1x48xi32, #tpu.memory_space<vmem>> -> memref<48xi32, #tpu.memory_space<vmem>>
    %dma_start3A_350 = arith.constant 0 : i32
    %dma_start3A_351 = arith.constant 0 : i32
    %dma_start3A_352 = tpu.memref_slice %arg2[%dma_start3A_350, %dma_start3A_351] : memref<10000x128xf32, #tpu.memory_space<hbm>> -> memref<10000x128xf32, #tpu.memory_space<hbm>>
    %dma_start3A_353 = tpu.memref_slice %arg12[%dma_start3A_342] : memref<7x!tpu.dma_semaphore, #tpu.memory_space<semaphore_mem>> -> memref<1x!tpu.dma_semaphore, #tpu.memory_space<semaphore_mem>>
    %dma_start3A_354 = tpu.memref_squeeze %dma_start3A_353 : memref<1x!tpu.dma_semaphore, #tpu.memory_space<semaphore_mem>> -> memref<!tpu.dma_semaphore, #tpu.memory_space<semaphore_mem>>
    tpu.enqueue_indirect_dma source(%dma_start3A_352 : memref<10000x128xf32, #tpu.memory_space<hbm>>) target(%dma_start3A_346 : memref<48x128xf32, #tpu.memory_space<vmem>>) offsets(%dma_start3A_349 : memref<48xi32, #tpu.memory_space<vmem>>) semaphore(%dma_start3A_354 : memref<!tpu.dma_semaphore, #tpu.memory_space<semaphore_mem>>)
    %scan3A = arith.constant 0 : i32
    %scan3A_355 = arith.constant 31 : i32
    %scan3A_356 = arith.addi %scan3A, %scan3A_355 : i32
    %scan3A_357 = arith.constant 1 : i32
    scf.for %scan3A_475 = %scan3A to %scan3A_356 step %scan3A_357  : i32 {
      %mul3A_476 = arith.constant 1 : i32
      %mul3A_477 = arith.muli %scan3A_475, %mul3A_476 : i32
      %add3A_478 = arith.constant 0 : i32
      %add3A_479 = arith.addi %add3A_478, %mul3A_477 : i32
      %mul3A_480 = arith.constant 7 : i32
      %mul3A_481 = arith.muli %add3A_479, %mul3A_480 : i32
      %add3A_482 = arith.constant 0 : i32
      %add3A_483 = arith.addi %mul3A_481, %add3A_482 : i32
      %add3A_484 = arith.constant 4 : i32
      %add3A_485 = arith.addi %add3A_483, %add3A_484 : i32
      %lt3A_486 = arith.constant 217 : i32
      %lt3A_487 = arith.cmpi slt, %add3A_485, %lt3A_486 : i32
      %convert_element_type3A_488 = arith.extui %lt3A_487 : i1 to i32
      %cond3A_489 = arith.constant 0 : i32
      %cond3A_490 = arith.cmpi ne, %convert_element_type3A_488, %cond3A_489 : i32
      scf.if %cond3A_490 {
        %ge3A = arith.constant 3 : i32
        %ge3A_816 = arith.cmpi sge, %add3A_483, %ge3A : i32
        %convert_element_type3A_817 = arith.extui %ge3A_816 : i1 to i32
        %cond3A_818 = arith.constant 0 : i32
        %cond3A_819 = arith.cmpi ne, %convert_element_type3A_817, %cond3A_818 : i32
        scf.if %cond3A_819 {
          %dma_wait3A_837 = arith.constant 4 : i32
          %dma_wait3A_838 = arith.constant 4 : i32
          %dma_wait3A_839 = arith.constant 4 : i32
          %dma_wait3A_840 = arith.constant 0 : i32
          %dma_wait3A_841 = arith.constant 0 : i32
          %dma_wait3A_842 = tpu.memref_slice %arg9[%dma_wait3A_837, %dma_wait3A_840, %dma_wait3A_841] : memref<7x48x128xf32, #tpu.memory_space<vmem>> -> memref<1x48x128xf32, #tpu.memory_space<vmem>>
          %dma_wait3A_843 = tpu.memref_squeeze %dma_wait3A_842 : memref<1x48x128xf32, #tpu.memory_space<vmem>> -> memref<48x128xf32, #tpu.memory_space<vmem>>
          %dma_wait3A_844 = arith.constant 0 : i32
          %dma_wait3A_845 = tpu.memref_slice %arg8[%dma_wait3A_838, %dma_wait3A_844] : memref<7x48xi32, #tpu.memory_space<vmem>> -> memref<1x48xi32, #tpu.memory_space<vmem>>
          %dma_wait3A_846 = tpu.memref_squeeze %dma_wait3A_845 : memref<1x48xi32, #tpu.memory_space<vmem>> -> memref<48xi32, #tpu.memory_space<vmem>>
          %dma_wait3A_847 = arith.constant 0 : i32
          %dma_wait3A_848 = arith.constant 0 : i32
          %dma_wait3A_849 = tpu.memref_slice %arg10[%dma_wait3A_847, %dma_wait3A_848] : memref<10008x128xf32, #tpu.memory_space<vmem_shared>> -> memref<10008x128xf32, #tpu.memory_space<vmem_shared>>
          %dma_wait3A_850 = tpu.memref_slice %arg13[%dma_wait3A_839] : memref<7x!tpu.dma_semaphore, #tpu.memory_space<semaphore_mem>> -> memref<1x!tpu.dma_semaphore, #tpu.memory_space<semaphore_mem>>
          %dma_wait3A_851 = tpu.memref_squeeze %dma_wait3A_850 : memref<1x!tpu.dma_semaphore, #tpu.memory_space<semaphore_mem>> -> memref<!tpu.dma_semaphore, #tpu.memory_space<semaphore_mem>>
          tpu.wait_indirect_dma semaphore(%dma_wait3A_851 : memref<!tpu.dma_semaphore, #tpu.memory_space<semaphore_mem>>) src(%dma_wait3A_843 : memref<48x128xf32, #tpu.memory_space<vmem>>) dst(%dma_wait3A_849 : memref<10008x128xf32, #tpu.memory_space<vmem_shared>>)
        } else {
        }
        %add3A_820 = arith.constant 4 : i32
        %add3A_821 = arith.addi %add3A_483, %add3A_820 : i32
        %mul3A_822 = arith.constant 48 : i32
        %mul3A_823 = arith.muli %add3A_821, %mul3A_822 : i32
        %add3A_824 = arith.addi %mul3A_4, %mul3A_823 : i32
        %dma_start3A_825 = arith.constant 4 : i32
        %dma_start3A_826 = arith.constant 4 : i32
        %dma_start3A_827 = arith.constant 0 : i32
        %dma_start3A_828 = tpu.memref_slice %arg6[%dma_start3A_825, %dma_start3A_827] : memref<7x48xi32, #tpu.memory_space<vmem>> -> memref<1x48xi32, #tpu.memory_space<vmem>>
        %dma_start3A_829 = tpu.memref_squeeze %dma_start3A_828 : memref<1x48xi32, #tpu.memory_space<vmem>> -> memref<48xi32, #tpu.memory_space<vmem>>
        %dma_start3A_830 = tpu.memref_slice %arg3[%add3A_824] : memref<333312xi32, #tpu.memory_space<hbm>> -> memref<48xi32, #tpu.memory_space<hbm>>
        %dma_start3A_831 = tpu.memref_slice %arg11[%dma_start3A_826] : memref<7x!tpu.dma_semaphore, #tpu.memory_space<semaphore_mem>> -> memref<1x!tpu.dma_semaphore, #tpu.memory_space<semaphore_mem>>
        %dma_start3A_832 = tpu.memref_squeeze %dma_start3A_831 : memref<1x!tpu.dma_semaphore, #tpu.memory_space<semaphore_mem>> -> memref<!tpu.dma_semaphore, #tpu.memory_space<semaphore_mem>>
        %dma_start3A_833 = arith.constant 0 : i32
        %dma_start3A_834 = tpu.memref_slice %arg6[%dma_start3A_825, %dma_start3A_833] : memref<7x48xi32, #tpu.memory_space<vmem>> -> memref<1x48xi32, #tpu.memory_space<vmem>>
        %dma_start3A_835 = tpu.memref_squeeze %dma_start3A_834 : memref<1x48xi32, #tpu.memory_space<vmem>> -> memref<48xi32, #tpu.memory_space<vmem>>
        %dma_start3A_836 = tpu.memref_slice %arg3[%add3A_824] : memref<333312xi32, #tpu.memory_space<hbm>> -> memref<48xi32, #tpu.memory_space<hbm>>
        tpu.enqueue_dma source(%dma_start3A_836 : memref<48xi32, #tpu.memory_space<hbm>>) target(%dma_start3A_835 : memref<48xi32, #tpu.memory_space<vmem>>) target_semaphore(%dma_start3A_832 : memref<!tpu.dma_semaphore, #tpu.memory_space<semaphore_mem>>)
      } else {
      }
      %add3A_491 = arith.constant 3 : i32
      %add3A_492 = arith.addi %add3A_483, %add3A_491 : i32
      %lt3A_493 = arith.constant 217 : i32
      %lt3A_494 = arith.cmpi slt, %add3A_492, %lt3A_493 : i32
      %convert_element_type3A_495 = arith.extui %lt3A_494 : i1 to i32
      %cond3A_496 = arith.constant 0 : i32
      %cond3A_497 = arith.cmpi ne, %convert_element_type3A_495, %cond3A_496 : i32
      scf.if %cond3A_497 {
        %add3A_816 = arith.constant 3 : i32
        %add3A_817 = arith.addi %add3A_483, %add3A_816 : i32
        %mul3A_818 = arith.constant 48 : i32
        %mul3A_819 = arith.muli %add3A_817, %mul3A_818 : i32
        %add3A_820 = arith.addi %mul3A_4, %mul3A_819 : i32
        %dma_wait3A_821 = arith.constant 3 : i32
        %dma_wait3A_822 = arith.constant 3 : i32
        %dma_wait3A_823 = arith.constant 0 : i32
        %dma_wait3A_824 = tpu.memref_slice %arg6[%dma_wait3A_821, %dma_wait3A_823] : memref<7x48xi32, #tpu.memory_space<vmem>> -> memref<1x48xi32, #tpu.memory_space<vmem>>
        %dma_wait3A_825 = tpu.memref_squeeze %dma_wait3A_824 : memref<1x48xi32, #tpu.memory_space<vmem>> -> memref<48xi32, #tpu.memory_space<vmem>>
        %dma_wait3A_826 = tpu.memref_slice %arg3[%add3A_820] : memref<333312xi32, #tpu.memory_space<hbm>> -> memref<48xi32, #tpu.memory_space<hbm>>
        %dma_wait3A_827 = tpu.memref_slice %arg11[%dma_wait3A_822] : memref<7x!tpu.dma_semaphore, #tpu.memory_space<semaphore_mem>> -> memref<1x!tpu.dma_semaphore, #tpu.memory_space<semaphore_mem>>
        %dma_wait3A_828 = tpu.memref_squeeze %dma_wait3A_827 : memref<1x!tpu.dma_semaphore, #tpu.memory_space<semaphore_mem>> -> memref<!tpu.dma_semaphore, #tpu.memory_space<semaphore_mem>>
        %dma_wait3A_829 = arith.constant 0 : i32
        %dma_wait3A_830 = tpu.memref_slice %arg6[%dma_wait3A_821, %dma_wait3A_829] : memref<7x48xi32, #tpu.memory_space<vmem>> -> memref<1x48xi32, #tpu.memory_space<vmem>>
        %dma_wait3A_831 = tpu.memref_squeeze %dma_wait3A_830 : memref<1x48xi32, #tpu.memory_space<vmem>> -> memref<48xi32, #tpu.memory_space<vmem>>
        %dma_wait3A_832 = tpu.memref_slice %arg3[%add3A_820] : memref<333312xi32, #tpu.memory_space<hbm>> -> memref<48xi32, #tpu.memory_space<hbm>>
        tpu.wait_dma2 semaphore(%dma_wait3A_828 : memref<!tpu.dma_semaphore, #tpu.memory_space<semaphore_mem>>) src(%dma_wait3A_832 : memref<48xi32, #tpu.memory_space<hbm>>) dst(%dma_wait3A_831 : memref<48xi32, #tpu.memory_space<vmem>>)
        %get3A_833 = arith.constant 3 : i32
        %get3A_834 = arith.index_cast %get3A_833 : i32 to index
        %get3A_835 = arith.constant 0 : index
        %get3A_836 = tpu.vector_load %arg6[%get3A_834, %get3A_835] {strides = array<i32>} : memref<7x48xi32, #tpu.memory_space<vmem>>, vector<1x16xi32>,
        %get3A_837 = vector.shape_cast %get3A_836 : vector<1x16xi32> to vector<16xi32>
        %and3A_838 = arith.constant 65535 : i32
        %and3A_839 = vector.broadcast %and3A_838 : i32 to vector<16xi32>
        %and3A_840 = arith.andi %get3A_837, %and3A_839 : vector<16xi32>
        %swap3A_841 = arith.constant 3 : i32
        %swap3A_842 = arith.index_cast %swap3A_841 : i32 to index
        %swap3A_843 = arith.constant 0 : index
        %swap3A_844 = tpu.vector_load %arg7[%swap3A_842, %swap3A_843] {strides = array<i32>} : memref<7x48xi32, #tpu.memory_space<vmem>>, vector<1x16xi32>,
        %swap3A_845 = vector.shape_cast %swap3A_844 : vector<1x16xi32> to vector<16xi32>
        %swap3A_846 = vector.shape_cast %and3A_840 : vector<16xi32> to vector<1x16xi32>
        tpu.vector_store %arg7[%swap3A_842, %swap3A_843], %swap3A_846 {strides = array<i32>} : memref<7x48xi32, #tpu.memory_space<vmem>>, vector<1x16xi32>,
        %shift_right_arithmetic3A_847 = arith.constant 16 : i32
        %shift_right_arithmetic3A_848 = vector.broadcast %shift_right_arithmetic3A_847 : i32 to vector<16xi32>
        %shift_right_arithmetic3A_849 = arith.shrsi %get3A_837, %shift_right_arithmetic3A_848 : vector<16xi32>
        %swap3A_850 = arith.constant 3 : i32
        %swap3A_851 = arith.index_cast %swap3A_850 : i32 to index
        %swap3A_852 = arith.constant 0 : index
        %swap3A_853 = tpu.vector_load %arg8[%swap3A_851, %swap3A_852] {strides = array<i32>} : memref<7x48xi32, #tpu.memory_space<vmem>>, vector<1x16xi32>,
        %swap3A_854 = vector.shape_cast %swap3A_853 : vector<1x16xi32> to vector<16xi32>
        %swap3A_855 = vector.shape_cast %shift_right_arithmetic3A_849 : vector<16xi32> to vector<1x16xi32>
        tpu.vector_store %arg8[%swap3A_851, %swap3A_852], %swap3A_855 {strides = array<i32>} : memref<7x48xi32, #tpu.memory_space<vmem>>, vector<1x16xi32>,
        %get3A_856 = arith.constant 3 : i32
        %get3A_857 = arith.index_cast %get3A_856 : i32 to index
        %get3A_858 = arith.constant 16 : index
        %get3A_859 = tpu.vector_load %arg6[%get3A_857, %get3A_858] {strides = array<i32>} : memref<7x48xi32, #tpu.memory_space<vmem>>, vector<1x16xi32>,
        %get3A_860 = vector.shape_cast %get3A_859 : vector<1x16xi32> to vector<16xi32>
        %and3A_861 = arith.constant 65535 : i32
        %and3A_862 = vector.broadcast %and3A_861 : i32 to vector<16xi32>
        %and3A_863 = arith.andi %get3A_860, %and3A_862 : vector<16xi32>
        %swap3A_864 = arith.constant 3 : i32
        %swap3A_865 = arith.index_cast %swap3A_864 : i32 to index
        %swap3A_866 = arith.constant 16 : index
        %swap3A_867 = tpu.vector_load %arg7[%swap3A_865, %swap3A_866] {strides = array<i32>} : memref<7x48xi32, #tpu.memory_space<vmem>>, vector<1x16xi32>,
        %swap3A_868 = vector.shape_cast %swap3A_867 : vector<1x16xi32> to vector<16xi32>
        %swap3A_869 = vector.shape_cast %and3A_863 : vector<16xi32> to vector<1x16xi32>
        tpu.vector_store %arg7[%swap3A_865, %swap3A_866], %swap3A_869 {strides = array<i32>} : memref<7x48xi32, #tpu.memory_space<vmem>>, vector<1x16xi32>,
        %shift_right_arithmetic3A_870 = arith.constant 16 : i32
        %shift_right_arithmetic3A_871 = vector.broadcast %shift_right_arithmetic3A_870 : i32 to vector<16xi32>
        %shift_right_arithmetic3A_872 = arith.shrsi %get3A_860, %shift_right_arithmetic3A_871 : vector<16xi32>
        %swap3A_873 = arith.constant 3 : i32
        %swap3A_874 = arith.index_cast %swap3A_873 : i32 to index
        %swap3A_875 = arith.constant 16 : index
        %swap3A_876 = tpu.vector_load %arg8[%swap3A_874, %swap3A_875] {strides = array<i32>} : memref<7x48xi32, #tpu.memory_space<vmem>>, vector<1x16xi32>,
        %swap3A_877 = vector.shape_cast %swap3A_876 : vector<1x16xi32> to vector<16xi32>
        %swap3A_878 = vector.shape_cast %shift_right_arithmetic3A_872 : vector<16xi32> to vector<1x16xi32>
        tpu.vector_store %arg8[%swap3A_874, %swap3A_875], %swap3A_878 {strides = array<i32>} : memref<7x48xi32, #tpu.memory_space<vmem>>, vector<1x16xi32>,
        %get3A_879 = arith.constant 3 : i32
        %get3A_880 = arith.index_cast %get3A_879 : i32 to index
        %get3A_881 = arith.constant 32 : index
        %get3A_882 = tpu.vector_load %arg6[%get3A_880, %get3A_881] {strides = array<i32>} : memref<7x48xi32, #tpu.memory_space<vmem>>, vector<1x16xi32>,
        %get3A_883 = vector.shape_cast %get3A_882 : vector<1x16xi32> to vector<16xi32>
        %and3A_884 = arith.constant 65535 : i32
        %and3A_885 = vector.broadcast %and3A_884 : i32 to vector<16xi32>
        %and3A_886 = arith.andi %get3A_883, %and3A_885 : vector<16xi32>
        %swap3A_887 = arith.constant 3 : i32
        %swap3A_888 = arith.index_cast %swap3A_887 : i32 to index
        %swap3A_889 = arith.constant 32 : index
        %swap3A_890 = tpu.vector_load %arg7[%swap3A_888, %swap3A_889] {strides = array<i32>} : memref<7x48xi32, #tpu.memory_space<vmem>>, vector<1x16xi32>,
        %swap3A_891 = vector.shape_cast %swap3A_890 : vector<1x16xi32> to vector<16xi32>
        %swap3A_892 = vector.shape_cast %and3A_886 : vector<16xi32> to vector<1x16xi32>
        tpu.vector_store %arg7[%swap3A_888, %swap3A_889], %swap3A_892 {strides = array<i32>} : memref<7x48xi32, #tpu.memory_space<vmem>>, vector<1x16xi32>,
        %shift_right_arithmetic3A_893 = arith.constant 16 : i32
        %shift_right_arithmetic3A_894 = vector.broadcast %shift_right_arithmetic3A_893 : i32 to vector<16xi32>
        %shift_right_arithmetic3A_895 = arith.shrsi %get3A_883, %shift_right_arithmetic3A_894 : vector<16xi32>
        %swap3A_896 = arith.constant 3 : i32
        %swap3A_897 = arith.index_cast %swap3A_896 : i32 to index
        %swap3A_898 = arith.constant 32 : index
        %swap3A_899 = tpu.vector_load %arg8[%swap3A_897, %swap3A_898] {strides = array<i32>} : memref<7x48xi32, #tpu.memory_space<vmem>>, vector<1x16xi32>,
        %swap3A_900 = vector.shape_cast %swap3A_899 : vector<1x16xi32> to vector<16xi32>
        %swap3A_901 = vector.shape_cast %shift_right_arithmetic3A_895 : vector<16xi32> to vector<1x16xi32>
        tpu.vector_store %arg8[%swap3A_897, %swap3A_898], %swap3A_901 {strides = array<i32>} : memref<7x48xi32, #tpu.memory_space<vmem>>, vector<1x16xi32>,
        %dma_start3A_902 = arith.constant 3 : i32
        %dma_start3A_903 = arith.constant 3 : i32
        %dma_start3A_904 = arith.constant 3 : i32
        %dma_start3A_905 = arith.constant 0 : i32
        %dma_start3A_906 = arith.constant 0 : i32
        %dma_start3A_907 = tpu.memref_slice %arg9[%dma_start3A_903, %dma_start3A_905, %dma_start3A_906] : memref<7x48x128xf32, #tpu.memory_space<vmem>> -> memref<1x48x128xf32, #tpu.memory_space<vmem>>
        %dma_start3A_908 = tpu.memref_squeeze %dma_start3A_907 : memref<1x48x128xf32, #tpu.memory_space<vmem>> -> memref<48x128xf32, #tpu.memory_space<vmem>>
        %dma_start3A_909 = arith.constant 0 : i32
        %dma_start3A_910 = tpu.memref_slice %arg7[%dma_start3A_902, %dma_start3A_909] : memref<7x48xi32, #tpu.memory_space<vmem>> -> memref<1x48xi32, #tpu.memory_space<vmem>>
        %dma_start3A_911 = tpu.memref_squeeze %dma_start3A_910 : memref<1x48xi32, #tpu.memory_space<vmem>> -> memref<48xi32, #tpu.memory_space<vmem>>
        %dma_start3A_912 = arith.constant 0 : i32
        %dma_start3A_913 = arith.constant 0 : i32
        %dma_start3A_914 = tpu.memref_slice %arg2[%dma_start3A_912, %dma_start3A_913] : memref<10000x128xf32, #tpu.memory_space<hbm>> -> memref<10000x128xf32, #tpu.memory_space<hbm>>
        %dma_start3A_915 = tpu.memref_slice %arg12[%dma_start3A_904] : memref<7x!tpu.dma_semaphore, #tpu.memory_space<semaphore_mem>> -> memref<1x!tpu.dma_semaphore, #tpu.memory_space<semaphore_mem>>
        %dma_start3A_916 = tpu.memref_squeeze %dma_start3A_915 : memref<1x!tpu.dma_semaphore, #tpu.memory_space<semaphore_mem>> -> memref<!tpu.dma_semaphore, #tpu.memory_space<semaphore_mem>>
        tpu.enqueue_indirect_dma source(%dma_start3A_914 : memref<10000x128xf32, #tpu.memory_space<hbm>>) target(%dma_start3A_908 : memref<48x128xf32, #tpu.memory_space<vmem>>) offsets(%dma_start3A_911 : memref<48xi32, #tpu.memory_space<vmem>>) semaphore(%dma_start3A_916 : memref<!tpu.dma_semaphore, #tpu.memory_space<semaphore_mem>>)
      } else {
      }
      %dma_wait3A_498 = arith.constant 0 : i32
      %dma_wait3A_499 = arith.constant 0 : i32
      %dma_wait3A_500 = arith.constant 0 : i32
      %dma_wait3A_501 = arith.constant 0 : i32
      %dma_wait3A_502 = arith.constant 0 : i32
      %dma_wait3A_503 = tpu.memref_slice %arg9[%dma_wait3A_499, %dma_wait3A_501, %dma_wait3A_502] : memref<7x48x128xf32, #tpu.memory_space<vmem>> -> memref<1x48x128xf32, #tpu.memory_space<vmem>>
      %dma_wait3A_504 = tpu.memref_squeeze %dma_wait3A_503 : memref<1x48x128xf32, #tpu.memory_space<vmem>> -> memref<48x128xf32, #tpu.memory_space<vmem>>
      %dma_wait3A_505 = arith.constant 0 : i32
      %dma_wait3A_506 = tpu.memref_slice %arg7[%dma_wait3A_498, %dma_wait3A_505] : memref<7x48xi32, #tpu.memory_space<vmem>> -> memref<1x48xi32, #tpu.memory_space<vmem>>
      %dma_wait3A_507 = tpu.memref_squeeze %dma_wait3A_506 : memref<1x48xi32, #tpu.memory_space<vmem>> -> memref<48xi32, #tpu.memory_space<vmem>>
      %dma_wait3A_508 = arith.constant 0 : i32
      %dma_wait3A_509 = arith.constant 0 : i32
      %dma_wait3A_510 = tpu.memref_slice %arg2[%dma_wait3A_508, %dma_wait3A_509] : memref<10000x128xf32, #tpu.memory_space<hbm>> -> memref<10000x128xf32, #tpu.memory_space<hbm>>
      %dma_wait3A_511 = tpu.memref_slice %arg12[%dma_wait3A_500] : memref<7x!tpu.dma_semaphore, #tpu.memory_space<semaphore_mem>> -> memref<1x!tpu.dma_semaphore, #tpu.memory_space<semaphore_mem>>
      %dma_wait3A_512 = tpu.memref_squeeze %dma_wait3A_511 : memref<1x!tpu.dma_semaphore, #tpu.memory_space<semaphore_mem>> -> memref<!tpu.dma_semaphore, #tpu.memory_space<semaphore_mem>>
      tpu.wait_indirect_dma semaphore(%dma_wait3A_512 : memref<!tpu.dma_semaphore, #tpu.memory_space<semaphore_mem>>) src(%dma_wait3A_510 : memref<10000x128xf32, #tpu.memory_space<hbm>>) dst(%dma_wait3A_504 : memref<48x128xf32, #tpu.memory_space<vmem>>)
      %dma_start3A_513 = arith.constant 0 : i32
      %dma_start3A_514 = arith.constant 0 : i32
      %dma_start3A_515 = arith.constant 0 : i32
      %dma_start3A_516 = arith.constant 0 : i32
      %dma_start3A_517 = arith.constant 0 : i32
      %dma_start3A_518 = tpu.memref_slice %arg9[%dma_start3A_513, %dma_start3A_516, %dma_start3A_517] : memref<7x48x128xf32, #tpu.memory_space<vmem>> -> memref<1x48x128xf32, #tpu.memory_space<vmem>>
      %dma_start3A_519 = tpu.memref_squeeze %dma_start3A_518 : memref<1x48x128xf32, #tpu.memory_space<vmem>> -> memref<48x128xf32, #tpu.memory_space<vmem>>
      %dma_start3A_520 = arith.constant 0 : i32
      %dma_start3A_521 = tpu.memref_slice %arg8[%dma_start3A_514, %dma_start3A_520] : memref<7x48xi32, #tpu.memory_space<vmem>> -> memref<1x48xi32, #tpu.memory_space<vmem>>
      %dma_start3A_522 = tpu.memref_squeeze %dma_start3A_521 : memref<1x48xi32, #tpu.memory_space<vmem>> -> memref<48xi32, #tpu.memory_space<vmem>>
      %dma_start3A_523 = arith.constant 0 : i32
      %dma_start3A_524 = arith.constant 0 : i32
      %dma_start3A_525 = tpu.memref_slice %arg10[%dma_start3A_523, %dma_start3A_524] : memref<10008x128xf32, #tpu.memory_space<vmem_shared>> -> memref<10008x128xf32, #tpu.memory_space<vmem_shared>>
      %dma_start3A_526 = tpu.memref_slice %arg13[%dma_start3A_515] : memref<7x!tpu.dma_semaphore, #tpu.memory_space<semaphore_mem>> -> memref<1x!tpu.dma_semaphore, #tpu.memory_space<semaphore_mem>>
      %dma_start3A_527 = tpu.memref_squeeze %dma_start3A_526 : memref<1x!tpu.dma_semaphore, #tpu.memory_space<semaphore_mem>> -> memref<!tpu.dma_semaphore, #tpu.memory_space<semaphore_mem>>
      tpu.enqueue_indirect_dma source(%dma_start3A_519 : memref<48x128xf32, #tpu.memory_space<vmem>>) target(%dma_start3A_525 : memref<10008x128xf32, #tpu.memory_space<vmem_shared>>) offsets(%dma_start3A_522 : memref<48xi32, #tpu.memory_space<vmem>>) semaphore(%dma_start3A_527 : memref<!tpu.dma_semaphore, #tpu.memory_space<semaphore_mem>>) {add = true}
      %mul3A_528 = arith.constant 7 : i32
      %mul3A_529 = arith.muli %add3A_479, %mul3A_528 : i32
      %add3A_530 = arith.constant 1 : i32
      %add3A_531 = arith.addi %mul3A_529, %add3A_530 : i32
      %add3A_532 = arith.constant 4 : i32
      %add3A_533 = arith.addi %add3A_531, %add3A_532 : i32
      %lt3A_534 = arith.constant 217 : i32
      %lt3A_535 = arith.cmpi slt, %add3A_533, %lt3A_534 : i32
      %convert_element_type3A_536 = arith.extui %lt3A_535 : i1 to i32
      %cond3A_537 = arith.constant 0 : i32
      %cond3A_538 = arith.cmpi ne, %convert_element_type3A_536, %cond3A_537 : i32
      scf.if %cond3A_538 {
        %ge3A = arith.constant 3 : i32
        %ge3A_816 = arith.cmpi sge, %add3A_531, %ge3A : i32
        %convert_element_type3A_817 = arith.extui %ge3A_816 : i1 to i32
        %cond3A_818 = arith.constant 0 : i32
        %cond3A_819 = arith.cmpi ne, %convert_element_type3A_817, %cond3A_818 : i32
        scf.if %cond3A_819 {
          %dma_wait3A_837 = arith.constant 5 : i32
          %dma_wait3A_838 = arith.constant 5 : i32
          %dma_wait3A_839 = arith.constant 5 : i32
          %dma_wait3A_840 = arith.constant 0 : i32
          %dma_wait3A_841 = arith.constant 0 : i32
          %dma_wait3A_842 = tpu.memref_slice %arg9[%dma_wait3A_837, %dma_wait3A_840, %dma_wait3A_841] : memref<7x48x128xf32, #tpu.memory_space<vmem>> -> memref<1x48x128xf32, #tpu.memory_space<vmem>>
          %dma_wait3A_843 = tpu.memref_squeeze %dma_wait3A_842 : memref<1x48x128xf32, #tpu.memory_space<vmem>> -> memref<48x128xf32, #tpu.memory_space<vmem>>
          %dma_wait3A_844 = arith.constant 0 : i32
          %dma_wait3A_845 = tpu.memref_slice %arg8[%dma_wait3A_838, %dma_wait3A_844] : memref<7x48xi32, #tpu.memory_space<vmem>> -> memref<1x48xi32, #tpu.memory_space<vmem>>
          %dma_wait3A_846 = tpu.memref_squeeze %dma_wait3A_845 : memref<1x48xi32, #tpu.memory_space<vmem>> -> memref<48xi32, #tpu.memory_space<vmem>>
          %dma_wait3A_847 = arith.constant 0 : i32
          %dma_wait3A_848 = arith.constant 0 : i32
          %dma_wait3A_849 = tpu.memref_slice %arg10[%dma_wait3A_847, %dma_wait3A_848] : memref<10008x128xf32, #tpu.memory_space<vmem_shared>> -> memref<10008x128xf32, #tpu.memory_space<vmem_shared>>
          %dma_wait3A_850 = tpu.memref_slice %arg13[%dma_wait3A_839] : memref<7x!tpu.dma_semaphore, #tpu.memory_space<semaphore_mem>> -> memref<1x!tpu.dma_semaphore, #tpu.memory_space<semaphore_mem>>
          %dma_wait3A_851 = tpu.memref_squeeze %dma_wait3A_850 : memref<1x!tpu.dma_semaphore, #tpu.memory_space<semaphore_mem>> -> memref<!tpu.dma_semaphore, #tpu.memory_space<semaphore_mem>>
          tpu.wait_indirect_dma semaphore(%dma_wait3A_851 : memref<!tpu.dma_semaphore, #tpu.memory_space<semaphore_mem>>) src(%dma_wait3A_843 : memref<48x128xf32, #tpu.memory_space<vmem>>) dst(%dma_wait3A_849 : memref<10008x128xf32, #tpu.memory_space<vmem_shared>>)
        } else {
        }
        %add3A_820 = arith.constant 4 : i32
        %add3A_821 = arith.addi %add3A_531, %add3A_820 : i32
        %mul3A_822 = arith.constant 48 : i32
        %mul3A_823 = arith.muli %add3A_821, %mul3A_822 : i32
        %add3A_824 = arith.addi %mul3A_4, %mul3A_823 : i32
        %dma_start3A_825 = arith.constant 5 : i32
        %dma_start3A_826 = arith.constant 5 : i32
        %dma_start3A_827 = arith.constant 0 : i32
        %dma_start3A_828 = tpu.memref_slice %arg6[%dma_start3A_825, %dma_start3A_827] : memref<7x48xi32, #tpu.memory_space<vmem>> -> memref<1x48xi32, #tpu.memory_space<vmem>>
        %dma_start3A_829 = tpu.memref_squeeze %dma_start3A_828 : memref<1x48xi32, #tpu.memory_space<vmem>> -> memref<48xi32, #tpu.memory_space<vmem>>
        %dma_start3A_830 = tpu.memref_slice %arg3[%add3A_824] : memref<333312xi32, #tpu.memory_space<hbm>> -> memref<48xi32, #tpu.memory_space<hbm>>
        %dma_start3A_831 = tpu.memref_slice %arg11[%dma_start3A_826] : memref<7x!tpu.dma_semaphore, #tpu.memory_space<semaphore_mem>> -> memref<1x!tpu.dma_semaphore, #tpu.memory_space<semaphore_mem>>
        %dma_start3A_832 = tpu.memref_squeeze %dma_start3A_831 : memref<1x!tpu.dma_semaphore, #tpu.memory_space<semaphore_mem>> -> memref<!tpu.dma_semaphore, #tpu.memory_space<semaphore_mem>>
        %dma_start3A_833 = arith.constant 0 : i32
        %dma_start3A_834 = tpu.memref_slice %arg6[%dma_start3A_825, %dma_start3A_833] : memref<7x48xi32, #tpu.memory_space<vmem>> -> memref<1x48xi32, #tpu.memory_space<vmem>>
        %dma_start3A_835 = tpu.memref_squeeze %dma_start3A_834 : memref<1x48xi32, #tpu.memory_space<vmem>> -> memref<48xi32, #tpu.memory_space<vmem>>
        %dma_start3A_836 = tpu.memref_slice %arg3[%add3A_824] : memref<333312xi32, #tpu.memory_space<hbm>> -> memref<48xi32, #tpu.memory_space<hbm>>
        tpu.enqueue_dma source(%dma_start3A_836 : memref<48xi32, #tpu.memory_space<hbm>>) target(%dma_start3A_835 : memref<48xi32, #tpu.memory_space<vmem>>) target_semaphore(%dma_start3A_832 : memref<!tpu.dma_semaphore, #tpu.memory_space<semaphore_mem>>)
      } else {
      }
      %add3A_539 = arith.constant 3 : i32
      %add3A_540 = arith.addi %add3A_531, %add3A_539 : i32
      %lt3A_541 = arith.constant 217 : i32
      %lt3A_542 = arith.cmpi slt, %add3A_540, %lt3A_541 : i32
      %convert_element_type3A_543 = arith.extui %lt3A_542 : i1 to i32
      %cond3A_544 = arith.constant 0 : i32
      %cond3A_545 = arith.cmpi ne, %convert_element_type3A_543, %cond3A_544 : i32
      scf.if %cond3A_545 {
        %add3A_816 = arith.constant 3 : i32
        %add3A_817 = arith.addi %add3A_531, %add3A_816 : i32
        %mul3A_818 = arith.constant 48 : i32
        %mul3A_819 = arith.muli %add3A_817, %mul3A_818 : i32
        %add3A_820 = arith.addi %mul3A_4, %mul3A_819 : i32
        %dma_wait3A_821 = arith.constant 4 : i32
        %dma_wait3A_822 = arith.constant 4 : i32
        %dma_wait3A_823 = arith.constant 0 : i32
        %dma_wait3A_824 = tpu.memref_slice %arg6[%dma_wait3A_821, %dma_wait3A_823] : memref<7x48xi32, #tpu.memory_space<vmem>> -> memref<1x48xi32, #tpu.memory_space<vmem>>
        %dma_wait3A_825 = tpu.memref_squeeze %dma_wait3A_824 : memref<1x48xi32, #tpu.memory_space<vmem>> -> memref<48xi32, #tpu.memory_space<vmem>>
        %dma_wait3A_826 = tpu.memref_slice %arg3[%add3A_820] : memref<333312xi32, #tpu.memory_space<hbm>> -> memref<48xi32, #tpu.memory_space<hbm>>
        %dma_wait3A_827 = tpu.memref_slice %arg11[%dma_wait3A_822] : memref<7x!tpu.dma_semaphore, #tpu.memory_space<semaphore_mem>> -> memref<1x!tpu.dma_semaphore, #tpu.memory_space<semaphore_mem>>
        %dma_wait3A_828 = tpu.memref_squeeze %dma_wait3A_827 : memref<1x!tpu.dma_semaphore, #tpu.memory_space<semaphore_mem>> -> memref<!tpu.dma_semaphore, #tpu.memory_space<semaphore_mem>>
        %dma_wait3A_829 = arith.constant 0 : i32
        %dma_wait3A_830 = tpu.memref_slice %arg6[%dma_wait3A_821, %dma_wait3A_829] : memref<7x48xi32, #tpu.memory_space<vmem>> -> memref<1x48xi32, #tpu.memory_space<vmem>>
        %dma_wait3A_831 = tpu.memref_squeeze %dma_wait3A_830 : memref<1x48xi32, #tpu.memory_space<vmem>> -> memref<48xi32, #tpu.memory_space<vmem>>
        %dma_wait3A_832 = tpu.memref_slice %arg3[%add3A_820] : memref<333312xi32, #tpu.memory_space<hbm>> -> memref<48xi32, #tpu.memory_space<hbm>>
        tpu.wait_dma2 semaphore(%dma_wait3A_828 : memref<!tpu.dma_semaphore, #tpu.memory_space<semaphore_mem>>) src(%dma_wait3A_832 : memref<48xi32, #tpu.memory_space<hbm>>) dst(%dma_wait3A_831 : memref<48xi32, #tpu.memory_space<vmem>>)
        %get3A_833 = arith.constant 4 : i32
        %get3A_834 = arith.index_cast %get3A_833 : i32 to index
        %get3A_835 = arith.constant 0 : index
        %get3A_836 = tpu.vector_load %arg6[%get3A_834, %get3A_835] {strides = array<i32>} : memref<7x48xi32, #tpu.memory_space<vmem>>, vector<1x16xi32>,
        %get3A_837 = vector.shape_cast %get3A_836 : vector<1x16xi32> to vector<16xi32>
        %and3A_838 = arith.constant 65535 : i32
        %and3A_839 = vector.broadcast %and3A_838 : i32 to vector<16xi32>
        %and3A_840 = arith.andi %get3A_837, %and3A_839 : vector<16xi32>
        %swap3A_841 = arith.constant 4 : i32
        %swap3A_842 = arith.index_cast %swap3A_841 : i32 to index
        %swap3A_843 = arith.constant 0 : index
        %swap3A_844 = tpu.vector_load %arg7[%swap3A_842, %swap3A_843] {strides = array<i32>} : memref<7x48xi32, #tpu.memory_space<vmem>>, vector<1x16xi32>,
        %swap3A_845 = vector.shape_cast %swap3A_844 : vector<1x16xi32> to vector<16xi32>
        %swap3A_846 = vector.shape_cast %and3A_840 : vector<16xi32> to vector<1x16xi32>
        tpu.vector_store %arg7[%swap3A_842, %swap3A_843], %swap3A_846 {strides = array<i32>} : memref<7x48xi32, #tpu.memory_space<vmem>>, vector<1x16xi32>,
        %shift_right_arithmetic3A_847 = arith.constant 16 : i32
        %shift_right_arithmetic3A_848 = vector.broadcast %shift_right_arithmetic3A_847 : i32 to vector<16xi32>
        %shift_right_arithmetic3A_849 = arith.shrsi %get3A_837, %shift_right_arithmetic3A_848 : vector<16xi32>
        %swap3A_850 = arith.constant 4 : i32
        %swap3A_851 = arith.index_cast %swap3A_850 : i32 to index
        %swap3A_852 = arith.constant 0 : index
        %swap3A_853 = tpu.vector_load %arg8[%swap3A_851, %swap3A_852] {strides = array<i32>} : memref<7x48xi32, #tpu.memory_space<vmem>>, vector<1x16xi32>,
        %swap3A_854 = vector.shape_cast %swap3A_853 : vector<1x16xi32> to vector<16xi32>
        %swap3A_855 = vector.shape_cast %shift_right_arithmetic3A_849 : vector<16xi32> to vector<1x16xi32>
        tpu.vector_store %arg8[%swap3A_851, %swap3A_852], %swap3A_855 {strides = array<i32>} : memref<7x48xi32, #tpu.memory_space<vmem>>, vector<1x16xi32>,
        %get3A_856 = arith.constant 4 : i32
        %get3A_857 = arith.index_cast %get3A_856 : i32 to index
        %get3A_858 = arith.constant 16 : index
        %get3A_859 = tpu.vector_load %arg6[%get3A_857, %get3A_858] {strides = array<i32>} : memref<7x48xi32, #tpu.memory_space<vmem>>, vector<1x16xi32>,
        %get3A_860 = vector.shape_cast %get3A_859 : vector<1x16xi32> to vector<16xi32>
        %and3A_861 = arith.constant 65535 : i32
        %and3A_862 = vector.broadcast %and3A_861 : i32 to vector<16xi32>
        %and3A_863 = arith.andi %get3A_860, %and3A_862 : vector<16xi32>
        %swap3A_864 = arith.constant 4 : i32
        %swap3A_865 = arith.index_cast %swap3A_864 : i32 to index
        %swap3A_866 = arith.constant 16 : index
        %swap3A_867 = tpu.vector_load %arg7[%swap3A_865, %swap3A_866] {strides = array<i32>} : memref<7x48xi32, #tpu.memory_space<vmem>>, vector<1x16xi32>,
        %swap3A_868 = vector.shape_cast %swap3A_867 : vector<1x16xi32> to vector<16xi32>
        %swap3A_869 = vector.shape_cast %and3A_863 : vector<16xi32> to vector<1x16xi32>
        tpu.vector_store %arg7[%swap3A_865, %swap3A_866], %swap3A_869 {strides = array<i32>} : memref<7x48xi32, #tpu.memory_space<vmem>>, vector<1x16xi32>,
        %shift_right_arithmetic3A_870 = arith.constant 16 : i32
        %shift_right_arithmetic3A_871 = vector.broadcast %shift_right_arithmetic3A_870 : i32 to vector<16xi32>
        %shift_right_arithmetic3A_872 = arith.shrsi %get3A_860, %shift_right_arithmetic3A_871 : vector<16xi32>
        %swap3A_873 = arith.constant 4 : i32
        %swap3A_874 = arith.index_cast %swap3A_873 : i32 to index
        %swap3A_875 = arith.constant 16 : index
        %swap3A_876 = tpu.vector_load %arg8[%swap3A_874, %swap3A_875] {strides = array<i32>} : memref<7x48xi32, #tpu.memory_space<vmem>>, vector<1x16xi32>,
        %swap3A_877 = vector.shape_cast %swap3A_876 : vector<1x16xi32> to vector<16xi32>
        %swap3A_878 = vector.shape_cast %shift_right_arithmetic3A_872 : vector<16xi32> to vector<1x16xi32>
        tpu.vector_store %arg8[%swap3A_874, %swap3A_875], %swap3A_878 {strides = array<i32>} : memref<7x48xi32, #tpu.memory_space<vmem>>, vector<1x16xi32>,
        %get3A_879 = arith.constant 4 : i32
        %get3A_880 = arith.index_cast %get3A_879 : i32 to index
        %get3A_881 = arith.constant 32 : index
        %get3A_882 = tpu.vector_load %arg6[%get3A_880, %get3A_881] {strides = array<i32>} : memref<7x48xi32, #tpu.memory_space<vmem>>, vector<1x16xi32>,
        %get3A_883 = vector.shape_cast %get3A_882 : vector<1x16xi32> to vector<16xi32>
        %and3A_884 = arith.constant 65535 : i32
        %and3A_885 = vector.broadcast %and3A_884 : i32 to vector<16xi32>
        %and3A_886 = arith.andi %get3A_883, %and3A_885 : vector<16xi32>
        %swap3A_887 = arith.constant 4 : i32
        %swap3A_888 = arith.index_cast %swap3A_887 : i32 to index
        %swap3A_889 = arith.constant 32 : index
        %swap3A_890 = tpu.vector_load %arg7[%swap3A_888, %swap3A_889] {strides = array<i32>} : memref<7x48xi32, #tpu.memory_space<vmem>>, vector<1x16xi32>,
        %swap3A_891 = vector.shape_cast %swap3A_890 : vector<1x16xi32> to vector<16xi32>
        %swap3A_892 = vector.shape_cast %and3A_886 : vector<16xi32> to vector<1x16xi32>
        tpu.vector_store %arg7[%swap3A_888, %swap3A_889], %swap3A_892 {strides = array<i32>} : memref<7x48xi32, #tpu.memory_space<vmem>>, vector<1x16xi32>,
        %shift_right_arithmetic3A_893 = arith.constant 16 : i32
        %shift_right_arithmetic3A_894 = vector.broadcast %shift_right_arithmetic3A_893 : i32 to vector<16xi32>
        %shift_right_arithmetic3A_895 = arith.shrsi %get3A_883, %shift_right_arithmetic3A_894 : vector<16xi32>
        %swap3A_896 = arith.constant 4 : i32
        %swap3A_897 = arith.index_cast %swap3A_896 : i32 to index
        %swap3A_898 = arith.constant 32 : index
        %swap3A_899 = tpu.vector_load %arg8[%swap3A_897, %swap3A_898] {strides = array<i32>} : memref<7x48xi32, #tpu.memory_space<vmem>>, vector<1x16xi32>,
        %swap3A_900 = vector.shape_cast %swap3A_899 : vector<1x16xi32> to vector<16xi32>
        %swap3A_901 = vector.shape_cast %shift_right_arithmetic3A_895 : vector<16xi32> to vector<1x16xi32>
        tpu.vector_store %arg8[%swap3A_897, %swap3A_898], %swap3A_901 {strides = array<i32>} : memref<7x48xi32, #tpu.memory_space<vmem>>, vector<1x16xi32>,
        %dma_start3A_902 = arith.constant 4 : i32
        %dma_start3A_903 = arith.constant 4 : i32
        %dma_start3A_904 = arith.constant 4 : i32
        %dma_start3A_905 = arith.constant 0 : i32
        %dma_start3A_906 = arith.constant 0 : i32
        %dma_start3A_907 = tpu.memref_slice %arg9[%dma_start3A_903, %dma_start3A_905, %dma_start3A_906] : memref<7x48x128xf32, #tpu.memory_space<vmem>> -> memref<1x48x128xf32, #tpu.memory_space<vmem>>
        %dma_start3A_908 = tpu.memref_squeeze %dma_start3A_907 : memref<1x48x128xf32, #tpu.memory_space<vmem>> -> memref<48x128xf32, #tpu.memory_space<vmem>>
        %dma_start3A_909 = arith.constant 0 : i32
        %dma_start3A_910 = tpu.memref_slice %arg7[%dma_start3A_902, %dma_start3A_909] : memref<7x48xi32, #tpu.memory_space<vmem>> -> memref<1x48xi32, #tpu.memory_space<vmem>>
        %dma_start3A_911 = tpu.memref_squeeze %dma_start3A_910 : memref<1x48xi32, #tpu.memory_space<vmem>> -> memref<48xi32, #tpu.memory_space<vmem>>
        %dma_start3A_912 = arith.constant 0 : i32
        %dma_start3A_913 = arith.constant 0 : i32
        %dma_start3A_914 = tpu.memref_slice %arg2[%dma_start3A_912, %dma_start3A_913] : memref<10000x128xf32, #tpu.memory_space<hbm>> -> memref<10000x128xf32, #tpu.memory_space<hbm>>
        %dma_start3A_915 = tpu.memref_slice %arg12[%dma_start3A_904] : memref<7x!tpu.dma_semaphore, #tpu.memory_space<semaphore_mem>> -> memref<1x!tpu.dma_semaphore, #tpu.memory_space<semaphore_mem>>
        %dma_start3A_916 = tpu.memref_squeeze %dma_start3A_915 : memref<1x!tpu.dma_semaphore, #tpu.memory_space<semaphore_mem>> -> memref<!tpu.dma_semaphore, #tpu.memory_space<semaphore_mem>>
        tpu.enqueue_indirect_dma source(%dma_start3A_914 : memref<10000x128xf32, #tpu.memory_space<hbm>>) target(%dma_start3A_908 : memref<48x128xf32, #tpu.memory_space<vmem>>) offsets(%dma_start3A_911 : memref<48xi32, #tpu.memory_space<vmem>>) semaphore(%dma_start3A_916 : memref<!tpu.dma_semaphore, #tpu.memory_space<semaphore_mem>>)
      } else {
      }
      %dma_wait3A_546 = arith.constant 1 : i32
      %dma_wait3A_547 = arith.constant 1 : i32
      %dma_wait3A_548 = arith.constant 1 : i32
      %dma_wait3A_549 = arith.constant 0 : i32
      %dma_wait3A_550 = arith.constant 0 : i32
      %dma_wait3A_551 = tpu.memref_slice %arg9[%dma_wait3A_547, %dma_wait3A_549, %dma_wait3A_550] : memref<7x48x128xf32, #tpu.memory_space<vmem>> -> memref<1x48x128xf32, #tpu.memory_space<vmem>>
      %dma_wait3A_552 = tpu.memref_squeeze %dma_wait3A_551 : memref<1x48x128xf32, #tpu.memory_space<vmem>> -> memref<48x128xf32, #tpu.memory_space<vmem>>
      %dma_wait3A_553 = arith.constant 0 : i32
      %dma_wait3A_554 = tpu.memref_slice %arg7[%dma_wait3A_546, %dma_wait3A_553] : memref<7x48xi32, #tpu.memory_space<vmem>> -> memref<1x48xi32, #tpu.memory_space<vmem>>
      %dma_wait3A_555 = tpu.memref_squeeze %dma_wait3A_554 : memref<1x48xi32, #tpu.memory_space<vmem>> -> memref<48xi32, #tpu.memory_space<vmem>>
      %dma_wait3A_556 = arith.constant 0 : i32
      %dma_wait3A_557 = arith.constant 0 : i32
      %dma_wait3A_558 = tpu.memref_slice %arg2[%dma_wait3A_556, %dma_wait3A_557] : memref<10000x128xf32, #tpu.memory_space<hbm>> -> memref<10000x128xf32, #tpu.memory_space<hbm>>
      %dma_wait3A_559 = tpu.memref_slice %arg12[%dma_wait3A_548] : memref<7x!tpu.dma_semaphore, #tpu.memory_space<semaphore_mem>> -> memref<1x!tpu.dma_semaphore, #tpu.memory_space<semaphore_mem>>
      %dma_wait3A_560 = tpu.memref_squeeze %dma_wait3A_559 : memref<1x!tpu.dma_semaphore, #tpu.memory_space<semaphore_mem>> -> memref<!tpu.dma_semaphore, #tpu.memory_space<semaphore_mem>>
      tpu.wait_indirect_dma semaphore(%dma_wait3A_560 : memref<!tpu.dma_semaphore, #tpu.memory_space<semaphore_mem>>) src(%dma_wait3A_558 : memref<10000x128xf32, #tpu.memory_space<hbm>>) dst(%dma_wait3A_552 : memref<48x128xf32, #tpu.memory_space<vmem>>)
      %dma_start3A_561 = arith.constant 1 : i32
      %dma_start3A_562 = arith.constant 1 : i32
      %dma_start3A_563 = arith.constant 1 : i32
      %dma_start3A_564 = arith.constant 0 : i32
      %dma_start3A_565 = arith.constant 0 : i32
      %dma_start3A_566 = tpu.memref_slice %arg9[%dma_start3A_561, %dma_start3A_564, %dma_start3A_565] : memref<7x48x128xf32, #tpu.memory_space<vmem>> -> memref<1x48x128xf32, #tpu.memory_space<vmem>>
      %dma_start3A_567 = tpu.memref_squeeze %dma_start3A_566 : memref<1x48x128xf32, #tpu.memory_space<vmem>> -> memref<48x128xf32, #tpu.memory_space<vmem>>
      %dma_start3A_568 = arith.constant 0 : i32
      %dma_start3A_569 = tpu.memref_slice %arg8[%dma_start3A_562, %dma_start3A_568] : memref<7x48xi32, #tpu.memory_space<vmem>> -> memref<1x48xi32, #tpu.memory_space<vmem>>
      %dma_start3A_570 = tpu.memref_squeeze %dma_start3A_569 : memref<1x48xi32, #tpu.memory_space<vmem>> -> memref<48xi32, #tpu.memory_space<vmem>>
      %dma_start3A_571 = arith.constant 0 : i32
      %dma_start3A_572 = arith.constant 0 : i32
      %dma_start3A_573 = tpu.memref_slice %arg10[%dma_start3A_571, %dma_start3A_572] : memref<10008x128xf32, #tpu.memory_space<vmem_shared>> -> memref<10008x128xf32, #tpu.memory_space<vmem_shared>>
      %dma_start3A_574 = tpu.memref_slice %arg13[%dma_start3A_563] : memref<7x!tpu.dma_semaphore, #tpu.memory_space<semaphore_mem>> -> memref<1x!tpu.dma_semaphore, #tpu.memory_space<semaphore_mem>>
      %dma_start3A_575 = tpu.memref_squeeze %dma_start3A_574 : memref<1x!tpu.dma_semaphore, #tpu.memory_space<semaphore_mem>> -> memref<!tpu.dma_semaphore, #tpu.memory_space<semaphore_mem>>
      tpu.enqueue_indirect_dma source(%dma_start3A_567 : memref<48x128xf32, #tpu.memory_space<vmem>>) target(%dma_start3A_573 : memref<10008x128xf32, #tpu.memory_space<vmem_shared>>) offsets(%dma_start3A_570 : memref<48xi32, #tpu.memory_space<vmem>>) semaphore(%dma_start3A_575 : memref<!tpu.dma_semaphore, #tpu.memory_space<semaphore_mem>>) {add = true}
      %mul3A_576 = arith.constant 7 : i32
      %mul3A_577 = arith.muli %add3A_479, %mul3A_576 : i32
      %add3A_578 = arith.constant 2 : i32
      %add3A_579 = arith.addi %mul3A_577, %add3A_578 : i32
      %add3A_580 = arith.constant 4 : i32
      %add3A_581 = arith.addi %add3A_579, %add3A_580 : i32
      %lt3A_582 = arith.constant 217 : i32
      %lt3A_583 = arith.cmpi slt, %add3A_581, %lt3A_582 : i32
      %convert_element_type3A_584 = arith.extui %lt3A_583 : i1 to i32
      %cond3A_585 = arith.constant 0 : i32
      %cond3A_586 = arith.cmpi ne, %convert_element_type3A_584, %cond3A_585 : i32
      scf.if %cond3A_586 {
        %ge3A = arith.constant 3 : i32
        %ge3A_816 = arith.cmpi sge, %add3A_579, %ge3A : i32
        %convert_element_type3A_817 = arith.extui %ge3A_816 : i1 to i32
        %cond3A_818 = arith.constant 0 : i32
        %cond3A_819 = arith.cmpi ne, %convert_element_type3A_817, %cond3A_818 : i32
        scf.if %cond3A_819 {
          %dma_wait3A_837 = arith.constant 6 : i32
          %dma_wait3A_838 = arith.constant 6 : i32
          %dma_wait3A_839 = arith.constant 6 : i32
          %dma_wait3A_840 = arith.constant 0 : i32
          %dma_wait3A_841 = arith.constant 0 : i32
          %dma_wait3A_842 = tpu.memref_slice %arg9[%dma_wait3A_837, %dma_wait3A_840, %dma_wait3A_841] : memref<7x48x128xf32, #tpu.memory_space<vmem>> -> memref<1x48x128xf32, #tpu.memory_space<vmem>>
          %dma_wait3A_843 = tpu.memref_squeeze %dma_wait3A_842 : memref<1x48x128xf32, #tpu.memory_space<vmem>> -> memref<48x128xf32, #tpu.memory_space<vmem>>
          %dma_wait3A_844 = arith.constant 0 : i32
          %dma_wait3A_845 = tpu.memref_slice %arg8[%dma_wait3A_838, %dma_wait3A_844] : memref<7x48xi32, #tpu.memory_space<vmem>> -> memref<1x48xi32, #tpu.memory_space<vmem>>
          %dma_wait3A_846 = tpu.memref_squeeze %dma_wait3A_845 : memref<1x48xi32, #tpu.memory_space<vmem>> -> memref<48xi32, #tpu.memory_space<vmem>>
          %dma_wait3A_847 = arith.constant 0 : i32
          %dma_wait3A_848 = arith.constant 0 : i32
          %dma_wait3A_849 = tpu.memref_slice %arg10[%dma_wait3A_847, %dma_wait3A_848] : memref<10008x128xf32, #tpu.memory_space<vmem_shared>> -> memref<10008x128xf32, #tpu.memory_space<vmem_shared>>
          %dma_wait3A_850 = tpu.memref_slice %arg13[%dma_wait3A_839] : memref<7x!tpu.dma_semaphore, #tpu.memory_space<semaphore_mem>> -> memref<1x!tpu.dma_semaphore, #tpu.memory_space<semaphore_mem>>
          %dma_wait3A_851 = tpu.memref_squeeze %dma_wait3A_850 : memref<1x!tpu.dma_semaphore, #tpu.memory_space<semaphore_mem>> -> memref<!tpu.dma_semaphore, #tpu.memory_space<semaphore_mem>>
          tpu.wait_indirect_dma semaphore(%dma_wait3A_851 : memref<!tpu.dma_semaphore, #tpu.memory_space<semaphore_mem>>) src(%dma_wait3A_843 : memref<48x128xf32, #tpu.memory_space<vmem>>) dst(%dma_wait3A_849 : memref<10008x128xf32, #tpu.memory_space<vmem_shared>>)
        } else {
        }
        %add3A_820 = arith.constant 4 : i32
        %add3A_821 = arith.addi %add3A_579, %add3A_820 : i32
        %mul3A_822 = arith.constant 48 : i32
        %mul3A_823 = arith.muli %add3A_821, %mul3A_822 : i32
        %add3A_824 = arith.addi %mul3A_4, %mul3A_823 : i32
        %dma_start3A_825 = arith.constant 6 : i32
        %dma_start3A_826 = arith.constant 6 : i32
        %dma_start3A_827 = arith.constant 0 : i32
        %dma_start3A_828 = tpu.memref_slice %arg6[%dma_start3A_825, %dma_start3A_827] : memref<7x48xi32, #tpu.memory_space<vmem>> -> memref<1x48xi32, #tpu.memory_space<vmem>>
        %dma_start3A_829 = tpu.memref_squeeze %dma_start3A_828 : memref<1x48xi32, #tpu.memory_space<vmem>> -> memref<48xi32, #tpu.memory_space<vmem>>
        %dma_start3A_830 = tpu.memref_slice %arg3[%add3A_824] : memref<333312xi32, #tpu.memory_space<hbm>> -> memref<48xi32, #tpu.memory_space<hbm>>
        %dma_start3A_831 = tpu.memref_slice %arg11[%dma_start3A_826] : memref<7x!tpu.dma_semaphore, #tpu.memory_space<semaphore_mem>> -> memref<1x!tpu.dma_semaphore, #tpu.memory_space<semaphore_mem>>
        %dma_start3A_832 = tpu.memref_squeeze %dma_start3A_831 : memref<1x!tpu.dma_semaphore, #tpu.memory_space<semaphore_mem>> -> memref<!tpu.dma_semaphore, #tpu.memory_space<semaphore_mem>>
        %dma_start3A_833 = arith.constant 0 : i32
        %dma_start3A_834 = tpu.memref_slice %arg6[%dma_start3A_825, %dma_start3A_833] : memref<7x48xi32, #tpu.memory_space<vmem>> -> memref<1x48xi32, #tpu.memory_space<vmem>>
        %dma_start3A_835 = tpu.memref_squeeze %dma_start3A_834 : memref<1x48xi32, #tpu.memory_space<vmem>> -> memref<48xi32, #tpu.memory_space<vmem>>
        %dma_start3A_836 = tpu.memref_slice %arg3[%add3A_824] : memref<333312xi32, #tpu.memory_space<hbm>> -> memref<48xi32, #tpu.memory_space<hbm>>
        tpu.enqueue_dma source(%dma_start3A_836 : memref<48xi32, #tpu.memory_space<hbm>>) target(%dma_start3A_835 : memref<48xi32, #tpu.memory_space<vmem>>) target_semaphore(%dma_start3A_832 : memref<!tpu.dma_semaphore, #tpu.memory_space<semaphore_mem>>)
      } else {
      }
      %add3A_587 = arith.constant 3 : i32
      %add3A_588 = arith.addi %add3A_579, %add3A_587 : i32
      %lt3A_589 = arith.constant 217 : i32
      %lt3A_590 = arith.cmpi slt, %add3A_588, %lt3A_589 : i32
      %convert_element_type3A_591 = arith.extui %lt3A_590 : i1 to i32
      %cond3A_592 = arith.constant 0 : i32
      %cond3A_593 = arith.cmpi ne, %convert_element_type3A_591, %cond3A_592 : i32
      scf.if %cond3A_593 {
        %add3A_816 = arith.constant 3 : i32
        %add3A_817 = arith.addi %add3A_579, %add3A_816 : i32
        %mul3A_818 = arith.constant 48 : i32
        %mul3A_819 = arith.muli %add3A_817, %mul3A_818 : i32
        %add3A_820 = arith.addi %mul3A_4, %mul3A_819 : i32
        %dma_wait3A_821 = arith.constant 5 : i32
        %dma_wait3A_822 = arith.constant 5 : i32
        %dma_wait3A_823 = arith.constant 0 : i32
        %dma_wait3A_824 = tpu.memref_slice %arg6[%dma_wait3A_821, %dma_wait3A_823] : memref<7x48xi32, #tpu.memory_space<vmem>> -> memref<1x48xi32, #tpu.memory_space<vmem>>
        %dma_wait3A_825 = tpu.memref_squeeze %dma_wait3A_824 : memref<1x48xi32, #tpu.memory_space<vmem>> -> memref<48xi32, #tpu.memory_space<vmem>>
        %dma_wait3A_826 = tpu.memref_slice %arg3[%add3A_820] : memref<333312xi32, #tpu.memory_space<hbm>> -> memref<48xi32, #tpu.memory_space<hbm>>
        %dma_wait3A_827 = tpu.memref_slice %arg11[%dma_wait3A_822] : memref<7x!tpu.dma_semaphore, #tpu.memory_space<semaphore_mem>> -> memref<1x!tpu.dma_semaphore, #tpu.memory_space<semaphore_mem>>
        %dma_wait3A_828 = tpu.memref_squeeze %dma_wait3A_827 : memref<1x!tpu.dma_semaphore, #tpu.memory_space<semaphore_mem>> -> memref<!tpu.dma_semaphore, #tpu.memory_space<semaphore_mem>>
        %dma_wait3A_829 = arith.constant 0 : i32
        %dma_wait3A_830 = tpu.memref_slice %arg6[%dma_wait3A_821, %dma_wait3A_829] : memref<7x48xi32, #tpu.memory_space<vmem>> -> memref<1x48xi32, #tpu.memory_space<vmem>>
        %dma_wait3A_831 = tpu.memref_squeeze %dma_wait3A_830 : memref<1x48xi32, #tpu.memory_space<vmem>> -> memref<48xi32, #tpu.memory_space<vmem>>
        %dma_wait3A_832 = tpu.memref_slice %arg3[%add3A_820] : memref<333312xi32, #tpu.memory_space<hbm>> -> memref<48xi32, #tpu.memory_space<hbm>>
        tpu.wait_dma2 semaphore(%dma_wait3A_828 : memref<!tpu.dma_semaphore, #tpu.memory_space<semaphore_mem>>) src(%dma_wait3A_832 : memref<48xi32, #tpu.memory_space<hbm>>) dst(%dma_wait3A_831 : memref<48xi32, #tpu.memory_space<vmem>>)
        %get3A_833 = arith.constant 5 : i32
        %get3A_834 = arith.index_cast %get3A_833 : i32 to index
        %get3A_835 = arith.constant 0 : index
        %get3A_836 = tpu.vector_load %arg6[%get3A_834, %get3A_835] {strides = array<i32>} : memref<7x48xi32, #tpu.memory_space<vmem>>, vector<1x16xi32>,
        %get3A_837 = vector.shape_cast %get3A_836 : vector<1x16xi32> to vector<16xi32>
        %and3A_838 = arith.constant 65535 : i32
        %and3A_839 = vector.broadcast %and3A_838 : i32 to vector<16xi32>
        %and3A_840 = arith.andi %get3A_837, %and3A_839 : vector<16xi32>
        %swap3A_841 = arith.constant 5 : i32
        %swap3A_842 = arith.index_cast %swap3A_841 : i32 to index
        %swap3A_843 = arith.constant 0 : index
        %swap3A_844 = tpu.vector_load %arg7[%swap3A_842, %swap3A_843] {strides = array<i32>} : memref<7x48xi32, #tpu.memory_space<vmem>>, vector<1x16xi32>,
        %swap3A_845 = vector.shape_cast %swap3A_844 : vector<1x16xi32> to vector<16xi32>
        %swap3A_846 = vector.shape_cast %and3A_840 : vector<16xi32> to vector<1x16xi32>
        tpu.vector_store %arg7[%swap3A_842, %swap3A_843], %swap3A_846 {strides = array<i32>} : memref<7x48xi32, #tpu.memory_space<vmem>>, vector<1x16xi32>,
        %shift_right_arithmetic3A_847 = arith.constant 16 : i32
        %shift_right_arithmetic3A_848 = vector.broadcast %shift_right_arithmetic3A_847 : i32 to vector<16xi32>
        %shift_right_arithmetic3A_849 = arith.shrsi %get3A_837, %shift_right_arithmetic3A_848 : vector<16xi32>
        %swap3A_850 = arith.constant 5 : i32
        %swap3A_851 = arith.index_cast %swap3A_850 : i32 to index
        %swap3A_852 = arith.constant 0 : index
        %swap3A_853 = tpu.vector_load %arg8[%swap3A_851, %swap3A_852] {strides = array<i32>} : memref<7x48xi32, #tpu.memory_space<vmem>>, vector<1x16xi32>,
        %swap3A_854 = vector.shape_cast %swap3A_853 : vector<1x16xi32> to vector<16xi32>
        %swap3A_855 = vector.shape_cast %shift_right_arithmetic3A_849 : vector<16xi32> to vector<1x16xi32>
        tpu.vector_store %arg8[%swap3A_851, %swap3A_852], %swap3A_855 {strides = array<i32>} : memref<7x48xi32, #tpu.memory_space<vmem>>, vector<1x16xi32>,
        %get3A_856 = arith.constant 5 : i32
        %get3A_857 = arith.index_cast %get3A_856 : i32 to index
        %get3A_858 = arith.constant 16 : index
        %get3A_859 = tpu.vector_load %arg6[%get3A_857, %get3A_858] {strides = array<i32>} : memref<7x48xi32, #tpu.memory_space<vmem>>, vector<1x16xi32>,
        %get3A_860 = vector.shape_cast %get3A_859 : vector<1x16xi32> to vector<16xi32>
        %and3A_861 = arith.constant 65535 : i32
        %and3A_862 = vector.broadcast %and3A_861 : i32 to vector<16xi32>
        %and3A_863 = arith.andi %get3A_860, %and3A_862 : vector<16xi32>
        %swap3A_864 = arith.constant 5 : i32
        %swap3A_865 = arith.index_cast %swap3A_864 : i32 to index
        %swap3A_866 = arith.constant 16 : index
        %swap3A_867 = tpu.vector_load %arg7[%swap3A_865, %swap3A_866] {strides = array<i32>} : memref<7x48xi32, #tpu.memory_space<vmem>>, vector<1x16xi32>,
        %swap3A_868 = vector.shape_cast %swap3A_867 : vector<1x16xi32> to vector<16xi32>
        %swap3A_869 = vector.shape_cast %and3A_863 : vector<16xi32> to vector<1x16xi32>
        tpu.vector_store %arg7[%swap3A_865, %swap3A_866], %swap3A_869 {strides = array<i32>} : memref<7x48xi32, #tpu.memory_space<vmem>>, vector<1x16xi32>,
        %shift_right_arithmetic3A_870 = arith.constant 16 : i32
        %shift_right_arithmetic3A_871 = vector.broadcast %shift_right_arithmetic3A_870 : i32 to vector<16xi32>
        %shift_right_arithmetic3A_872 = arith.shrsi %get3A_860, %shift_right_arithmetic3A_871 : vector<16xi32>
        %swap3A_873 = arith.constant 5 : i32
        %swap3A_874 = arith.index_cast %swap3A_873 : i32 to index
        %swap3A_875 = arith.constant 16 : index
        %swap3A_876 = tpu.vector_load %arg8[%swap3A_874, %swap3A_875] {strides = array<i32>} : memref<7x48xi32, #tpu.memory_space<vmem>>, vector<1x16xi32>,
        %swap3A_877 = vector.shape_cast %swap3A_876 : vector<1x16xi32> to vector<16xi32>
        %swap3A_878 = vector.shape_cast %shift_right_arithmetic3A_872 : vector<16xi32> to vector<1x16xi32>
        tpu.vector_store %arg8[%swap3A_874, %swap3A_875], %swap3A_878 {strides = array<i32>} : memref<7x48xi32, #tpu.memory_space<vmem>>, vector<1x16xi32>,
        %get3A_879 = arith.constant 5 : i32
        %get3A_880 = arith.index_cast %get3A_879 : i32 to index
        %get3A_881 = arith.constant 32 : index
        %get3A_882 = tpu.vector_load %arg6[%get3A_880, %get3A_881] {strides = array<i32>} : memref<7x48xi32, #tpu.memory_space<vmem>>, vector<1x16xi32>,
        %get3A_883 = vector.shape_cast %get3A_882 : vector<1x16xi32> to vector<16xi32>
        %and3A_884 = arith.constant 65535 : i32
        %and3A_885 = vector.broadcast %and3A_884 : i32 to vector<16xi32>
        %and3A_886 = arith.andi %get3A_883, %and3A_885 : vector<16xi32>
        %swap3A_887 = arith.constant 5 : i32
        %swap3A_888 = arith.index_cast %swap3A_887 : i32 to index
        %swap3A_889 = arith.constant 32 : index
        %swap3A_890 = tpu.vector_load %arg7[%swap3A_888, %swap3A_889] {strides = array<i32>} : memref<7x48xi32, #tpu.memory_space<vmem>>, vector<1x16xi32>,
        %swap3A_891 = vector.shape_cast %swap3A_890 : vector<1x16xi32> to vector<16xi32>
        %swap3A_892 = vector.shape_cast %and3A_886 : vector<16xi32> to vector<1x16xi32>
        tpu.vector_store %arg7[%swap3A_888, %swap3A_889], %swap3A_892 {strides = array<i32>} : memref<7x48xi32, #tpu.memory_space<vmem>>, vector<1x16xi32>,
        %shift_right_arithmetic3A_893 = arith.constant 16 : i32
        %shift_right_arithmetic3A_894 = vector.broadcast %shift_right_arithmetic3A_893 : i32 to vector<16xi32>
        %shift_right_arithmetic3A_895 = arith.shrsi %get3A_883, %shift_right_arithmetic3A_894 : vector<16xi32>
        %swap3A_896 = arith.constant 5 : i32
        %swap3A_897 = arith.index_cast %swap3A_896 : i32 to index
        %swap3A_898 = arith.constant 32 : index
        %swap3A_899 = tpu.vector_load %arg8[%swap3A_897, %swap3A_898] {strides = array<i32>} : memref<7x48xi32, #tpu.memory_space<vmem>>, vector<1x16xi32>,
        %swap3A_900 = vector.shape_cast %swap3A_899 : vector<1x16xi32> to vector<16xi32>
        %swap3A_901 = vector.shape_cast %shift_right_arithmetic3A_895 : vector<16xi32> to vector<1x16xi32>
        tpu.vector_store %arg8[%swap3A_897, %swap3A_898], %swap3A_901 {strides = array<i32>} : memref<7x48xi32, #tpu.memory_space<vmem>>, vector<1x16xi32>,
        %dma_start3A_902 = arith.constant 5 : i32
        %dma_start3A_903 = arith.constant 5 : i32
        %dma_start3A_904 = arith.constant 5 : i32
        %dma_start3A_905 = arith.constant 0 : i32
        %dma_start3A_906 = arith.constant 0 : i32
        %dma_start3A_907 = tpu.memref_slice %arg9[%dma_start3A_903, %dma_start3A_905, %dma_start3A_906] : memref<7x48x128xf32, #tpu.memory_space<vmem>> -> memref<1x48x128xf32, #tpu.memory_space<vmem>>
        %dma_start3A_908 = tpu.memref_squeeze %dma_start3A_907 : memref<1x48x128xf32, #tpu.memory_space<vmem>> -> memref<48x128xf32, #tpu.memory_space<vmem>>
        %dma_start3A_909 = arith.constant 0 : i32
        %dma_start3A_910 = tpu.memref_slice %arg7[%dma_start3A_902, %dma_start3A_909] : memref<7x48xi32, #tpu.memory_space<vmem>> -> memref<1x48xi32, #tpu.memory_space<vmem>>
        %dma_start3A_911 = tpu.memref_squeeze %dma_start3A_910 : memref<1x48xi32, #tpu.memory_space<vmem>> -> memref<48xi32, #tpu.memory_space<vmem>>
        %dma_start3A_912 = arith.constant 0 : i32
        %dma_start3A_913 = arith.constant 0 : i32
        %dma_start3A_914 = tpu.memref_slice %arg2[%dma_start3A_912, %dma_start3A_913] : memref<10000x128xf32, #tpu.memory_space<hbm>> -> memref<10000x128xf32, #tpu.memory_space<hbm>>
        %dma_start3A_915 = tpu.memref_slice %arg12[%dma_start3A_904] : memref<7x!tpu.dma_semaphore, #tpu.memory_space<semaphore_mem>> -> memref<1x!tpu.dma_semaphore, #tpu.memory_space<semaphore_mem>>
        %dma_start3A_916 = tpu.memref_squeeze %dma_start3A_915 : memref<1x!tpu.dma_semaphore, #tpu.memory_space<semaphore_mem>> -> memref<!tpu.dma_semaphore, #tpu.memory_space<semaphore_mem>>
        tpu.enqueue_indirect_dma source(%dma_start3A_914 : memref<10000x128xf32, #tpu.memory_space<hbm>>) target(%dma_start3A_908 : memref<48x128xf32, #tpu.memory_space<vmem>>) offsets(%dma_start3A_911 : memref<48xi32, #tpu.memory_space<vmem>>) semaphore(%dma_start3A_916 : memref<!tpu.dma_semaphore, #tpu.memory_space<semaphore_mem>>)
      } else {
      }
      %dma_wait3A_594 = arith.constant 2 : i32
      %dma_wait3A_595 = arith.constant 2 : i32
      %dma_wait3A_596 = arith.constant 2 : i32
      %dma_wait3A_597 = arith.constant 0 : i32
      %dma_wait3A_598 = arith.constant 0 : i32
      %dma_wait3A_599 = tpu.memref_slice %arg9[%dma_wait3A_595, %dma_wait3A_597, %dma_wait3A_598] : memref<7x48x128xf32, #tpu.memory_space<vmem>> -> memref<1x48x128xf32, #tpu.memory_space<vmem>>
      %dma_wait3A_600 = tpu.memref_squeeze %dma_wait3A_599 : memref<1x48x128xf32, #tpu.memory_space<vmem>> -> memref<48x128xf32, #tpu.memory_space<vmem>>
      %dma_wait3A_601 = arith.constant 0 : i32
      %dma_wait3A_602 = tpu.memref_slice %arg7[%dma_wait3A_594, %dma_wait3A_601] : memref<7x48xi32, #tpu.memory_space<vmem>> -> memref<1x48xi32, #tpu.memory_space<vmem>>
      %dma_wait3A_603 = tpu.memref_squeeze %dma_wait3A_602 : memref<1x48xi32, #tpu.memory_space<vmem>> -> memref<48xi32, #tpu.memory_space<vmem>>
      %dma_wait3A_604 = arith.constant 0 : i32
      %dma_wait3A_605 = arith.constant 0 : i32
      %dma_wait3A_606 = tpu.memref_slice %arg2[%dma_wait3A_604, %dma_wait3A_605] : memref<10000x128xf32, #tpu.memory_space<hbm>> -> memref<10000x128xf32, #tpu.memory_space<hbm>>
      %dma_wait3A_607 = tpu.memref_slice %arg12[%dma_wait3A_596] : memref<7x!tpu.dma_semaphore, #tpu.memory_space<semaphore_mem>> -> memref<1x!tpu.dma_semaphore, #tpu.memory_space<semaphore_mem>>
      %dma_wait3A_608 = tpu.memref_squeeze %dma_wait3A_607 : memref<1x!tpu.dma_semaphore, #tpu.memory_space<semaphore_mem>> -> memref<!tpu.dma_semaphore, #tpu.memory_space<semaphore_mem>>
      tpu.wait_indirect_dma semaphore(%dma_wait3A_608 : memref<!tpu.dma_semaphore, #tpu.memory_space<semaphore_mem>>) src(%dma_wait3A_606 : memref<10000x128xf32, #tpu.memory_space<hbm>>) dst(%dma_wait3A_600 : memref<48x128xf32, #tpu.memory_space<vmem>>)
      %dma_start3A_609 = arith.constant 2 : i32
      %dma_start3A_610 = arith.constant 2 : i32
      %dma_start3A_611 = arith.constant 2 : i32
      %dma_start3A_612 = arith.constant 0 : i32
      %dma_start3A_613 = arith.constant 0 : i32
      %dma_start3A_614 = tpu.memref_slice %arg9[%dma_start3A_609, %dma_start3A_612, %dma_start3A_613] : memref<7x48x128xf32, #tpu.memory_space<vmem>> -> memref<1x48x128xf32, #tpu.memory_space<vmem>>
      %dma_start3A_615 = tpu.memref_squeeze %dma_start3A_614 : memref<1x48x128xf32, #tpu.memory_space<vmem>> -> memref<48x128xf32, #tpu.memory_space<vmem>>
      %dma_start3A_616 = arith.constant 0 : i32
      %dma_start3A_617 = tpu.memref_slice %arg8[%dma_start3A_610, %dma_start3A_616] : memref<7x48xi32, #tpu.memory_space<vmem>> -> memref<1x48xi32, #tpu.memory_space<vmem>>
      %dma_start3A_618 = tpu.memref_squeeze %dma_start3A_617 : memref<1x48xi32, #tpu.memory_space<vmem>> -> memref<48xi32, #tpu.memory_space<vmem>>
      %dma_start3A_619 = arith.constant 0 : i32
      %dma_start3A_620 = arith.constant 0 : i32
      %dma_start3A_621 = tpu.memref_slice %arg10[%dma_start3A_619, %dma_start3A_620] : memref<10008x128xf32, #tpu.memory_space<vmem_shared>> -> memref<10008x128xf32, #tpu.memory_space<vmem_shared>>
      %dma_start3A_622 = tpu.memref_slice %arg13[%dma_start3A_611] : memref<7x!tpu.dma_semaphore, #tpu.memory_space<semaphore_mem>> -> memref<1x!tpu.dma_semaphore, #tpu.memory_space<semaphore_mem>>
      %dma_start3A_623 = tpu.memref_squeeze %dma_start3A_622 : memref<1x!tpu.dma_semaphore, #tpu.memory_space<semaphore_mem>> -> memref<!tpu.dma_semaphore, #tpu.memory_space<semaphore_mem>>
      tpu.enqueue_indirect_dma source(%dma_start3A_615 : memref<48x128xf32, #tpu.memory_space<vmem>>) target(%dma_start3A_621 : memref<10008x128xf32, #tpu.memory_space<vmem_shared>>) offsets(%dma_start3A_618 : memref<48xi32, #tpu.memory_space<vmem>>) semaphore(%dma_start3A_623 : memref<!tpu.dma_semaphore, #tpu.memory_space<semaphore_mem>>) {add = true}
      %mul3A_624 = arith.constant 7 : i32
      %mul3A_625 = arith.muli %add3A_479, %mul3A_624 : i32
      %add3A_626 = arith.constant 3 : i32
      %add3A_627 = arith.addi %mul3A_625, %add3A_626 : i32
      %add3A_628 = arith.constant 4 : i32
      %add3A_629 = arith.addi %add3A_627, %add3A_628 : i32
      %lt3A_630 = arith.constant 217 : i32
      %lt3A_631 = arith.cmpi slt, %add3A_629, %lt3A_630 : i32
      %convert_element_type3A_632 = arith.extui %lt3A_631 : i1 to i32
      %cond3A_633 = arith.constant 0 : i32
      %cond3A_634 = arith.cmpi ne, %convert_element_type3A_632, %cond3A_633 : i32
      scf.if %cond3A_634 {
        %ge3A = arith.constant 3 : i32
        %ge3A_816 = arith.cmpi sge, %add3A_627, %ge3A : i32
        %convert_element_type3A_817 = arith.extui %ge3A_816 : i1 to i32
        %cond3A_818 = arith.constant 0 : i32
        %cond3A_819 = arith.cmpi ne, %convert_element_type3A_817, %cond3A_818 : i32
        scf.if %cond3A_819 {
          %dma_wait3A_837 = arith.constant 0 : i32
          %dma_wait3A_838 = arith.constant 0 : i32
          %dma_wait3A_839 = arith.constant 0 : i32
          %dma_wait3A_840 = arith.constant 0 : i32
          %dma_wait3A_841 = arith.constant 0 : i32
          %dma_wait3A_842 = tpu.memref_slice %arg9[%dma_wait3A_837, %dma_wait3A_840, %dma_wait3A_841] : memref<7x48x128xf32, #tpu.memory_space<vmem>> -> memref<1x48x128xf32, #tpu.memory_space<vmem>>
          %dma_wait3A_843 = tpu.memref_squeeze %dma_wait3A_842 : memref<1x48x128xf32, #tpu.memory_space<vmem>> -> memref<48x128xf32, #tpu.memory_space<vmem>>
          %dma_wait3A_844 = arith.constant 0 : i32
          %dma_wait3A_845 = tpu.memref_slice %arg8[%dma_wait3A_838, %dma_wait3A_844] : memref<7x48xi32, #tpu.memory_space<vmem>> -> memref<1x48xi32, #tpu.memory_space<vmem>>
          %dma_wait3A_846 = tpu.memref_squeeze %dma_wait3A_845 : memref<1x48xi32, #tpu.memory_space<vmem>> -> memref<48xi32, #tpu.memory_space<vmem>>
          %dma_wait3A_847 = arith.constant 0 : i32
          %dma_wait3A_848 = arith.constant 0 : i32
          %dma_wait3A_849 = tpu.memref_slice %arg10[%dma_wait3A_847, %dma_wait3A_848] : memref<10008x128xf32, #tpu.memory_space<vmem_shared>> -> memref<10008x128xf32, #tpu.memory_space<vmem_shared>>
          %dma_wait3A_850 = tpu.memref_slice %arg13[%dma_wait3A_839] : memref<7x!tpu.dma_semaphore, #tpu.memory_space<semaphore_mem>> -> memref<1x!tpu.dma_semaphore, #tpu.memory_space<semaphore_mem>>
          %dma_wait3A_851 = tpu.memref_squeeze %dma_wait3A_850 : memref<1x!tpu.dma_semaphore, #tpu.memory_space<semaphore_mem>> -> memref<!tpu.dma_semaphore, #tpu.memory_space<semaphore_mem>>
          tpu.wait_indirect_dma semaphore(%dma_wait3A_851 : memref<!tpu.dma_semaphore, #tpu.memory_space<semaphore_mem>>) src(%dma_wait3A_843 : memref<48x128xf32, #tpu.memory_space<vmem>>) dst(%dma_wait3A_849 : memref<10008x128xf32, #tpu.memory_space<vmem_shared>>)
        } else {
        }
        %add3A_820 = arith.constant 4 : i32
        %add3A_821 = arith.addi %add3A_627, %add3A_820 : i32
        %mul3A_822 = arith.constant 48 : i32
        %mul3A_823 = arith.muli %add3A_821, %mul3A_822 : i32
        %add3A_824 = arith.addi %mul3A_4, %mul3A_823 : i32
        %dma_start3A_825 = arith.constant 0 : i32
        %dma_start3A_826 = arith.constant 0 : i32
        %dma_start3A_827 = arith.constant 0 : i32
        %dma_start3A_828 = tpu.memref_slice %arg6[%dma_start3A_825, %dma_start3A_827] : memref<7x48xi32, #tpu.memory_space<vmem>> -> memref<1x48xi32, #tpu.memory_space<vmem>>
        %dma_start3A_829 = tpu.memref_squeeze %dma_start3A_828 : memref<1x48xi32, #tpu.memory_space<vmem>> -> memref<48xi32, #tpu.memory_space<vmem>>
        %dma_start3A_830 = tpu.memref_slice %arg3[%add3A_824] : memref<333312xi32, #tpu.memory_space<hbm>> -> memref<48xi32, #tpu.memory_space<hbm>>
        %dma_start3A_831 = tpu.memref_slice %arg11[%dma_start3A_826] : memref<7x!tpu.dma_semaphore, #tpu.memory_space<semaphore_mem>> -> memref<1x!tpu.dma_semaphore, #tpu.memory_space<semaphore_mem>>
        %dma_start3A_832 = tpu.memref_squeeze %dma_start3A_831 : memref<1x!tpu.dma_semaphore, #tpu.memory_space<semaphore_mem>> -> memref<!tpu.dma_semaphore, #tpu.memory_space<semaphore_mem>>
        %dma_start3A_833 = arith.constant 0 : i32
        %dma_start3A_834 = tpu.memref_slice %arg6[%dma_start3A_825, %dma_start3A_833] : memref<7x48xi32, #tpu.memory_space<vmem>> -> memref<1x48xi32, #tpu.memory_space<vmem>>
        %dma_start3A_835 = tpu.memref_squeeze %dma_start3A_834 : memref<1x48xi32, #tpu.memory_space<vmem>> -> memref<48xi32, #tpu.memory_space<vmem>>
        %dma_start3A_836 = tpu.memref_slice %arg3[%add3A_824] : memref<333312xi32, #tpu.memory_space<hbm>> -> memref<48xi32, #tpu.memory_space<hbm>>
        tpu.enqueue_dma source(%dma_start3A_836 : memref<48xi32, #tpu.memory_space<hbm>>) target(%dma_start3A_835 : memref<48xi32, #tpu.memory_space<vmem>>) target_semaphore(%dma_start3A_832 : memref<!tpu.dma_semaphore, #tpu.memory_space<semaphore_mem>>)
      } else {
      }
      %add3A_635 = arith.constant 3 : i32
      %add3A_636 = arith.addi %add3A_627, %add3A_635 : i32
      %lt3A_637 = arith.constant 217 : i32
      %lt3A_638 = arith.cmpi slt, %add3A_636, %lt3A_637 : i32
      %convert_element_type3A_639 = arith.extui %lt3A_638 : i1 to i32
      %cond3A_640 = arith.constant 0 : i32
      %cond3A_641 = arith.cmpi ne, %convert_element_type3A_639, %cond3A_640 : i32
      scf.if %cond3A_641 {
        %add3A_816 = arith.constant 3 : i32
        %add3A_817 = arith.addi %add3A_627, %add3A_816 : i32
        %mul3A_818 = arith.constant 48 : i32
        %mul3A_819 = arith.muli %add3A_817, %mul3A_818 : i32
        %add3A_820 = arith.addi %mul3A_4, %mul3A_819 : i32
        %dma_wait3A_821 = arith.constant 6 : i32
        %dma_wait3A_822 = arith.constant 6 : i32
        %dma_wait3A_823 = arith.constant 0 : i32
        %dma_wait3A_824 = tpu.memref_slice %arg6[%dma_wait3A_821, %dma_wait3A_823] : memref<7x48xi32, #tpu.memory_space<vmem>> -> memref<1x48xi32, #tpu.memory_space<vmem>>
        %dma_wait3A_825 = tpu.memref_squeeze %dma_wait3A_824 : memref<1x48xi32, #tpu.memory_space<vmem>> -> memref<48xi32, #tpu.memory_space<vmem>>
        %dma_wait3A_826 = tpu.memref_slice %arg3[%add3A_820] : memref<333312xi32, #tpu.memory_space<hbm>> -> memref<48xi32, #tpu.memory_space<hbm>>
        %dma_wait3A_827 = tpu.memref_slice %arg11[%dma_wait3A_822] : memref<7x!tpu.dma_semaphore, #tpu.memory_space<semaphore_mem>> -> memref<1x!tpu.dma_semaphore, #tpu.memory_space<semaphore_mem>>
        %dma_wait3A_828 = tpu.memref_squeeze %dma_wait3A_827 : memref<1x!tpu.dma_semaphore, #tpu.memory_space<semaphore_mem>> -> memref<!tpu.dma_semaphore, #tpu.memory_space<semaphore_mem>>
        %dma_wait3A_829 = arith.constant 0 : i32
        %dma_wait3A_830 = tpu.memref_slice %arg6[%dma_wait3A_821, %dma_wait3A_829] : memref<7x48xi32, #tpu.memory_space<vmem>> -> memref<1x48xi32, #tpu.memory_space<vmem>>
        %dma_wait3A_831 = tpu.memref_squeeze %dma_wait3A_830 : memref<1x48xi32, #tpu.memory_space<vmem>> -> memref<48xi32, #tpu.memory_space<vmem>>
        %dma_wait3A_832 = tpu.memref_slice %arg3[%add3A_820] : memref<333312xi32, #tpu.memory_space<hbm>> -> memref<48xi32, #tpu.memory_space<hbm>>
        tpu.wait_dma2 semaphore(%dma_wait3A_828 : memref<!tpu.dma_semaphore, #tpu.memory_space<semaphore_mem>>) src(%dma_wait3A_832 : memref<48xi32, #tpu.memory_space<hbm>>) dst(%dma_wait3A_831 : memref<48xi32, #tpu.memory_space<vmem>>)
        %get3A_833 = arith.constant 6 : i32
        %get3A_834 = arith.index_cast %get3A_833 : i32 to index
        %get3A_835 = arith.constant 0 : index
        %get3A_836 = tpu.vector_load %arg6[%get3A_834, %get3A_835] {strides = array<i32>} : memref<7x48xi32, #tpu.memory_space<vmem>>, vector<1x16xi32>,
        %get3A_837 = vector.shape_cast %get3A_836 : vector<1x16xi32> to vector<16xi32>
        %and3A_838 = arith.constant 65535 : i32
        %and3A_839 = vector.broadcast %and3A_838 : i32 to vector<16xi32>
        %and3A_840 = arith.andi %get3A_837, %and3A_839 : vector<16xi32>
        %swap3A_841 = arith.constant 6 : i32
        %swap3A_842 = arith.index_cast %swap3A_841 : i32 to index
        %swap3A_843 = arith.constant 0 : index
        %swap3A_844 = tpu.vector_load %arg7[%swap3A_842, %swap3A_843] {strides = array<i32>} : memref<7x48xi32, #tpu.memory_space<vmem>>, vector<1x16xi32>,
        %swap3A_845 = vector.shape_cast %swap3A_844 : vector<1x16xi32> to vector<16xi32>
        %swap3A_846 = vector.shape_cast %and3A_840 : vector<16xi32> to vector<1x16xi32>
        tpu.vector_store %arg7[%swap3A_842, %swap3A_843], %swap3A_846 {strides = array<i32>} : memref<7x48xi32, #tpu.memory_space<vmem>>, vector<1x16xi32>,
        %shift_right_arithmetic3A_847 = arith.constant 16 : i32
        %shift_right_arithmetic3A_848 = vector.broadcast %shift_right_arithmetic3A_847 : i32 to vector<16xi32>
        %shift_right_arithmetic3A_849 = arith.shrsi %get3A_837, %shift_right_arithmetic3A_848 : vector<16xi32>
        %swap3A_850 = arith.constant 6 : i32
        %swap3A_851 = arith.index_cast %swap3A_850 : i32 to index
        %swap3A_852 = arith.constant 0 : index
        %swap3A_853 = tpu.vector_load %arg8[%swap3A_851, %swap3A_852] {strides = array<i32>} : memref<7x48xi32, #tpu.memory_space<vmem>>, vector<1x16xi32>,
        %swap3A_854 = vector.shape_cast %swap3A_853 : vector<1x16xi32> to vector<16xi32>
        %swap3A_855 = vector.shape_cast %shift_right_arithmetic3A_849 : vector<16xi32> to vector<1x16xi32>
        tpu.vector_store %arg8[%swap3A_851, %swap3A_852], %swap3A_855 {strides = array<i32>} : memref<7x48xi32, #tpu.memory_space<vmem>>, vector<1x16xi32>,
        %get3A_856 = arith.constant 6 : i32
        %get3A_857 = arith.index_cast %get3A_856 : i32 to index
        %get3A_858 = arith.constant 16 : index
        %get3A_859 = tpu.vector_load %arg6[%get3A_857, %get3A_858] {strides = array<i32>} : memref<7x48xi32, #tpu.memory_space<vmem>>, vector<1x16xi32>,
        %get3A_860 = vector.shape_cast %get3A_859 : vector<1x16xi32> to vector<16xi32>
        %and3A_861 = arith.constant 65535 : i32
        %and3A_862 = vector.broadcast %and3A_861 : i32 to vector<16xi32>
        %and3A_863 = arith.andi %get3A_860, %and3A_862 : vector<16xi32>
        %swap3A_864 = arith.constant 6 : i32
        %swap3A_865 = arith.index_cast %swap3A_864 : i32 to index
        %swap3A_866 = arith.constant 16 : index
        %swap3A_867 = tpu.vector_load %arg7[%swap3A_865, %swap3A_866] {strides = array<i32>} : memref<7x48xi32, #tpu.memory_space<vmem>>, vector<1x16xi32>,
        %swap3A_868 = vector.shape_cast %swap3A_867 : vector<1x16xi32> to vector<16xi32>
        %swap3A_869 = vector.shape_cast %and3A_863 : vector<16xi32> to vector<1x16xi32>
        tpu.vector_store %arg7[%swap3A_865, %swap3A_866], %swap3A_869 {strides = array<i32>} : memref<7x48xi32, #tpu.memory_space<vmem>>, vector<1x16xi32>,
        %shift_right_arithmetic3A_870 = arith.constant 16 : i32
        %shift_right_arithmetic3A_871 = vector.broadcast %shift_right_arithmetic3A_870 : i32 to vector<16xi32>
        %shift_right_arithmetic3A_872 = arith.shrsi %get3A_860, %shift_right_arithmetic3A_871 : vector<16xi32>
        %swap3A_873 = arith.constant 6 : i32
        %swap3A_874 = arith.index_cast %swap3A_873 : i32 to index
        %swap3A_875 = arith.constant 16 : index
        %swap3A_876 = tpu.vector_load %arg8[%swap3A_874, %swap3A_875] {strides = array<i32>} : memref<7x48xi32, #tpu.memory_space<vmem>>, vector<1x16xi32>,
        %swap3A_877 = vector.shape_cast %swap3A_876 : vector<1x16xi32> to vector<16xi32>
        %swap3A_878 = vector.shape_cast %shift_right_arithmetic3A_872 : vector<16xi32> to vector<1x16xi32>
        tpu.vector_store %arg8[%swap3A_874, %swap3A_875], %swap3A_878 {strides = array<i32>} : memref<7x48xi32, #tpu.memory_space<vmem>>, vector<1x16xi32>,
        %get3A_879 = arith.constant 6 : i32
        %get3A_880 = arith.index_cast %get3A_879 : i32 to index
        %get3A_881 = arith.constant 32 : index
        %get3A_882 = tpu.vector_load %arg6[%get3A_880, %get3A_881] {strides = array<i32>} : memref<7x48xi32, #tpu.memory_space<vmem>>, vector<1x16xi32>,
        %get3A_883 = vector.shape_cast %get3A_882 : vector<1x16xi32> to vector<16xi32>
        %and3A_884 = arith.constant 65535 : i32
        %and3A_885 = vector.broadcast %and3A_884 : i32 to vector<16xi32>
        %and3A_886 = arith.andi %get3A_883, %and3A_885 : vector<16xi32>
        %swap3A_887 = arith.constant 6 : i32
        %swap3A_888 = arith.index_cast %swap3A_887 : i32 to index
        %swap3A_889 = arith.constant 32 : index
        %swap3A_890 = tpu.vector_load %arg7[%swap3A_888, %swap3A_889] {strides = array<i32>} : memref<7x48xi32, #tpu.memory_space<vmem>>, vector<1x16xi32>,
        %swap3A_891 = vector.shape_cast %swap3A_890 : vector<1x16xi32> to vector<16xi32>
        %swap3A_892 = vector.shape_cast %and3A_886 : vector<16xi32> to vector<1x16xi32>
        tpu.vector_store %arg7[%swap3A_888, %swap3A_889], %swap3A_892 {strides = array<i32>} : memref<7x48xi32, #tpu.memory_space<vmem>>, vector<1x16xi32>,
        %shift_right_arithmetic3A_893 = arith.constant 16 : i32
        %shift_right_arithmetic3A_894 = vector.broadcast %shift_right_arithmetic3A_893 : i32 to vector<16xi32>
        %shift_right_arithmetic3A_895 = arith.shrsi %get3A_883, %shift_right_arithmetic3A_894 : vector<16xi32>
        %swap3A_896 = arith.constant 6 : i32
        %swap3A_897 = arith.index_cast %swap3A_896 : i32 to index
        %swap3A_898 = arith.constant 32 : index
        %swap3A_899 = tpu.vector_load %arg8[%swap3A_897, %swap3A_898] {strides = array<i32>} : memref<7x48xi32, #tpu.memory_space<vmem>>, vector<1x16xi32>,
        %swap3A_900 = vector.shape_cast %swap3A_899 : vector<1x16xi32> to vector<16xi32>
        %swap3A_901 = vector.shape_cast %shift_right_arithmetic3A_895 : vector<16xi32> to vector<1x16xi32>
        tpu.vector_store %arg8[%swap3A_897, %swap3A_898], %swap3A_901 {strides = array<i32>} : memref<7x48xi32, #tpu.memory_space<vmem>>, vector<1x16xi32>,
        %dma_start3A_902 = arith.constant 6 : i32
        %dma_start3A_903 = arith.constant 6 : i32
        %dma_start3A_904 = arith.constant 6 : i32
        %dma_start3A_905 = arith.constant 0 : i32
        %dma_start3A_906 = arith.constant 0 : i32
        %dma_start3A_907 = tpu.memref_slice %arg9[%dma_start3A_903, %dma_start3A_905, %dma_start3A_906] : memref<7x48x128xf32, #tpu.memory_space<vmem>> -> memref<1x48x128xf32, #tpu.memory_space<vmem>>
        %dma_start3A_908 = tpu.memref_squeeze %dma_start3A_907 : memref<1x48x128xf32, #tpu.memory_space<vmem>> -> memref<48x128xf32, #tpu.memory_space<vmem>>
        %dma_start3A_909 = arith.constant 0 : i32
        %dma_start3A_910 = tpu.memref_slice %arg7[%dma_start3A_902, %dma_start3A_909] : memref<7x48xi32, #tpu.memory_space<vmem>> -> memref<1x48xi32, #tpu.memory_space<vmem>>
        %dma_start3A_911 = tpu.memref_squeeze %dma_start3A_910 : memref<1x48xi32, #tpu.memory_space<vmem>> -> memref<48xi32, #tpu.memory_space<vmem>>
        %dma_start3A_912 = arith.constant 0 : i32
        %dma_start3A_913 = arith.constant 0 : i32
        %dma_start3A_914 = tpu.memref_slice %arg2[%dma_start3A_912, %dma_start3A_913] : memref<10000x128xf32, #tpu.memory_space<hbm>> -> memref<10000x128xf32, #tpu.memory_space<hbm>>
        %dma_start3A_915 = tpu.memref_slice %arg12[%dma_start3A_904] : memref<7x!tpu.dma_semaphore, #tpu.memory_space<semaphore_mem>> -> memref<1x!tpu.dma_semaphore, #tpu.memory_space<semaphore_mem>>
        %dma_start3A_916 = tpu.memref_squeeze %dma_start3A_915 : memref<1x!tpu.dma_semaphore, #tpu.memory_space<semaphore_mem>> -> memref<!tpu.dma_semaphore, #tpu.memory_space<semaphore_mem>>
        tpu.enqueue_indirect_dma source(%dma_start3A_914 : memref<10000x128xf32, #tpu.memory_space<hbm>>) target(%dma_start3A_908 : memref<48x128xf32, #tpu.memory_space<vmem>>) offsets(%dma_start3A_911 : memref<48xi32, #tpu.memory_space<vmem>>) semaphore(%dma_start3A_916 : memref<!tpu.dma_semaphore, #tpu.memory_space<semaphore_mem>>)
      } else {
      }
      %dma_wait3A_642 = arith.constant 3 : i32
      %dma_wait3A_643 = arith.constant 3 : i32
      %dma_wait3A_644 = arith.constant 3 : i32
      %dma_wait3A_645 = arith.constant 0 : i32
      %dma_wait3A_646 = arith.constant 0 : i32
      %dma_wait3A_647 = tpu.memref_slice %arg9[%dma_wait3A_643, %dma_wait3A_645, %dma_wait3A_646] : memref<7x48x128xf32, #tpu.memory_space<vmem>> -> memref<1x48x128xf32, #tpu.memory_space<vmem>>
      %dma_wait3A_648 = tpu.memref_squeeze %dma_wait3A_647 : memref<1x48x128xf32, #tpu.memory_space<vmem>> -> memref<48x128xf32, #tpu.memory_space<vmem>>
      %dma_wait3A_649 = arith.constant 0 : i32
      %dma_wait3A_650 = tpu.memref_slice %arg7[%dma_wait3A_642, %dma_wait3A_649] : memref<7x48xi32, #tpu.memory_space<vmem>> -> memref<1x48xi32, #tpu.memory_space<vmem>>
      %dma_wait3A_651 = tpu.memref_squeeze %dma_wait3A_650 : memref<1x48xi32, #tpu.memory_space<vmem>> -> memref<48xi32, #tpu.memory_space<vmem>>
      %dma_wait3A_652 = arith.constant 0 : i32
      %dma_wait3A_653 = arith.constant 0 : i32
      %dma_wait3A_654 = tpu.memref_slice %arg2[%dma_wait3A_652, %dma_wait3A_653] : memref<10000x128xf32, #tpu.memory_space<hbm>> -> memref<10000x128xf32, #tpu.memory_space<hbm>>
      %dma_wait3A_655 = tpu.memref_slice %arg12[%dma_wait3A_644] : memref<7x!tpu.dma_semaphore, #tpu.memory_space<semaphore_mem>> -> memref<1x!tpu.dma_semaphore, #tpu.memory_space<semaphore_mem>>
      %dma_wait3A_656 = tpu.memref_squeeze %dma_wait3A_655 : memref<1x!tpu.dma_semaphore, #tpu.memory_space<semaphore_mem>> -> memref<!tpu.dma_semaphore, #tpu.memory_space<semaphore_mem>>
      tpu.wait_indirect_dma semaphore(%dma_wait3A_656 : memref<!tpu.dma_semaphore, #tpu.memory_space<semaphore_mem>>) src(%dma_wait3A_654 : memref<10000x128xf32, #tpu.memory_space<hbm>>) dst(%dma_wait3A_648 : memref<48x128xf32, #tpu.memory_space<vmem>>)
      %dma_start3A_657 = arith.constant 3 : i32
      %dma_start3A_658 = arith.constant 3 : i32
      %dma_start3A_659 = arith.constant 3 : i32
      %dma_start3A_660 = arith.constant 0 : i32
      %dma_start3A_661 = arith.constant 0 : i32
      %dma_start3A_662 = tpu.memref_slice %arg9[%dma_start3A_657, %dma_start3A_660, %dma_start3A_661] : memref<7x48x128xf32, #tpu.memory_space<vmem>> -> memref<1x48x128xf32, #tpu.memory_space<vmem>>
      %dma_start3A_663 = tpu.memref_squeeze %dma_start3A_662 : memref<1x48x128xf32, #tpu.memory_space<vmem>> -> memref<48x128xf32, #tpu.memory_space<vmem>>
      %dma_start3A_664 = arith.constant 0 : i32
      %dma_start3A_665 = tpu.memref_slice %arg8[%dma_start3A_658, %dma_start3A_664] : memref<7x48xi32, #tpu.memory_space<vmem>> -> memref<1x48xi32, #tpu.memory_space<vmem>>
      %dma_start3A_666 = tpu.memref_squeeze %dma_start3A_665 : memref<1x48xi32, #tpu.memory_space<vmem>> -> memref<48xi32, #tpu.memory_space<vmem>>
      %dma_start3A_667 = arith.constant 0 : i32
      %dma_start3A_668 = arith.constant 0 : i32
      %dma_start3A_669 = tpu.memref_slice %arg10[%dma_start3A_667, %dma_start3A_668] : memref<10008x128xf32, #tpu.memory_space<vmem_shared>> -> memref<10008x128xf32, #tpu.memory_space<vmem_shared>>
      %dma_start3A_670 = tpu.memref_slice %arg13[%dma_start3A_659] : memref<7x!tpu.dma_semaphore, #tpu.memory_space<semaphore_mem>> -> memref<1x!tpu.dma_semaphore, #tpu.memory_space<semaphore_mem>>
      %dma_start3A_671 = tpu.memref_squeeze %dma_start3A_670 : memref<1x!tpu.dma_semaphore, #tpu.memory_space<semaphore_mem>> -> memref<!tpu.dma_semaphore, #tpu.memory_space<semaphore_mem>>
      tpu.enqueue_indirect_dma source(%dma_start3A_663 : memref<48x128xf32, #tpu.memory_space<vmem>>) target(%dma_start3A_669 : memref<10008x128xf32, #tpu.memory_space<vmem_shared>>) offsets(%dma_start3A_666 : memref<48xi32, #tpu.memory_space<vmem>>) semaphore(%dma_start3A_671 : memref<!tpu.dma_semaphore, #tpu.memory_space<semaphore_mem>>) {add = true}
      %mul3A_672 = arith.constant 7 : i32
      %mul3A_673 = arith.muli %add3A_479, %mul3A_672 : i32
      %add3A_674 = arith.constant 4 : i32
      %add3A_675 = arith.addi %mul3A_673, %add3A_674 : i32
      %add3A_676 = arith.constant 4 : i32
      %add3A_677 = arith.addi %add3A_675, %add3A_676 : i32
      %lt3A_678 = arith.constant 217 : i32
      %lt3A_679 = arith.cmpi slt, %add3A_677, %lt3A_678 : i32
      %convert_element_type3A_680 = arith.extui %lt3A_679 : i1 to i32
      %cond3A_681 = arith.constant 0 : i32
      %cond3A_682 = arith.cmpi ne, %convert_element_type3A_680, %cond3A_681 : i32
      scf.if %cond3A_682 {
        %ge3A = arith.constant 3 : i32
        %ge3A_816 = arith.cmpi sge, %add3A_675, %ge3A : i32
        %convert_element_type3A_817 = arith.extui %ge3A_816 : i1 to i32
        %cond3A_818 = arith.constant 0 : i32
        %cond3A_819 = arith.cmpi ne, %convert_element_type3A_817, %cond3A_818 : i32
        scf.if %cond3A_819 {
          %dma_wait3A_837 = arith.constant 1 : i32
          %dma_wait3A_838 = arith.constant 1 : i32
          %dma_wait3A_839 = arith.constant 1 : i32
          %dma_wait3A_840 = arith.constant 0 : i32
          %dma_wait3A_841 = arith.constant 0 : i32
          %dma_wait3A_842 = tpu.memref_slice %arg9[%dma_wait3A_837, %dma_wait3A_840, %dma_wait3A_841] : memref<7x48x128xf32, #tpu.memory_space<vmem>> -> memref<1x48x128xf32, #tpu.memory_space<vmem>>
          %dma_wait3A_843 = tpu.memref_squeeze %dma_wait3A_842 : memref<1x48x128xf32, #tpu.memory_space<vmem>> -> memref<48x128xf32, #tpu.memory_space<vmem>>
          %dma_wait3A_844 = arith.constant 0 : i32
          %dma_wait3A_845 = tpu.memref_slice %arg8[%dma_wait3A_838, %dma_wait3A_844] : memref<7x48xi32, #tpu.memory_space<vmem>> -> memref<1x48xi32, #tpu.memory_space<vmem>>
          %dma_wait3A_846 = tpu.memref_squeeze %dma_wait3A_845 : memref<1x48xi32, #tpu.memory_space<vmem>> -> memref<48xi32, #tpu.memory_space<vmem>>
          %dma_wait3A_847 = arith.constant 0 : i32
          %dma_wait3A_848 = arith.constant 0 : i32
          %dma_wait3A_849 = tpu.memref_slice %arg10[%dma_wait3A_847, %dma_wait3A_848] : memref<10008x128xf32, #tpu.memory_space<vmem_shared>> -> memref<10008x128xf32, #tpu.memory_space<vmem_shared>>
          %dma_wait3A_850 = tpu.memref_slice %arg13[%dma_wait3A_839] : memref<7x!tpu.dma_semaphore, #tpu.memory_space<semaphore_mem>> -> memref<1x!tpu.dma_semaphore, #tpu.memory_space<semaphore_mem>>
          %dma_wait3A_851 = tpu.memref_squeeze %dma_wait3A_850 : memref<1x!tpu.dma_semaphore, #tpu.memory_space<semaphore_mem>> -> memref<!tpu.dma_semaphore, #tpu.memory_space<semaphore_mem>>
          tpu.wait_indirect_dma semaphore(%dma_wait3A_851 : memref<!tpu.dma_semaphore, #tpu.memory_space<semaphore_mem>>) src(%dma_wait3A_843 : memref<48x128xf32, #tpu.memory_space<vmem>>) dst(%dma_wait3A_849 : memref<10008x128xf32, #tpu.memory_space<vmem_shared>>)
        } else {
        }
        %add3A_820 = arith.constant 4 : i32
        %add3A_821 = arith.addi %add3A_675, %add3A_820 : i32
        %mul3A_822 = arith.constant 48 : i32
        %mul3A_823 = arith.muli %add3A_821, %mul3A_822 : i32
        %add3A_824 = arith.addi %mul3A_4, %mul3A_823 : i32
        %dma_start3A_825 = arith.constant 1 : i32
        %dma_start3A_826 = arith.constant 1 : i32
        %dma_start3A_827 = arith.constant 0 : i32
        %dma_start3A_828 = tpu.memref_slice %arg6[%dma_start3A_825, %dma_start3A_827] : memref<7x48xi32, #tpu.memory_space<vmem>> -> memref<1x48xi32, #tpu.memory_space<vmem>>
        %dma_start3A_829 = tpu.memref_squeeze %dma_start3A_828 : memref<1x48xi32, #tpu.memory_space<vmem>> -> memref<48xi32, #tpu.memory_space<vmem>>
        %dma_start3A_830 = tpu.memref_slice %arg3[%add3A_824] : memref<333312xi32, #tpu.memory_space<hbm>> -> memref<48xi32, #tpu.memory_space<hbm>>
        %dma_start3A_831 = tpu.memref_slice %arg11[%dma_start3A_826] : memref<7x!tpu.dma_semaphore, #tpu.memory_space<semaphore_mem>> -> memref<1x!tpu.dma_semaphore, #tpu.memory_space<semaphore_mem>>
        %dma_start3A_832 = tpu.memref_squeeze %dma_start3A_831 : memref<1x!tpu.dma_semaphore, #tpu.memory_space<semaphore_mem>> -> memref<!tpu.dma_semaphore, #tpu.memory_space<semaphore_mem>>
        %dma_start3A_833 = arith.constant 0 : i32
        %dma_start3A_834 = tpu.memref_slice %arg6[%dma_start3A_825, %dma_start3A_833] : memref<7x48xi32, #tpu.memory_space<vmem>> -> memref<1x48xi32, #tpu.memory_space<vmem>>
        %dma_start3A_835 = tpu.memref_squeeze %dma_start3A_834 : memref<1x48xi32, #tpu.memory_space<vmem>> -> memref<48xi32, #tpu.memory_space<vmem>>
        %dma_start3A_836 = tpu.memref_slice %arg3[%add3A_824] : memref<333312xi32, #tpu.memory_space<hbm>> -> memref<48xi32, #tpu.memory_space<hbm>>
        tpu.enqueue_dma source(%dma_start3A_836 : memref<48xi32, #tpu.memory_space<hbm>>) target(%dma_start3A_835 : memref<48xi32, #tpu.memory_space<vmem>>) target_semaphore(%dma_start3A_832 : memref<!tpu.dma_semaphore, #tpu.memory_space<semaphore_mem>>)
      } else {
      }
      %add3A_683 = arith.constant 3 : i32
      %add3A_684 = arith.addi %add3A_675, %add3A_683 : i32
      %lt3A_685 = arith.constant 217 : i32
      %lt3A_686 = arith.cmpi slt, %add3A_684, %lt3A_685 : i32
      %convert_element_type3A_687 = arith.extui %lt3A_686 : i1 to i32
      %cond3A_688 = arith.constant 0 : i32
      %cond3A_689 = arith.cmpi ne, %convert_element_type3A_687, %cond3A_688 : i32
      scf.if %cond3A_689 {
        %add3A_816 = arith.constant 3 : i32
        %add3A_817 = arith.addi %add3A_675, %add3A_816 : i32
        %mul3A_818 = arith.constant 48 : i32
        %mul3A_819 = arith.muli %add3A_817, %mul3A_818 : i32
        %add3A_820 = arith.addi %mul3A_4, %mul3A_819 : i32
        %dma_wait3A_821 = arith.constant 0 : i32
        %dma_wait3A_822 = arith.constant 0 : i32
        %dma_wait3A_823 = arith.constant 0 : i32
        %dma_wait3A_824 = tpu.memref_slice %arg6[%dma_wait3A_821, %dma_wait3A_823] : memref<7x48xi32, #tpu.memory_space<vmem>> -> memref<1x48xi32, #tpu.memory_space<vmem>>
        %dma_wait3A_825 = tpu.memref_squeeze %dma_wait3A_824 : memref<1x48xi32, #tpu.memory_space<vmem>> -> memref<48xi32, #tpu.memory_space<vmem>>
        %dma_wait3A_826 = tpu.memref_slice %arg3[%add3A_820] : memref<333312xi32, #tpu.memory_space<hbm>> -> memref<48xi32, #tpu.memory_space<hbm>>
        %dma_wait3A_827 = tpu.memref_slice %arg11[%dma_wait3A_822] : memref<7x!tpu.dma_semaphore, #tpu.memory_space<semaphore_mem>> -> memref<1x!tpu.dma_semaphore, #tpu.memory_space<semaphore_mem>>
        %dma_wait3A_828 = tpu.memref_squeeze %dma_wait3A_827 : memref<1x!tpu.dma_semaphore, #tpu.memory_space<semaphore_mem>> -> memref<!tpu.dma_semaphore, #tpu.memory_space<semaphore_mem>>
        %dma_wait3A_829 = arith.constant 0 : i32
        %dma_wait3A_830 = tpu.memref_slice %arg6[%dma_wait3A_821, %dma_wait3A_829] : memref<7x48xi32, #tpu.memory_space<vmem>> -> memref<1x48xi32, #tpu.memory_space<vmem>>
        %dma_wait3A_831 = tpu.memref_squeeze %dma_wait3A_830 : memref<1x48xi32, #tpu.memory_space<vmem>> -> memref<48xi32, #tpu.memory_space<vmem>>
        %dma_wait3A_832 = tpu.memref_slice %arg3[%add3A_820] : memref<333312xi32, #tpu.memory_space<hbm>> -> memref<48xi32, #tpu.memory_space<hbm>>
        tpu.wait_dma2 semaphore(%dma_wait3A_828 : memref<!tpu.dma_semaphore, #tpu.memory_space<semaphore_mem>>) src(%dma_wait3A_832 : memref<48xi32, #tpu.memory_space<hbm>>) dst(%dma_wait3A_831 : memref<48xi32, #tpu.memory_space<vmem>>)
        %get3A_833 = arith.constant 0 : i32
        %get3A_834 = arith.index_cast %get3A_833 : i32 to index
        %get3A_835 = arith.constant 0 : index
        %get3A_836 = tpu.vector_load %arg6[%get3A_834, %get3A_835] {strides = array<i32>} : memref<7x48xi32, #tpu.memory_space<vmem>>, vector<1x16xi32>,
        %get3A_837 = vector.shape_cast %get3A_836 : vector<1x16xi32> to vector<16xi32>
        %and3A_838 = arith.constant 65535 : i32
        %and3A_839 = vector.broadcast %and3A_838 : i32 to vector<16xi32>
        %and3A_840 = arith.andi %get3A_837, %and3A_839 : vector<16xi32>
        %swap3A_841 = arith.constant 0 : i32
        %swap3A_842 = arith.index_cast %swap3A_841 : i32 to index
        %swap3A_843 = arith.constant 0 : index
        %swap3A_844 = tpu.vector_load %arg7[%swap3A_842, %swap3A_843] {strides = array<i32>} : memref<7x48xi32, #tpu.memory_space<vmem>>, vector<1x16xi32>,
        %swap3A_845 = vector.shape_cast %swap3A_844 : vector<1x16xi32> to vector<16xi32>
        %swap3A_846 = vector.shape_cast %and3A_840 : vector<16xi32> to vector<1x16xi32>
        tpu.vector_store %arg7[%swap3A_842, %swap3A_843], %swap3A_846 {strides = array<i32>} : memref<7x48xi32, #tpu.memory_space<vmem>>, vector<1x16xi32>,
        %shift_right_arithmetic3A_847 = arith.constant 16 : i32
        %shift_right_arithmetic3A_848 = vector.broadcast %shift_right_arithmetic3A_847 : i32 to vector<16xi32>
        %shift_right_arithmetic3A_849 = arith.shrsi %get3A_837, %shift_right_arithmetic3A_848 : vector<16xi32>
        %swap3A_850 = arith.constant 0 : i32
        %swap3A_851 = arith.index_cast %swap3A_850 : i32 to index
        %swap3A_852 = arith.constant 0 : index
        %swap3A_853 = tpu.vector_load %arg8[%swap3A_851, %swap3A_852] {strides = array<i32>} : memref<7x48xi32, #tpu.memory_space<vmem>>, vector<1x16xi32>,
        %swap3A_854 = vector.shape_cast %swap3A_853 : vector<1x16xi32> to vector<16xi32>
        %swap3A_855 = vector.shape_cast %shift_right_arithmetic3A_849 : vector<16xi32> to vector<1x16xi32>
        tpu.vector_store %arg8[%swap3A_851, %swap3A_852], %swap3A_855 {strides = array<i32>} : memref<7x48xi32, #tpu.memory_space<vmem>>, vector<1x16xi32>,
        %get3A_856 = arith.constant 0 : i32
        %get3A_857 = arith.index_cast %get3A_856 : i32 to index
        %get3A_858 = arith.constant 16 : index
        %get3A_859 = tpu.vector_load %arg6[%get3A_857, %get3A_858] {strides = array<i32>} : memref<7x48xi32, #tpu.memory_space<vmem>>, vector<1x16xi32>,
        %get3A_860 = vector.shape_cast %get3A_859 : vector<1x16xi32> to vector<16xi32>
        %and3A_861 = arith.constant 65535 : i32
        %and3A_862 = vector.broadcast %and3A_861 : i32 to vector<16xi32>
        %and3A_863 = arith.andi %get3A_860, %and3A_862 : vector<16xi32>
        %swap3A_864 = arith.constant 0 : i32
        %swap3A_865 = arith.index_cast %swap3A_864 : i32 to index
        %swap3A_866 = arith.constant 16 : index
        %swap3A_867 = tpu.vector_load %arg7[%swap3A_865, %swap3A_866] {strides = array<i32>} : memref<7x48xi32, #tpu.memory_space<vmem>>, vector<1x16xi32>,
        %swap3A_868 = vector.shape_cast %swap3A_867 : vector<1x16xi32> to vector<16xi32>
        %swap3A_869 = vector.shape_cast %and3A_863 : vector<16xi32> to vector<1x16xi32>
        tpu.vector_store %arg7[%swap3A_865, %swap3A_866], %swap3A_869 {strides = array<i32>} : memref<7x48xi32, #tpu.memory_space<vmem>>, vector<1x16xi32>,
        %shift_right_arithmetic3A_870 = arith.constant 16 : i32
        %shift_right_arithmetic3A_871 = vector.broadcast %shift_right_arithmetic3A_870 : i32 to vector<16xi32>
        %shift_right_arithmetic3A_872 = arith.shrsi %get3A_860, %shift_right_arithmetic3A_871 : vector<16xi32>
        %swap3A_873 = arith.constant 0 : i32
        %swap3A_874 = arith.index_cast %swap3A_873 : i32 to index
        %swap3A_875 = arith.constant 16 : index
        %swap3A_876 = tpu.vector_load %arg8[%swap3A_874, %swap3A_875] {strides = array<i32>} : memref<7x48xi32, #tpu.memory_space<vmem>>, vector<1x16xi32>,
        %swap3A_877 = vector.shape_cast %swap3A_876 : vector<1x16xi32> to vector<16xi32>
        %swap3A_878 = vector.shape_cast %shift_right_arithmetic3A_872 : vector<16xi32> to vector<1x16xi32>
        tpu.vector_store %arg8[%swap3A_874, %swap3A_875], %swap3A_878 {strides = array<i32>} : memref<7x48xi32, #tpu.memory_space<vmem>>, vector<1x16xi32>,
        %get3A_879 = arith.constant 0 : i32
        %get3A_880 = arith.index_cast %get3A_879 : i32 to index
        %get3A_881 = arith.constant 32 : index
        %get3A_882 = tpu.vector_load %arg6[%get3A_880, %get3A_881] {strides = array<i32>} : memref<7x48xi32, #tpu.memory_space<vmem>>, vector<1x16xi32>,
        %get3A_883 = vector.shape_cast %get3A_882 : vector<1x16xi32> to vector<16xi32>
        %and3A_884 = arith.constant 65535 : i32
        %and3A_885 = vector.broadcast %and3A_884 : i32 to vector<16xi32>
        %and3A_886 = arith.andi %get3A_883, %and3A_885 : vector<16xi32>
        %swap3A_887 = arith.constant 0 : i32
        %swap3A_888 = arith.index_cast %swap3A_887 : i32 to index
        %swap3A_889 = arith.constant 32 : index
        %swap3A_890 = tpu.vector_load %arg7[%swap3A_888, %swap3A_889] {strides = array<i32>} : memref<7x48xi32, #tpu.memory_space<vmem>>, vector<1x16xi32>,
        %swap3A_891 = vector.shape_cast %swap3A_890 : vector<1x16xi32> to vector<16xi32>
        %swap3A_892 = vector.shape_cast %and3A_886 : vector<16xi32> to vector<1x16xi32>
        tpu.vector_store %arg7[%swap3A_888, %swap3A_889], %swap3A_892 {strides = array<i32>} : memref<7x48xi32, #tpu.memory_space<vmem>>, vector<1x16xi32>,
        %shift_right_arithmetic3A_893 = arith.constant 16 : i32
        %shift_right_arithmetic3A_894 = vector.broadcast %shift_right_arithmetic3A_893 : i32 to vector<16xi32>
        %shift_right_arithmetic3A_895 = arith.shrsi %get3A_883, %shift_right_arithmetic3A_894 : vector<16xi32>
        %swap3A_896 = arith.constant 0 : i32
        %swap3A_897 = arith.index_cast %swap3A_896 : i32 to index
        %swap3A_898 = arith.constant 32 : index
        %swap3A_899 = tpu.vector_load %arg8[%swap3A_897, %swap3A_898] {strides = array<i32>} : memref<7x48xi32, #tpu.memory_space<vmem>>, vector<1x16xi32>,
        %swap3A_900 = vector.shape_cast %swap3A_899 : vector<1x16xi32> to vector<16xi32>
        %swap3A_901 = vector.shape_cast %shift_right_arithmetic3A_895 : vector<16xi32> to vector<1x16xi32>
        tpu.vector_store %arg8[%swap3A_897, %swap3A_898], %swap3A_901 {strides = array<i32>} : memref<7x48xi32, #tpu.memory_space<vmem>>, vector<1x16xi32>,
        %dma_start3A_902 = arith.constant 0 : i32
        %dma_start3A_903 = arith.constant 0 : i32
        %dma_start3A_904 = arith.constant 0 : i32
        %dma_start3A_905 = arith.constant 0 : i32
        %dma_start3A_906 = arith.constant 0 : i32
        %dma_start3A_907 = tpu.memref_slice %arg9[%dma_start3A_903, %dma_start3A_905, %dma_start3A_906] : memref<7x48x128xf32, #tpu.memory_space<vmem>> -> memref<1x48x128xf32, #tpu.memory_space<vmem>>
        %dma_start3A_908 = tpu.memref_squeeze %dma_start3A_907 : memref<1x48x128xf32, #tpu.memory_space<vmem>> -> memref<48x128xf32, #tpu.memory_space<vmem>>
        %dma_start3A_909 = arith.constant 0 : i32
        %dma_start3A_910 = tpu.memref_slice %arg7[%dma_start3A_902, %dma_start3A_909] : memref<7x48xi32, #tpu.memory_space<vmem>> -> memref<1x48xi32, #tpu.memory_space<vmem>>
        %dma_start3A_911 = tpu.memref_squeeze %dma_start3A_910 : memref<1x48xi32, #tpu.memory_space<vmem>> -> memref<48xi32, #tpu.memory_space<vmem>>
        %dma_start3A_912 = arith.constant 0 : i32
        %dma_start3A_913 = arith.constant 0 : i32
        %dma_start3A_914 = tpu.memref_slice %arg2[%dma_start3A_912, %dma_start3A_913] : memref<10000x128xf32, #tpu.memory_space<hbm>> -> memref<10000x128xf32, #tpu.memory_space<hbm>>
        %dma_start3A_915 = tpu.memref_slice %arg12[%dma_start3A_904] : memref<7x!tpu.dma_semaphore, #tpu.memory_space<semaphore_mem>> -> memref<1x!tpu.dma_semaphore, #tpu.memory_space<semaphore_mem>>
        %dma_start3A_916 = tpu.memref_squeeze %dma_start3A_915 : memref<1x!tpu.dma_semaphore, #tpu.memory_space<semaphore_mem>> -> memref<!tpu.dma_semaphore, #tpu.memory_space<semaphore_mem>>
        tpu.enqueue_indirect_dma source(%dma_start3A_914 : memref<10000x128xf32, #tpu.memory_space<hbm>>) target(%dma_start3A_908 : memref<48x128xf32, #tpu.memory_space<vmem>>) offsets(%dma_start3A_911 : memref<48xi32, #tpu.memory_space<vmem>>) semaphore(%dma_start3A_916 : memref<!tpu.dma_semaphore, #tpu.memory_space<semaphore_mem>>)
      } else {
      }
      %dma_wait3A_690 = arith.constant 4 : i32
      %dma_wait3A_691 = arith.constant 4 : i32
      %dma_wait3A_692 = arith.constant 4 : i32
      %dma_wait3A_693 = arith.constant 0 : i32
      %dma_wait3A_694 = arith.constant 0 : i32
      %dma_wait3A_695 = tpu.memref_slice %arg9[%dma_wait3A_691, %dma_wait3A_693, %dma_wait3A_694] : memref<7x48x128xf32, #tpu.memory_space<vmem>> -> memref<1x48x128xf32, #tpu.memory_space<vmem>>
      %dma_wait3A_696 = tpu.memref_squeeze %dma_wait3A_695 : memref<1x48x128xf32, #tpu.memory_space<vmem>> -> memref<48x128xf32, #tpu.memory_space<vmem>>
      %dma_wait3A_697 = arith.constant 0 : i32
      %dma_wait3A_698 = tpu.memref_slice %arg7[%dma_wait3A_690, %dma_wait3A_697] : memref<7x48xi32, #tpu.memory_space<vmem>> -> memref<1x48xi32, #tpu.memory_space<vmem>>
      %dma_wait3A_699 = tpu.memref_squeeze %dma_wait3A_698 : memref<1x48xi32, #tpu.memory_space<vmem>> -> memref<48xi32, #tpu.memory_space<vmem>>
      %dma_wait3A_700 = arith.constant 0 : i32
      %dma_wait3A_701 = arith.constant 0 : i32
      %dma_wait3A_702 = tpu.memref_slice %arg2[%dma_wait3A_700, %dma_wait3A_701] : memref<10000x128xf32, #tpu.memory_space<hbm>> -> memref<10000x128xf32, #tpu.memory_space<hbm>>
      %dma_wait3A_703 = tpu.memref_slice %arg12[%dma_wait3A_692] : memref<7x!tpu.dma_semaphore, #tpu.memory_space<semaphore_mem>> -> memref<1x!tpu.dma_semaphore, #tpu.memory_space<semaphore_mem>>
      %dma_wait3A_704 = tpu.memref_squeeze %dma_wait3A_703 : memref<1x!tpu.dma_semaphore, #tpu.memory_space<semaphore_mem>> -> memref<!tpu.dma_semaphore, #tpu.memory_space<semaphore_mem>>
      tpu.wait_indirect_dma semaphore(%dma_wait3A_704 : memref<!tpu.dma_semaphore, #tpu.memory_space<semaphore_mem>>) src(%dma_wait3A_702 : memref<10000x128xf32, #tpu.memory_space<hbm>>) dst(%dma_wait3A_696 : memref<48x128xf32, #tpu.memory_space<vmem>>)
      %dma_start3A_705 = arith.constant 4 : i32
      %dma_start3A_706 = arith.constant 4 : i32
      %dma_start3A_707 = arith.constant 4 : i32
      %dma_start3A_708 = arith.constant 0 : i32
      %dma_start3A_709 = arith.constant 0 : i32
      %dma_start3A_710 = tpu.memref_slice %arg9[%dma_start3A_705, %dma_start3A_708, %dma_start3A_709] : memref<7x48x128xf32, #tpu.memory_space<vmem>> -> memref<1x48x128xf32, #tpu.memory_space<vmem>>
      %dma_start3A_711 = tpu.memref_squeeze %dma_start3A_710 : memref<1x48x128xf32, #tpu.memory_space<vmem>> -> memref<48x128xf32, #tpu.memory_space<vmem>>
      %dma_start3A_712 = arith.constant 0 : i32
      %dma_start3A_713 = tpu.memref_slice %arg8[%dma_start3A_706, %dma_start3A_712] : memref<7x48xi32, #tpu.memory_space<vmem>> -> memref<1x48xi32, #tpu.memory_space<vmem>>
      %dma_start3A_714 = tpu.memref_squeeze %dma_start3A_713 : memref<1x48xi32, #tpu.memory_space<vmem>> -> memref<48xi32, #tpu.memory_space<vmem>>
      %dma_start3A_715 = arith.constant 0 : i32
      %dma_start3A_716 = arith.constant 0 : i32
      %dma_start3A_717 = tpu.memref_slice %arg10[%dma_start3A_715, %dma_start3A_716] : memref<10008x128xf32, #tpu.memory_space<vmem_shared>> -> memref<10008x128xf32, #tpu.memory_space<vmem_shared>>
      %dma_start3A_718 = tpu.memref_slice %arg13[%dma_start3A_707] : memref<7x!tpu.dma_semaphore, #tpu.memory_space<semaphore_mem>> -> memref<1x!tpu.dma_semaphore, #tpu.memory_space<semaphore_mem>>
      %dma_start3A_719 = tpu.memref_squeeze %dma_start3A_718 : memref<1x!tpu.dma_semaphore, #tpu.memory_space<semaphore_mem>> -> memref<!tpu.dma_semaphore, #tpu.memory_space<semaphore_mem>>
      tpu.enqueue_indirect_dma source(%dma_start3A_711 : memref<48x128xf32, #tpu.memory_space<vmem>>) target(%dma_start3A_717 : memref<10008x128xf32, #tpu.memory_space<vmem_shared>>) offsets(%dma_start3A_714 : memref<48xi32, #tpu.memory_space<vmem>>) semaphore(%dma_start3A_719 : memref<!tpu.dma_semaphore, #tpu.memory_space<semaphore_mem>>) {add = true}
      %mul3A_720 = arith.constant 7 : i32
      %mul3A_721 = arith.muli %add3A_479, %mul3A_720 : i32
      %add3A_722 = arith.constant 5 : i32
      %add3A_723 = arith.addi %mul3A_721, %add3A_722 : i32
      %add3A_724 = arith.constant 4 : i32
      %add3A_725 = arith.addi %add3A_723, %add3A_724 : i32
      %lt3A_726 = arith.constant 217 : i32
      %lt3A_727 = arith.cmpi slt, %add3A_725, %lt3A_726 : i32
      %convert_element_type3A_728 = arith.extui %lt3A_727 : i1 to i32
      %cond3A_729 = arith.constant 0 : i32
      %cond3A_730 = arith.cmpi ne, %convert_element_type3A_728, %cond3A_729 : i32
      scf.if %cond3A_730 {
        %ge3A = arith.constant 3 : i32
        %ge3A_816 = arith.cmpi sge, %add3A_723, %ge3A : i32
        %convert_element_type3A_817 = arith.extui %ge3A_816 : i1 to i32
        %cond3A_818 = arith.constant 0 : i32
        %cond3A_819 = arith.cmpi ne, %convert_element_type3A_817, %cond3A_818 : i32
        scf.if %cond3A_819 {
          %dma_wait3A_837 = arith.constant 2 : i32
          %dma_wait3A_838 = arith.constant 2 : i32
          %dma_wait3A_839 = arith.constant 2 : i32
          %dma_wait3A_840 = arith.constant 0 : i32
          %dma_wait3A_841 = arith.constant 0 : i32
          %dma_wait3A_842 = tpu.memref_slice %arg9[%dma_wait3A_837, %dma_wait3A_840, %dma_wait3A_841] : memref<7x48x128xf32, #tpu.memory_space<vmem>> -> memref<1x48x128xf32, #tpu.memory_space<vmem>>
          %dma_wait3A_843 = tpu.memref_squeeze %dma_wait3A_842 : memref<1x48x128xf32, #tpu.memory_space<vmem>> -> memref<48x128xf32, #tpu.memory_space<vmem>>
          %dma_wait3A_844 = arith.constant 0 : i32
          %dma_wait3A_845 = tpu.memref_slice %arg8[%dma_wait3A_838, %dma_wait3A_844] : memref<7x48xi32, #tpu.memory_space<vmem>> -> memref<1x48xi32, #tpu.memory_space<vmem>>
          %dma_wait3A_846 = tpu.memref_squeeze %dma_wait3A_845 : memref<1x48xi32, #tpu.memory_space<vmem>> -> memref<48xi32, #tpu.memory_space<vmem>>
          %dma_wait3A_847 = arith.constant 0 : i32
          %dma_wait3A_848 = arith.constant 0 : i32
          %dma_wait3A_849 = tpu.memref_slice %arg10[%dma_wait3A_847, %dma_wait3A_848] : memref<10008x128xf32, #tpu.memory_space<vmem_shared>> -> memref<10008x128xf32, #tpu.memory_space<vmem_shared>>
          %dma_wait3A_850 = tpu.memref_slice %arg13[%dma_wait3A_839] : memref<7x!tpu.dma_semaphore, #tpu.memory_space<semaphore_mem>> -> memref<1x!tpu.dma_semaphore, #tpu.memory_space<semaphore_mem>>
          %dma_wait3A_851 = tpu.memref_squeeze %dma_wait3A_850 : memref<1x!tpu.dma_semaphore, #tpu.memory_space<semaphore_mem>> -> memref<!tpu.dma_semaphore, #tpu.memory_space<semaphore_mem>>
          tpu.wait_indirect_dma semaphore(%dma_wait3A_851 : memref<!tpu.dma_semaphore, #tpu.memory_space<semaphore_mem>>) src(%dma_wait3A_843 : memref<48x128xf32, #tpu.memory_space<vmem>>) dst(%dma_wait3A_849 : memref<10008x128xf32, #tpu.memory_space<vmem_shared>>)
        } else {
        }
        %add3A_820 = arith.constant 4 : i32
        %add3A_821 = arith.addi %add3A_723, %add3A_820 : i32
        %mul3A_822 = arith.constant 48 : i32
        %mul3A_823 = arith.muli %add3A_821, %mul3A_822 : i32
        %add3A_824 = arith.addi %mul3A_4, %mul3A_823 : i32
        %dma_start3A_825 = arith.constant 2 : i32
        %dma_start3A_826 = arith.constant 2 : i32
        %dma_start3A_827 = arith.constant 0 : i32
        %dma_start3A_828 = tpu.memref_slice %arg6[%dma_start3A_825, %dma_start3A_827] : memref<7x48xi32, #tpu.memory_space<vmem>> -> memref<1x48xi32, #tpu.memory_space<vmem>>
        %dma_start3A_829 = tpu.memref_squeeze %dma_start3A_828 : memref<1x48xi32, #tpu.memory_space<vmem>> -> memref<48xi32, #tpu.memory_space<vmem>>
        %dma_start3A_830 = tpu.memref_slice %arg3[%add3A_824] : memref<333312xi32, #tpu.memory_space<hbm>> -> memref<48xi32, #tpu.memory_space<hbm>>
        %dma_start3A_831 = tpu.memref_slice %arg11[%dma_start3A_826] : memref<7x!tpu.dma_semaphore, #tpu.memory_space<semaphore_mem>> -> memref<1x!tpu.dma_semaphore, #tpu.memory_space<semaphore_mem>>
        %dma_start3A_832 = tpu.memref_squeeze %dma_start3A_831 : memref<1x!tpu.dma_semaphore, #tpu.memory_space<semaphore_mem>> -> memref<!tpu.dma_semaphore, #tpu.memory_space<semaphore_mem>>
        %dma_start3A_833 = arith.constant 0 : i32
        %dma_start3A_834 = tpu.memref_slice %arg6[%dma_start3A_825, %dma_start3A_833] : memref<7x48xi32, #tpu.memory_space<vmem>> -> memref<1x48xi32, #tpu.memory_space<vmem>>
        %dma_start3A_835 = tpu.memref_squeeze %dma_start3A_834 : memref<1x48xi32, #tpu.memory_space<vmem>> -> memref<48xi32, #tpu.memory_space<vmem>>
        %dma_start3A_836 = tpu.memref_slice %arg3[%add3A_824] : memref<333312xi32, #tpu.memory_space<hbm>> -> memref<48xi32, #tpu.memory_space<hbm>>
        tpu.enqueue_dma source(%dma_start3A_836 : memref<48xi32, #tpu.memory_space<hbm>>) target(%dma_start3A_835 : memref<48xi32, #tpu.memory_space<vmem>>) target_semaphore(%dma_start3A_832 : memref<!tpu.dma_semaphore, #tpu.memory_space<semaphore_mem>>)
      } else {
      }
      %add3A_731 = arith.constant 3 : i32
      %add3A_732 = arith.addi %add3A_723, %add3A_731 : i32
      %lt3A_733 = arith.constant 217 : i32
      %lt3A_734 = arith.cmpi slt, %add3A_732, %lt3A_733 : i32
      %convert_element_type3A_735 = arith.extui %lt3A_734 : i1 to i32
      %cond3A_736 = arith.constant 0 : i32
      %cond3A_737 = arith.cmpi ne, %convert_element_type3A_735, %cond3A_736 : i32
      scf.if %cond3A_737 {
        %add3A_816 = arith.constant 3 : i32
        %add3A_817 = arith.addi %add3A_723, %add3A_816 : i32
        %mul3A_818 = arith.constant 48 : i32
        %mul3A_819 = arith.muli %add3A_817, %mul3A_818 : i32
        %add3A_820 = arith.addi %mul3A_4, %mul3A_819 : i32
        %dma_wait3A_821 = arith.constant 1 : i32
        %dma_wait3A_822 = arith.constant 1 : i32
        %dma_wait3A_823 = arith.constant 0 : i32
        %dma_wait3A_824 = tpu.memref_slice %arg6[%dma_wait3A_821, %dma_wait3A_823] : memref<7x48xi32, #tpu.memory_space<vmem>> -> memref<1x48xi32, #tpu.memory_space<vmem>>
        %dma_wait3A_825 = tpu.memref_squeeze %dma_wait3A_824 : memref<1x48xi32, #tpu.memory_space<vmem>> -> memref<48xi32, #tpu.memory_space<vmem>>
        %dma_wait3A_826 = tpu.memref_slice %arg3[%add3A_820] : memref<333312xi32, #tpu.memory_space<hbm>> -> memref<48xi32, #tpu.memory_space<hbm>>
        %dma_wait3A_827 = tpu.memref_slice %arg11[%dma_wait3A_822] : memref<7x!tpu.dma_semaphore, #tpu.memory_space<semaphore_mem>> -> memref<1x!tpu.dma_semaphore, #tpu.memory_space<semaphore_mem>>
        %dma_wait3A_828 = tpu.memref_squeeze %dma_wait3A_827 : memref<1x!tpu.dma_semaphore, #tpu.memory_space<semaphore_mem>> -> memref<!tpu.dma_semaphore, #tpu.memory_space<semaphore_mem>>
        %dma_wait3A_829 = arith.constant 0 : i32
        %dma_wait3A_830 = tpu.memref_slice %arg6[%dma_wait3A_821, %dma_wait3A_829] : memref<7x48xi32, #tpu.memory_space<vmem>> -> memref<1x48xi32, #tpu.memory_space<vmem>>
        %dma_wait3A_831 = tpu.memref_squeeze %dma_wait3A_830 : memref<1x48xi32, #tpu.memory_space<vmem>> -> memref<48xi32, #tpu.memory_space<vmem>>
        %dma_wait3A_832 = tpu.memref_slice %arg3[%add3A_820] : memref<333312xi32, #tpu.memory_space<hbm>> -> memref<48xi32, #tpu.memory_space<hbm>>
        tpu.wait_dma2 semaphore(%dma_wait3A_828 : memref<!tpu.dma_semaphore, #tpu.memory_space<semaphore_mem>>) src(%dma_wait3A_832 : memref<48xi32, #tpu.memory_space<hbm>>) dst(%dma_wait3A_831 : memref<48xi32, #tpu.memory_space<vmem>>)
        %get3A_833 = arith.constant 1 : i32
        %get3A_834 = arith.index_cast %get3A_833 : i32 to index
        %get3A_835 = arith.constant 0 : index
        %get3A_836 = tpu.vector_load %arg6[%get3A_834, %get3A_835] {strides = array<i32>} : memref<7x48xi32, #tpu.memory_space<vmem>>, vector<1x16xi32>,
        %get3A_837 = vector.shape_cast %get3A_836 : vector<1x16xi32> to vector<16xi32>
        %and3A_838 = arith.constant 65535 : i32
        %and3A_839 = vector.broadcast %and3A_838 : i32 to vector<16xi32>
        %and3A_840 = arith.andi %get3A_837, %and3A_839 : vector<16xi32>
        %swap3A_841 = arith.constant 1 : i32
        %swap3A_842 = arith.index_cast %swap3A_841 : i32 to index
        %swap3A_843 = arith.constant 0 : index
        %swap3A_844 = tpu.vector_load %arg7[%swap3A_842, %swap3A_843] {strides = array<i32>} : memref<7x48xi32, #tpu.memory_space<vmem>>, vector<1x16xi32>,
        %swap3A_845 = vector.shape_cast %swap3A_844 : vector<1x16xi32> to vector<16xi32>
        %swap3A_846 = vector.shape_cast %and3A_840 : vector<16xi32> to vector<1x16xi32>
        tpu.vector_store %arg7[%swap3A_842, %swap3A_843], %swap3A_846 {strides = array<i32>} : memref<7x48xi32, #tpu.memory_space<vmem>>, vector<1x16xi32>,
        %shift_right_arithmetic3A_847 = arith.constant 16 : i32
        %shift_right_arithmetic3A_848 = vector.broadcast %shift_right_arithmetic3A_847 : i32 to vector<16xi32>
        %shift_right_arithmetic3A_849 = arith.shrsi %get3A_837, %shift_right_arithmetic3A_848 : vector<16xi32>
        %swap3A_850 = arith.constant 1 : i32
        %swap3A_851 = arith.index_cast %swap3A_850 : i32 to index
        %swap3A_852 = arith.constant 0 : index
        %swap3A_853 = tpu.vector_load %arg8[%swap3A_851, %swap3A_852] {strides = array<i32>} : memref<7x48xi32, #tpu.memory_space<vmem>>, vector<1x16xi32>,
        %swap3A_854 = vector.shape_cast %swap3A_853 : vector<1x16xi32> to vector<16xi32>
        %swap3A_855 = vector.shape_cast %shift_right_arithmetic3A_849 : vector<16xi32> to vector<1x16xi32>
        tpu.vector_store %arg8[%swap3A_851, %swap3A_852], %swap3A_855 {strides = array<i32>} : memref<7x48xi32, #tpu.memory_space<vmem>>, vector<1x16xi32>,
        %get3A_856 = arith.constant 1 : i32
        %get3A_857 = arith.index_cast %get3A_856 : i32 to index
        %get3A_858 = arith.constant 16 : index
        %get3A_859 = tpu.vector_load %arg6[%get3A_857, %get3A_858] {strides = array<i32>} : memref<7x48xi32, #tpu.memory_space<vmem>>, vector<1x16xi32>,
        %get3A_860 = vector.shape_cast %get3A_859 : vector<1x16xi32> to vector<16xi32>
        %and3A_861 = arith.constant 65535 : i32
        %and3A_862 = vector.broadcast %and3A_861 : i32 to vector<16xi32>
        %and3A_863 = arith.andi %get3A_860, %and3A_862 : vector<16xi32>
        %swap3A_864 = arith.constant 1 : i32
        %swap3A_865 = arith.index_cast %swap3A_864 : i32 to index
        %swap3A_866 = arith.constant 16 : index
        %swap3A_867 = tpu.vector_load %arg7[%swap3A_865, %swap3A_866] {strides = array<i32>} : memref<7x48xi32, #tpu.memory_space<vmem>>, vector<1x16xi32>,
        %swap3A_868 = vector.shape_cast %swap3A_867 : vector<1x16xi32> to vector<16xi32>
        %swap3A_869 = vector.shape_cast %and3A_863 : vector<16xi32> to vector<1x16xi32>
        tpu.vector_store %arg7[%swap3A_865, %swap3A_866], %swap3A_869 {strides = array<i32>} : memref<7x48xi32, #tpu.memory_space<vmem>>, vector<1x16xi32>,
        %shift_right_arithmetic3A_870 = arith.constant 16 : i32
        %shift_right_arithmetic3A_871 = vector.broadcast %shift_right_arithmetic3A_870 : i32 to vector<16xi32>
        %shift_right_arithmetic3A_872 = arith.shrsi %get3A_860, %shift_right_arithmetic3A_871 : vector<16xi32>
        %swap3A_873 = arith.constant 1 : i32
        %swap3A_874 = arith.index_cast %swap3A_873 : i32 to index
        %swap3A_875 = arith.constant 16 : index
        %swap3A_876 = tpu.vector_load %arg8[%swap3A_874, %swap3A_875] {strides = array<i32>} : memref<7x48xi32, #tpu.memory_space<vmem>>, vector<1x16xi32>,
        %swap3A_877 = vector.shape_cast %swap3A_876 : vector<1x16xi32> to vector<16xi32>
        %swap3A_878 = vector.shape_cast %shift_right_arithmetic3A_872 : vector<16xi32> to vector<1x16xi32>
        tpu.vector_store %arg8[%swap3A_874, %swap3A_875], %swap3A_878 {strides = array<i32>} : memref<7x48xi32, #tpu.memory_space<vmem>>, vector<1x16xi32>,
        %get3A_879 = arith.constant 1 : i32
        %get3A_880 = arith.index_cast %get3A_879 : i32 to index
        %get3A_881 = arith.constant 32 : index
        %get3A_882 = tpu.vector_load %arg6[%get3A_880, %get3A_881] {strides = array<i32>} : memref<7x48xi32, #tpu.memory_space<vmem>>, vector<1x16xi32>,
        %get3A_883 = vector.shape_cast %get3A_882 : vector<1x16xi32> to vector<16xi32>
        %and3A_884 = arith.constant 65535 : i32
        %and3A_885 = vector.broadcast %and3A_884 : i32 to vector<16xi32>
        %and3A_886 = arith.andi %get3A_883, %and3A_885 : vector<16xi32>
        %swap3A_887 = arith.constant 1 : i32
        %swap3A_888 = arith.index_cast %swap3A_887 : i32 to index
        %swap3A_889 = arith.constant 32 : index
        %swap3A_890 = tpu.vector_load %arg7[%swap3A_888, %swap3A_889] {strides = array<i32>} : memref<7x48xi32, #tpu.memory_space<vmem>>, vector<1x16xi32>,
        %swap3A_891 = vector.shape_cast %swap3A_890 : vector<1x16xi32> to vector<16xi32>
        %swap3A_892 = vector.shape_cast %and3A_886 : vector<16xi32> to vector<1x16xi32>
        tpu.vector_store %arg7[%swap3A_888, %swap3A_889], %swap3A_892 {strides = array<i32>} : memref<7x48xi32, #tpu.memory_space<vmem>>, vector<1x16xi32>,
        %shift_right_arithmetic3A_893 = arith.constant 16 : i32
        %shift_right_arithmetic3A_894 = vector.broadcast %shift_right_arithmetic3A_893 : i32 to vector<16xi32>
        %shift_right_arithmetic3A_895 = arith.shrsi %get3A_883, %shift_right_arithmetic3A_894 : vector<16xi32>
        %swap3A_896 = arith.constant 1 : i32
        %swap3A_897 = arith.index_cast %swap3A_896 : i32 to index
        %swap3A_898 = arith.constant 32 : index
        %swap3A_899 = tpu.vector_load %arg8[%swap3A_897, %swap3A_898] {strides = array<i32>} : memref<7x48xi32, #tpu.memory_space<vmem>>, vector<1x16xi32>,
        %swap3A_900 = vector.shape_cast %swap3A_899 : vector<1x16xi32> to vector<16xi32>
        %swap3A_901 = vector.shape_cast %shift_right_arithmetic3A_895 : vector<16xi32> to vector<1x16xi32>
        tpu.vector_store %arg8[%swap3A_897, %swap3A_898], %swap3A_901 {strides = array<i32>} : memref<7x48xi32, #tpu.memory_space<vmem>>, vector<1x16xi32>,
        %dma_start3A_902 = arith.constant 1 : i32
        %dma_start3A_903 = arith.constant 1 : i32
        %dma_start3A_904 = arith.constant 1 : i32
        %dma_start3A_905 = arith.constant 0 : i32
        %dma_start3A_906 = arith.constant 0 : i32
        %dma_start3A_907 = tpu.memref_slice %arg9[%dma_start3A_903, %dma_start3A_905, %dma_start3A_906] : memref<7x48x128xf32, #tpu.memory_space<vmem>> -> memref<1x48x128xf32, #tpu.memory_space<vmem>>
        %dma_start3A_908 = tpu.memref_squeeze %dma_start3A_907 : memref<1x48x128xf32, #tpu.memory_space<vmem>> -> memref<48x128xf32, #tpu.memory_space<vmem>>
        %dma_start3A_909 = arith.constant 0 : i32
        %dma_start3A_910 = tpu.memref_slice %arg7[%dma_start3A_902, %dma_start3A_909] : memref<7x48xi32, #tpu.memory_space<vmem>> -> memref<1x48xi32, #tpu.memory_space<vmem>>
        %dma_start3A_911 = tpu.memref_squeeze %dma_start3A_910 : memref<1x48xi32, #tpu.memory_space<vmem>> -> memref<48xi32, #tpu.memory_space<vmem>>
        %dma_start3A_912 = arith.constant 0 : i32
        %dma_start3A_913 = arith.constant 0 : i32
        %dma_start3A_914 = tpu.memref_slice %arg2[%dma_start3A_912, %dma_start3A_913] : memref<10000x128xf32, #tpu.memory_space<hbm>> -> memref<10000x128xf32, #tpu.memory_space<hbm>>
        %dma_start3A_915 = tpu.memref_slice %arg12[%dma_start3A_904] : memref<7x!tpu.dma_semaphore, #tpu.memory_space<semaphore_mem>> -> memref<1x!tpu.dma_semaphore, #tpu.memory_space<semaphore_mem>>
        %dma_start3A_916 = tpu.memref_squeeze %dma_start3A_915 : memref<1x!tpu.dma_semaphore, #tpu.memory_space<semaphore_mem>> -> memref<!tpu.dma_semaphore, #tpu.memory_space<semaphore_mem>>
        tpu.enqueue_indirect_dma source(%dma_start3A_914 : memref<10000x128xf32, #tpu.memory_space<hbm>>) target(%dma_start3A_908 : memref<48x128xf32, #tpu.memory_space<vmem>>) offsets(%dma_start3A_911 : memref<48xi32, #tpu.memory_space<vmem>>) semaphore(%dma_start3A_916 : memref<!tpu.dma_semaphore, #tpu.memory_space<semaphore_mem>>)
      } else {
      }
      %dma_wait3A_738 = arith.constant 5 : i32
      %dma_wait3A_739 = arith.constant 5 : i32
      %dma_wait3A_740 = arith.constant 5 : i32
      %dma_wait3A_741 = arith.constant 0 : i32
      %dma_wait3A_742 = arith.constant 0 : i32
      %dma_wait3A_743 = tpu.memref_slice %arg9[%dma_wait3A_739, %dma_wait3A_741, %dma_wait3A_742] : memref<7x48x128xf32, #tpu.memory_space<vmem>> -> memref<1x48x128xf32, #tpu.memory_space<vmem>>
      %dma_wait3A_744 = tpu.memref_squeeze %dma_wait3A_743 : memref<1x48x128xf32, #tpu.memory_space<vmem>> -> memref<48x128xf32, #tpu.memory_space<vmem>>
      %dma_wait3A_745 = arith.constant 0 : i32
      %dma_wait3A_746 = tpu.memref_slice %arg7[%dma_wait3A_738, %dma_wait3A_745] : memref<7x48xi32, #tpu.memory_space<vmem>> -> memref<1x48xi32, #tpu.memory_space<vmem>>
      %dma_wait3A_747 = tpu.memref_squeeze %dma_wait3A_746 : memref<1x48xi32, #tpu.memory_space<vmem>> -> memref<48xi32, #tpu.memory_space<vmem>>
      %dma_wait3A_748 = arith.constant 0 : i32
      %dma_wait3A_749 = arith.constant 0 : i32
      %dma_wait3A_750 = tpu.memref_slice %arg2[%dma_wait3A_748, %dma_wait3A_749] : memref<10000x128xf32, #tpu.memory_space<hbm>> -> memref<10000x128xf32, #tpu.memory_space<hbm>>
      %dma_wait3A_751 = tpu.memref_slice %arg12[%dma_wait3A_740] : memref<7x!tpu.dma_semaphore, #tpu.memory_space<semaphore_mem>> -> memref<1x!tpu.dma_semaphore, #tpu.memory_space<semaphore_mem>>
      %dma_wait3A_752 = tpu.memref_squeeze %dma_wait3A_751 : memref<1x!tpu.dma_semaphore, #tpu.memory_space<semaphore_mem>> -> memref<!tpu.dma_semaphore, #tpu.memory_space<semaphore_mem>>
      tpu.wait_indirect_dma semaphore(%dma_wait3A_752 : memref<!tpu.dma_semaphore, #tpu.memory_space<semaphore_mem>>) src(%dma_wait3A_750 : memref<10000x128xf32, #tpu.memory_space<hbm>>) dst(%dma_wait3A_744 : memref<48x128xf32, #tpu.memory_space<vmem>>)
      %dma_start3A_753 = arith.constant 5 : i32
      %dma_start3A_754 = arith.constant 5 : i32
      %dma_start3A_755 = arith.constant 5 : i32
      %dma_start3A_756 = arith.constant 0 : i32
      %dma_start3A_757 = arith.constant 0 : i32
      %dma_start3A_758 = tpu.memref_slice %arg9[%dma_start3A_753, %dma_start3A_756, %dma_start3A_757] : memref<7x48x128xf32, #tpu.memory_space<vmem>> -> memref<1x48x128xf32, #tpu.memory_space<vmem>>
      %dma_start3A_759 = tpu.memref_squeeze %dma_start3A_758 : memref<1x48x128xf32, #tpu.memory_space<vmem>> -> memref<48x128xf32, #tpu.memory_space<vmem>>
      %dma_start3A_760 = arith.constant 0 : i32
      %dma_start3A_761 = tpu.memref_slice %arg8[%dma_start3A_754, %dma_start3A_760] : memref<7x48xi32, #tpu.memory_space<vmem>> -> memref<1x48xi32, #tpu.memory_space<vmem>>
      %dma_start3A_762 = tpu.memref_squeeze %dma_start3A_761 : memref<1x48xi32, #tpu.memory_space<vmem>> -> memref<48xi32, #tpu.memory_space<vmem>>
      %dma_start3A_763 = arith.constant 0 : i32
      %dma_start3A_764 = arith.constant 0 : i32
      %dma_start3A_765 = tpu.memref_slice %arg10[%dma_start3A_763, %dma_start3A_764] : memref<10008x128xf32, #tpu.memory_space<vmem_shared>> -> memref<10008x128xf32, #tpu.memory_space<vmem_shared>>
      %dma_start3A_766 = tpu.memref_slice %arg13[%dma_start3A_755] : memref<7x!tpu.dma_semaphore, #tpu.memory_space<semaphore_mem>> -> memref<1x!tpu.dma_semaphore, #tpu.memory_space<semaphore_mem>>
      %dma_start3A_767 = tpu.memref_squeeze %dma_start3A_766 : memref<1x!tpu.dma_semaphore, #tpu.memory_space<semaphore_mem>> -> memref<!tpu.dma_semaphore, #tpu.memory_space<semaphore_mem>>
      tpu.enqueue_indirect_dma source(%dma_start3A_759 : memref<48x128xf32, #tpu.memory_space<vmem>>) target(%dma_start3A_765 : memref<10008x128xf32, #tpu.memory_space<vmem_shared>>) offsets(%dma_start3A_762 : memref<48xi32, #tpu.memory_space<vmem>>) semaphore(%dma_start3A_767 : memref<!tpu.dma_semaphore, #tpu.memory_space<semaphore_mem>>) {add = true}
      %mul3A_768 = arith.constant 7 : i32
      %mul3A_769 = arith.muli %add3A_479, %mul3A_768 : i32
      %add3A_770 = arith.constant 6 : i32
      %add3A_771 = arith.addi %mul3A_769, %add3A_770 : i32
      %add3A_772 = arith.constant 4 : i32
      %add3A_773 = arith.addi %add3A_771, %add3A_772 : i32
      %lt3A_774 = arith.constant 217 : i32
      %lt3A_775 = arith.cmpi slt, %add3A_773, %lt3A_774 : i32
      %convert_element_type3A_776 = arith.extui %lt3A_775 : i1 to i32
      %cond3A_777 = arith.constant 0 : i32
      %cond3A_778 = arith.cmpi ne, %convert_element_type3A_776, %cond3A_777 : i32
      scf.if %cond3A_778 {
        %ge3A = arith.constant 3 : i32
        %ge3A_816 = arith.cmpi sge, %add3A_771, %ge3A : i32
        %convert_element_type3A_817 = arith.extui %ge3A_816 : i1 to i32
        %cond3A_818 = arith.constant 0 : i32
        %cond3A_819 = arith.cmpi ne, %convert_element_type3A_817, %cond3A_818 : i32
        scf.if %cond3A_819 {
          %dma_wait3A_837 = arith.constant 3 : i32
          %dma_wait3A_838 = arith.constant 3 : i32
          %dma_wait3A_839 = arith.constant 3 : i32
          %dma_wait3A_840 = arith.constant 0 : i32
          %dma_wait3A_841 = arith.constant 0 : i32
          %dma_wait3A_842 = tpu.memref_slice %arg9[%dma_wait3A_837, %dma_wait3A_840, %dma_wait3A_841] : memref<7x48x128xf32, #tpu.memory_space<vmem>> -> memref<1x48x128xf32, #tpu.memory_space<vmem>>
          %dma_wait3A_843 = tpu.memref_squeeze %dma_wait3A_842 : memref<1x48x128xf32, #tpu.memory_space<vmem>> -> memref<48x128xf32, #tpu.memory_space<vmem>>
          %dma_wait3A_844 = arith.constant 0 : i32
          %dma_wait3A_845 = tpu.memref_slice %arg8[%dma_wait3A_838, %dma_wait3A_844] : memref<7x48xi32, #tpu.memory_space<vmem>> -> memref<1x48xi32, #tpu.memory_space<vmem>>
          %dma_wait3A_846 = tpu.memref_squeeze %dma_wait3A_845 : memref<1x48xi32, #tpu.memory_space<vmem>> -> memref<48xi32, #tpu.memory_space<vmem>>
          %dma_wait3A_847 = arith.constant 0 : i32
          %dma_wait3A_848 = arith.constant 0 : i32
          %dma_wait3A_849 = tpu.memref_slice %arg10[%dma_wait3A_847, %dma_wait3A_848] : memref<10008x128xf32, #tpu.memory_space<vmem_shared>> -> memref<10008x128xf32, #tpu.memory_space<vmem_shared>>
          %dma_wait3A_850 = tpu.memref_slice %arg13[%dma_wait3A_839] : memref<7x!tpu.dma_semaphore, #tpu.memory_space<semaphore_mem>> -> memref<1x!tpu.dma_semaphore, #tpu.memory_space<semaphore_mem>>
          %dma_wait3A_851 = tpu.memref_squeeze %dma_wait3A_850 : memref<1x!tpu.dma_semaphore, #tpu.memory_space<semaphore_mem>> -> memref<!tpu.dma_semaphore, #tpu.memory_space<semaphore_mem>>
          tpu.wait_indirect_dma semaphore(%dma_wait3A_851 : memref<!tpu.dma_semaphore, #tpu.memory_space<semaphore_mem>>) src(%dma_wait3A_843 : memref<48x128xf32, #tpu.memory_space<vmem>>) dst(%dma_wait3A_849 : memref<10008x128xf32, #tpu.memory_space<vmem_shared>>)
        } else {
        }
        %add3A_820 = arith.constant 4 : i32
        %add3A_821 = arith.addi %add3A_771, %add3A_820 : i32
        %mul3A_822 = arith.constant 48 : i32
        %mul3A_823 = arith.muli %add3A_821, %mul3A_822 : i32
        %add3A_824 = arith.addi %mul3A_4, %mul3A_823 : i32
        %dma_start3A_825 = arith.constant 3 : i32
        %dma_start3A_826 = arith.constant 3 : i32
        %dma_start3A_827 = arith.constant 0 : i32
        %dma_start3A_828 = tpu.memref_slice %arg6[%dma_start3A_825, %dma_start3A_827] : memref<7x48xi32, #tpu.memory_space<vmem>> -> memref<1x48xi32, #tpu.memory_space<vmem>>
        %dma_start3A_829 = tpu.memref_squeeze %dma_start3A_828 : memref<1x48xi32, #tpu.memory_space<vmem>> -> memref<48xi32, #tpu.memory_space<vmem>>
        %dma_start3A_830 = tpu.memref_slice %arg3[%add3A_824] : memref<333312xi32, #tpu.memory_space<hbm>> -> memref<48xi32, #tpu.memory_space<hbm>>
        %dma_start3A_831 = tpu.memref_slice %arg11[%dma_start3A_826] : memref<7x!tpu.dma_semaphore, #tpu.memory_space<semaphore_mem>> -> memref<1x!tpu.dma_semaphore, #tpu.memory_space<semaphore_mem>>
        %dma_start3A_832 = tpu.memref_squeeze %dma_start3A_831 : memref<1x!tpu.dma_semaphore, #tpu.memory_space<semaphore_mem>> -> memref<!tpu.dma_semaphore, #tpu.memory_space<semaphore_mem>>
        %dma_start3A_833 = arith.constant 0 : i32
        %dma_start3A_834 = tpu.memref_slice %arg6[%dma_start3A_825, %dma_start3A_833] : memref<7x48xi32, #tpu.memory_space<vmem>> -> memref<1x48xi32, #tpu.memory_space<vmem>>
        %dma_start3A_835 = tpu.memref_squeeze %dma_start3A_834 : memref<1x48xi32, #tpu.memory_space<vmem>> -> memref<48xi32, #tpu.memory_space<vmem>>
        %dma_start3A_836 = tpu.memref_slice %arg3[%add3A_824] : memref<333312xi32, #tpu.memory_space<hbm>> -> memref<48xi32, #tpu.memory_space<hbm>>
        tpu.enqueue_dma source(%dma_start3A_836 : memref<48xi32, #tpu.memory_space<hbm>>) target(%dma_start3A_835 : memref<48xi32, #tpu.memory_space<vmem>>) target_semaphore(%dma_start3A_832 : memref<!tpu.dma_semaphore, #tpu.memory_space<semaphore_mem>>)
      } else {
      }
      %add3A_779 = arith.constant 3 : i32
      %add3A_780 = arith.addi %add3A_771, %add3A_779 : i32
      %lt3A_781 = arith.constant 217 : i32
      %lt3A_782 = arith.cmpi slt, %add3A_780, %lt3A_781 : i32
      %convert_element_type3A_783 = arith.extui %lt3A_782 : i1 to i32
      %cond3A_784 = arith.constant 0 : i32
      %cond3A_785 = arith.cmpi ne, %convert_element_type3A_783, %cond3A_784 : i32
      scf.if %cond3A_785 {
        %add3A_816 = arith.constant 3 : i32
        %add3A_817 = arith.addi %add3A_771, %add3A_816 : i32
        %mul3A_818 = arith.constant 48 : i32
        %mul3A_819 = arith.muli %add3A_817, %mul3A_818 : i32
        %add3A_820 = arith.addi %mul3A_4, %mul3A_819 : i32
        %dma_wait3A_821 = arith.constant 2 : i32
        %dma_wait3A_822 = arith.constant 2 : i32
        %dma_wait3A_823 = arith.constant 0 : i32
        %dma_wait3A_824 = tpu.memref_slice %arg6[%dma_wait3A_821, %dma_wait3A_823] : memref<7x48xi32, #tpu.memory_space<vmem>> -> memref<1x48xi32, #tpu.memory_space<vmem>>
        %dma_wait3A_825 = tpu.memref_squeeze %dma_wait3A_824 : memref<1x48xi32, #tpu.memory_space<vmem>> -> memref<48xi32, #tpu.memory_space<vmem>>
        %dma_wait3A_826 = tpu.memref_slice %arg3[%add3A_820] : memref<333312xi32, #tpu.memory_space<hbm>> -> memref<48xi32, #tpu.memory_space<hbm>>
        %dma_wait3A_827 = tpu.memref_slice %arg11[%dma_wait3A_822] : memref<7x!tpu.dma_semaphore, #tpu.memory_space<semaphore_mem>> -> memref<1x!tpu.dma_semaphore, #tpu.memory_space<semaphore_mem>>
        %dma_wait3A_828 = tpu.memref_squeeze %dma_wait3A_827 : memref<1x!tpu.dma_semaphore, #tpu.memory_space<semaphore_mem>> -> memref<!tpu.dma_semaphore, #tpu.memory_space<semaphore_mem>>
        %dma_wait3A_829 = arith.constant 0 : i32
        %dma_wait3A_830 = tpu.memref_slice %arg6[%dma_wait3A_821, %dma_wait3A_829] : memref<7x48xi32, #tpu.memory_space<vmem>> -> memref<1x48xi32, #tpu.memory_space<vmem>>
        %dma_wait3A_831 = tpu.memref_squeeze %dma_wait3A_830 : memref<1x48xi32, #tpu.memory_space<vmem>> -> memref<48xi32, #tpu.memory_space<vmem>>
        %dma_wait3A_832 = tpu.memref_slice %arg3[%add3A_820] : memref<333312xi32, #tpu.memory_space<hbm>> -> memref<48xi32, #tpu.memory_space<hbm>>
        tpu.wait_dma2 semaphore(%dma_wait3A_828 : memref<!tpu.dma_semaphore, #tpu.memory_space<semaphore_mem>>) src(%dma_wait3A_832 : memref<48xi32, #tpu.memory_space<hbm>>) dst(%dma_wait3A_831 : memref<48xi32, #tpu.memory_space<vmem>>)
        %get3A_833 = arith.constant 2 : i32
        %get3A_834 = arith.index_cast %get3A_833 : i32 to index
        %get3A_835 = arith.constant 0 : index
        %get3A_836 = tpu.vector_load %arg6[%get3A_834, %get3A_835] {strides = array<i32>} : memref<7x48xi32, #tpu.memory_space<vmem>>, vector<1x16xi32>,
        %get3A_837 = vector.shape_cast %get3A_836 : vector<1x16xi32> to vector<16xi32>
        %and3A_838 = arith.constant 65535 : i32
        %and3A_839 = vector.broadcast %and3A_838 : i32 to vector<16xi32>
        %and3A_840 = arith.andi %get3A_837, %and3A_839 : vector<16xi32>
        %swap3A_841 = arith.constant 2 : i32
        %swap3A_842 = arith.index_cast %swap3A_841 : i32 to index
        %swap3A_843 = arith.constant 0 : index
        %swap3A_844 = tpu.vector_load %arg7[%swap3A_842, %swap3A_843] {strides = array<i32>} : memref<7x48xi32, #tpu.memory_space<vmem>>, vector<1x16xi32>,
        %swap3A_845 = vector.shape_cast %swap3A_844 : vector<1x16xi32> to vector<16xi32>
        %swap3A_846 = vector.shape_cast %and3A_840 : vector<16xi32> to vector<1x16xi32>
        tpu.vector_store %arg7[%swap3A_842, %swap3A_843], %swap3A_846 {strides = array<i32>} : memref<7x48xi32, #tpu.memory_space<vmem>>, vector<1x16xi32>,
        %shift_right_arithmetic3A_847 = arith.constant 16 : i32
        %shift_right_arithmetic3A_848 = vector.broadcast %shift_right_arithmetic3A_847 : i32 to vector<16xi32>
        %shift_right_arithmetic3A_849 = arith.shrsi %get3A_837, %shift_right_arithmetic3A_848 : vector<16xi32>
        %swap3A_850 = arith.constant 2 : i32
        %swap3A_851 = arith.index_cast %swap3A_850 : i32 to index
        %swap3A_852 = arith.constant 0 : index
        %swap3A_853 = tpu.vector_load %arg8[%swap3A_851, %swap3A_852] {strides = array<i32>} : memref<7x48xi32, #tpu.memory_space<vmem>>, vector<1x16xi32>,
        %swap3A_854 = vector.shape_cast %swap3A_853 : vector<1x16xi32> to vector<16xi32>
        %swap3A_855 = vector.shape_cast %shift_right_arithmetic3A_849 : vector<16xi32> to vector<1x16xi32>
        tpu.vector_store %arg8[%swap3A_851, %swap3A_852], %swap3A_855 {strides = array<i32>} : memref<7x48xi32, #tpu.memory_space<vmem>>, vector<1x16xi32>,
        %get3A_856 = arith.constant 2 : i32
        %get3A_857 = arith.index_cast %get3A_856 : i32 to index
        %get3A_858 = arith.constant 16 : index
        %get3A_859 = tpu.vector_load %arg6[%get3A_857, %get3A_858] {strides = array<i32>} : memref<7x48xi32, #tpu.memory_space<vmem>>, vector<1x16xi32>,
        %get3A_860 = vector.shape_cast %get3A_859 : vector<1x16xi32> to vector<16xi32>
        %and3A_861 = arith.constant 65535 : i32
        %and3A_862 = vector.broadcast %and3A_861 : i32 to vector<16xi32>
        %and3A_863 = arith.andi %get3A_860, %and3A_862 : vector<16xi32>
        %swap3A_864 = arith.constant 2 : i32
        %swap3A_865 = arith.index_cast %swap3A_864 : i32 to index
        %swap3A_866 = arith.constant 16 : index
        %swap3A_867 = tpu.vector_load %arg7[%swap3A_865, %swap3A_866] {strides = array<i32>} : memref<7x48xi32, #tpu.memory_space<vmem>>, vector<1x16xi32>,
        %swap3A_868 = vector.shape_cast %swap3A_867 : vector<1x16xi32> to vector<16xi32>
        %swap3A_869 = vector.shape_cast %and3A_863 : vector<16xi32> to vector<1x16xi32>
        tpu.vector_store %arg7[%swap3A_865, %swap3A_866], %swap3A_869 {strides = array<i32>} : memref<7x48xi32, #tpu.memory_space<vmem>>, vector<1x16xi32>,
        %shift_right_arithmetic3A_870 = arith.constant 16 : i32
        %shift_right_arithmetic3A_871 = vector.broadcast %shift_right_arithmetic3A_870 : i32 to vector<16xi32>
        %shift_right_arithmetic3A_872 = arith.shrsi %get3A_860, %shift_right_arithmetic3A_871 : vector<16xi32>
        %swap3A_873 = arith.constant 2 : i32
        %swap3A_874 = arith.index_cast %swap3A_873 : i32 to index
        %swap3A_875 = arith.constant 16 : index
        %swap3A_876 = tpu.vector_load %arg8[%swap3A_874, %swap3A_875] {strides = array<i32>} : memref<7x48xi32, #tpu.memory_space<vmem>>, vector<1x16xi32>,
        %swap3A_877 = vector.shape_cast %swap3A_876 : vector<1x16xi32> to vector<16xi32>
        %swap3A_878 = vector.shape_cast %shift_right_arithmetic3A_872 : vector<16xi32> to vector<1x16xi32>
        tpu.vector_store %arg8[%swap3A_874, %swap3A_875], %swap3A_878 {strides = array<i32>} : memref<7x48xi32, #tpu.memory_space<vmem>>, vector<1x16xi32>,
        %get3A_879 = arith.constant 2 : i32
        %get3A_880 = arith.index_cast %get3A_879 : i32 to index
        %get3A_881 = arith.constant 32 : index
        %get3A_882 = tpu.vector_load %arg6[%get3A_880, %get3A_881] {strides = array<i32>} : memref<7x48xi32, #tpu.memory_space<vmem>>, vector<1x16xi32>,
        %get3A_883 = vector.shape_cast %get3A_882 : vector<1x16xi32> to vector<16xi32>
        %and3A_884 = arith.constant 65535 : i32
        %and3A_885 = vector.broadcast %and3A_884 : i32 to vector<16xi32>
        %and3A_886 = arith.andi %get3A_883, %and3A_885 : vector<16xi32>
        %swap3A_887 = arith.constant 2 : i32
        %swap3A_888 = arith.index_cast %swap3A_887 : i32 to index
        %swap3A_889 = arith.constant 32 : index
        %swap3A_890 = tpu.vector_load %arg7[%swap3A_888, %swap3A_889] {strides = array<i32>} : memref<7x48xi32, #tpu.memory_space<vmem>>, vector<1x16xi32>,
        %swap3A_891 = vector.shape_cast %swap3A_890 : vector<1x16xi32> to vector<16xi32>
        %swap3A_892 = vector.shape_cast %and3A_886 : vector<16xi32> to vector<1x16xi32>
        tpu.vector_store %arg7[%swap3A_888, %swap3A_889], %swap3A_892 {strides = array<i32>} : memref<7x48xi32, #tpu.memory_space<vmem>>, vector<1x16xi32>,
        %shift_right_arithmetic3A_893 = arith.constant 16 : i32
        %shift_right_arithmetic3A_894 = vector.broadcast %shift_right_arithmetic3A_893 : i32 to vector<16xi32>
        %shift_right_arithmetic3A_895 = arith.shrsi %get3A_883, %shift_right_arithmetic3A_894 : vector<16xi32>
        %swap3A_896 = arith.constant 2 : i32
        %swap3A_897 = arith.index_cast %swap3A_896 : i32 to index
        %swap3A_898 = arith.constant 32 : index
        %swap3A_899 = tpu.vector_load %arg8[%swap3A_897, %swap3A_898] {strides = array<i32>} : memref<7x48xi32, #tpu.memory_space<vmem>>, vector<1x16xi32>,
        %swap3A_900 = vector.shape_cast %swap3A_899 : vector<1x16xi32> to vector<16xi32>
        %swap3A_901 = vector.shape_cast %shift_right_arithmetic3A_895 : vector<16xi32> to vector<1x16xi32>
        tpu.vector_store %arg8[%swap3A_897, %swap3A_898], %swap3A_901 {strides = array<i32>} : memref<7x48xi32, #tpu.memory_space<vmem>>, vector<1x16xi32>,
        %dma_start3A_902 = arith.constant 2 : i32
        %dma_start3A_903 = arith.constant 2 : i32
        %dma_start3A_904 = arith.constant 2 : i32
        %dma_start3A_905 = arith.constant 0 : i32
        %dma_start3A_906 = arith.constant 0 : i32
        %dma_start3A_907 = tpu.memref_slice %arg9[%dma_start3A_903, %dma_start3A_905, %dma_start3A_906] : memref<7x48x128xf32, #tpu.memory_space<vmem>> -> memref<1x48x128xf32, #tpu.memory_space<vmem>>
        %dma_start3A_908 = tpu.memref_squeeze %dma_start3A_907 : memref<1x48x128xf32, #tpu.memory_space<vmem>> -> memref<48x128xf32, #tpu.memory_space<vmem>>
        %dma_start3A_909 = arith.constant 0 : i32
        %dma_start3A_910 = tpu.memref_slice %arg7[%dma_start3A_902, %dma_start3A_909] : memref<7x48xi32, #tpu.memory_space<vmem>> -> memref<1x48xi32, #tpu.memory_space<vmem>>
        %dma_start3A_911 = tpu.memref_squeeze %dma_start3A_910 : memref<1x48xi32, #tpu.memory_space<vmem>> -> memref<48xi32, #tpu.memory_space<vmem>>
        %dma_start3A_912 = arith.constant 0 : i32
        %dma_start3A_913 = arith.constant 0 : i32
        %dma_start3A_914 = tpu.memref_slice %arg2[%dma_start3A_912, %dma_start3A_913] : memref<10000x128xf32, #tpu.memory_space<hbm>> -> memref<10000x128xf32, #tpu.memory_space<hbm>>
        %dma_start3A_915 = tpu.memref_slice %arg12[%dma_start3A_904] : memref<7x!tpu.dma_semaphore, #tpu.memory_space<semaphore_mem>> -> memref<1x!tpu.dma_semaphore, #tpu.memory_space<semaphore_mem>>
        %dma_start3A_916 = tpu.memref_squeeze %dma_start3A_915 : memref<1x!tpu.dma_semaphore, #tpu.memory_space<semaphore_mem>> -> memref<!tpu.dma_semaphore, #tpu.memory_space<semaphore_mem>>
        tpu.enqueue_indirect_dma source(%dma_start3A_914 : memref<10000x128xf32, #tpu.memory_space<hbm>>) target(%dma_start3A_908 : memref<48x128xf32, #tpu.memory_space<vmem>>) offsets(%dma_start3A_911 : memref<48xi32, #tpu.memory_space<vmem>>) semaphore(%dma_start3A_916 : memref<!tpu.dma_semaphore, #tpu.memory_space<semaphore_mem>>)
      } else {
      }
      %dma_wait3A_786 = arith.constant 6 : i32
      %dma_wait3A_787 = arith.constant 6 : i32
      %dma_wait3A_788 = arith.constant 6 : i32
      %dma_wait3A_789 = arith.constant 0 : i32
      %dma_wait3A_790 = arith.constant 0 : i32
      %dma_wait3A_791 = tpu.memref_slice %arg9[%dma_wait3A_787, %dma_wait3A_789, %dma_wait3A_790] : memref<7x48x128xf32, #tpu.memory_space<vmem>> -> memref<1x48x128xf32, #tpu.memory_space<vmem>>
      %dma_wait3A_792 = tpu.memref_squeeze %dma_wait3A_791 : memref<1x48x128xf32, #tpu.memory_space<vmem>> -> memref<48x128xf32, #tpu.memory_space<vmem>>
      %dma_wait3A_793 = arith.constant 0 : i32
      %dma_wait3A_794 = tpu.memref_slice %arg7[%dma_wait3A_786, %dma_wait3A_793] : memref<7x48xi32, #tpu.memory_space<vmem>> -> memref<1x48xi32, #tpu.memory_space<vmem>>
      %dma_wait3A_795 = tpu.memref_squeeze %dma_wait3A_794 : memref<1x48xi32, #tpu.memory_space<vmem>> -> memref<48xi32, #tpu.memory_space<vmem>>
      %dma_wait3A_796 = arith.constant 0 : i32
      %dma_wait3A_797 = arith.constant 0 : i32
      %dma_wait3A_798 = tpu.memref_slice %arg2[%dma_wait3A_796, %dma_wait3A_797] : memref<10000x128xf32, #tpu.memory_space<hbm>> -> memref<10000x128xf32, #tpu.memory_space<hbm>>
      %dma_wait3A_799 = tpu.memref_slice %arg12[%dma_wait3A_788] : memref<7x!tpu.dma_semaphore, #tpu.memory_space<semaphore_mem>> -> memref<1x!tpu.dma_semaphore, #tpu.memory_space<semaphore_mem>>
      %dma_wait3A_800 = tpu.memref_squeeze %dma_wait3A_799 : memref<1x!tpu.dma_semaphore, #tpu.memory_space<semaphore_mem>> -> memref<!tpu.dma_semaphore, #tpu.memory_space<semaphore_mem>>
      tpu.wait_indirect_dma semaphore(%dma_wait3A_800 : memref<!tpu.dma_semaphore, #tpu.memory_space<semaphore_mem>>) src(%dma_wait3A_798 : memref<10000x128xf32, #tpu.memory_space<hbm>>) dst(%dma_wait3A_792 : memref<48x128xf32, #tpu.memory_space<vmem>>)
      %dma_start3A_801 = arith.constant 6 : i32
      %dma_start3A_802 = arith.constant 6 : i32
      %dma_start3A_803 = arith.constant 6 : i32
      %dma_start3A_804 = arith.constant 0 : i32
      %dma_start3A_805 = arith.constant 0 : i32
      %dma_start3A_806 = tpu.memref_slice %arg9[%dma_start3A_801, %dma_start3A_804, %dma_start3A_805] : memref<7x48x128xf32, #tpu.memory_space<vmem>> -> memref<1x48x128xf32, #tpu.memory_space<vmem>>
      %dma_start3A_807 = tpu.memref_squeeze %dma_start3A_806 : memref<1x48x128xf32, #tpu.memory_space<vmem>> -> memref<48x128xf32, #tpu.memory_space<vmem>>
      %dma_start3A_808 = arith.constant 0 : i32
      %dma_start3A_809 = tpu.memref_slice %arg8[%dma_start3A_802, %dma_start3A_808] : memref<7x48xi32, #tpu.memory_space<vmem>> -> memref<1x48xi32, #tpu.memory_space<vmem>>
      %dma_start3A_810 = tpu.memref_squeeze %dma_start3A_809 : memref<1x48xi32, #tpu.memory_space<vmem>> -> memref<48xi32, #tpu.memory_space<vmem>>
      %dma_start3A_811 = arith.constant 0 : i32
      %dma_start3A_812 = arith.constant 0 : i32
      %dma_start3A_813 = tpu.memref_slice %arg10[%dma_start3A_811, %dma_start3A_812] : memref<10008x128xf32, #tpu.memory_space<vmem_shared>> -> memref<10008x128xf32, #tpu.memory_space<vmem_shared>>
      %dma_start3A_814 = tpu.memref_slice %arg13[%dma_start3A_803] : memref<7x!tpu.dma_semaphore, #tpu.memory_space<semaphore_mem>> -> memref<1x!tpu.dma_semaphore, #tpu.memory_space<semaphore_mem>>
      %dma_start3A_815 = tpu.memref_squeeze %dma_start3A_814 : memref<1x!tpu.dma_semaphore, #tpu.memory_space<semaphore_mem>> -> memref<!tpu.dma_semaphore, #tpu.memory_space<semaphore_mem>>
      tpu.enqueue_indirect_dma source(%dma_start3A_807 : memref<48x128xf32, #tpu.memory_space<vmem>>) target(%dma_start3A_813 : memref<10008x128xf32, #tpu.memory_space<vmem_shared>>) offsets(%dma_start3A_810 : memref<48xi32, #tpu.memory_space<vmem>>) semaphore(%dma_start3A_815 : memref<!tpu.dma_semaphore, #tpu.memory_space<semaphore_mem>>) {add = true}
    }
    %scan3A_358 = arith.constant 31 : i32
    %dma_wait3A_359 = arith.constant 0 : i32
    %dma_wait3A_360 = arith.constant 0 : i32
    %dma_wait3A_361 = arith.constant 0 : i32
    %dma_wait3A_362 = arith.constant 0 : i32
    %dma_wait3A_363 = arith.constant 0 : i32
    %dma_wait3A_364 = tpu.memref_slice %arg9[%dma_wait3A_359, %dma_wait3A_362, %dma_wait3A_363] : memref<7x48x128xf32, #tpu.memory_space<vmem>> -> memref<1x48x128xf32, #tpu.memory_space<vmem>>
    %dma_wait3A_365 = tpu.memref_squeeze %dma_wait3A_364 : memref<1x48x128xf32, #tpu.memory_space<vmem>> -> memref<48x128xf32, #tpu.memory_space<vmem>>
    %dma_wait3A_366 = arith.constant 0 : i32
    %dma_wait3A_367 = tpu.memref_slice %arg8[%dma_wait3A_360, %dma_wait3A_366] : memref<7x48xi32, #tpu.memory_space<vmem>> -> memref<1x48xi32, #tpu.memory_space<vmem>>
    %dma_wait3A_368 = tpu.memref_squeeze %dma_wait3A_367 : memref<1x48xi32, #tpu.memory_space<vmem>> -> memref<48xi32, #tpu.memory_space<vmem>>
    %dma_wait3A_369 = arith.constant 0 : i32
    %dma_wait3A_370 = arith.constant 0 : i32
    %dma_wait3A_371 = tpu.memref_slice %arg10[%dma_wait3A_369, %dma_wait3A_370] : memref<10008x128xf32, #tpu.memory_space<vmem_shared>> -> memref<10008x128xf32, #tpu.memory_space<vmem_shared>>
    %dma_wait3A_372 = tpu.memref_slice %arg13[%dma_wait3A_361] : memref<7x!tpu.dma_semaphore, #tpu.memory_space<semaphore_mem>> -> memref<1x!tpu.dma_semaphore, #tpu.memory_space<semaphore_mem>>
    %dma_wait3A_373 = tpu.memref_squeeze %dma_wait3A_372 : memref<1x!tpu.dma_semaphore, #tpu.memory_space<semaphore_mem>> -> memref<!tpu.dma_semaphore, #tpu.memory_space<semaphore_mem>>
    tpu.wait_indirect_dma semaphore(%dma_wait3A_373 : memref<!tpu.dma_semaphore, #tpu.memory_space<semaphore_mem>>) src(%dma_wait3A_365 : memref<48x128xf32, #tpu.memory_space<vmem>>) dst(%dma_wait3A_371 : memref<10008x128xf32, #tpu.memory_space<vmem_shared>>)
    %dma_wait3A_374 = arith.constant 1 : i32
    %dma_wait3A_375 = arith.constant 1 : i32
    %dma_wait3A_376 = arith.constant 1 : i32
    %dma_wait3A_377 = arith.constant 0 : i32
    %dma_wait3A_378 = arith.constant 0 : i32
    %dma_wait3A_379 = tpu.memref_slice %arg9[%dma_wait3A_374, %dma_wait3A_377, %dma_wait3A_378] : memref<7x48x128xf32, #tpu.memory_space<vmem>> -> memref<1x48x128xf32, #tpu.memory_space<vmem>>
    %dma_wait3A_380 = tpu.memref_squeeze %dma_wait3A_379 : memref<1x48x128xf32, #tpu.memory_space<vmem>> -> memref<48x128xf32, #tpu.memory_space<vmem>>
    %dma_wait3A_381 = arith.constant 0 : i32
    %dma_wait3A_382 = tpu.memref_slice %arg8[%dma_wait3A_375, %dma_wait3A_381] : memref<7x48xi32, #tpu.memory_space<vmem>> -> memref<1x48xi32, #tpu.memory_space<vmem>>
    %dma_wait3A_383 = tpu.memref_squeeze %dma_wait3A_382 : memref<1x48xi32, #tpu.memory_space<vmem>> -> memref<48xi32, #tpu.memory_space<vmem>>
    %dma_wait3A_384 = arith.constant 0 : i32
    %dma_wait3A_385 = arith.constant 0 : i32
    %dma_wait3A_386 = tpu.memref_slice %arg10[%dma_wait3A_384, %dma_wait3A_385] : memref<10008x128xf32, #tpu.memory_space<vmem_shared>> -> memref<10008x128xf32, #tpu.memory_space<vmem_shared>>
    %dma_wait3A_387 = tpu.memref_slice %arg13[%dma_wait3A_376] : memref<7x!tpu.dma_semaphore, #tpu.memory_space<semaphore_mem>> -> memref<1x!tpu.dma_semaphore, #tpu.memory_space<semaphore_mem>>
    %dma_wait3A_388 = tpu.memref_squeeze %dma_wait3A_387 : memref<1x!tpu.dma_semaphore, #tpu.memory_space<semaphore_mem>> -> memref<!tpu.dma_semaphore, #tpu.memory_space<semaphore_mem>>
    tpu.wait_indirect_dma semaphore(%dma_wait3A_388 : memref<!tpu.dma_semaphore, #tpu.memory_space<semaphore_mem>>) src(%dma_wait3A_380 : memref<48x128xf32, #tpu.memory_space<vmem>>) dst(%dma_wait3A_386 : memref<10008x128xf32, #tpu.memory_space<vmem_shared>>)
    %dma_wait3A_389 = arith.constant 2 : i32
    %dma_wait3A_390 = arith.constant 2 : i32
    %dma_wait3A_391 = arith.constant 2 : i32
    %dma_wait3A_392 = arith.constant 0 : i32
    %dma_wait3A_393 = arith.constant 0 : i32
    %dma_wait3A_394 = tpu.memref_slice %arg9[%dma_wait3A_389, %dma_wait3A_392, %dma_wait3A_393] : memref<7x48x128xf32, #tpu.memory_space<vmem>> -> memref<1x48x128xf32, #tpu.memory_space<vmem>>
    %dma_wait3A_395 = tpu.memref_squeeze %dma_wait3A_394 : memref<1x48x128xf32, #tpu.memory_space<vmem>> -> memref<48x128xf32, #tpu.memory_space<vmem>>
    %dma_wait3A_396 = arith.constant 0 : i32
    %dma_wait3A_397 = tpu.memref_slice %arg8[%dma_wait3A_390, %dma_wait3A_396] : memref<7x48xi32, #tpu.memory_space<vmem>> -> memref<1x48xi32, #tpu.memory_space<vmem>>
    %dma_wait3A_398 = tpu.memref_squeeze %dma_wait3A_397 : memref<1x48xi32, #tpu.memory_space<vmem>> -> memref<48xi32, #tpu.memory_space<vmem>>
    %dma_wait3A_399 = arith.constant 0 : i32
    %dma_wait3A_400 = arith.constant 0 : i32
    %dma_wait3A_401 = tpu.memref_slice %arg10[%dma_wait3A_399, %dma_wait3A_400] : memref<10008x128xf32, #tpu.memory_space<vmem_shared>> -> memref<10008x128xf32, #tpu.memory_space<vmem_shared>>
    %dma_wait3A_402 = tpu.memref_slice %arg13[%dma_wait3A_391] : memref<7x!tpu.dma_semaphore, #tpu.memory_space<semaphore_mem>> -> memref<1x!tpu.dma_semaphore, #tpu.memory_space<semaphore_mem>>
    %dma_wait3A_403 = tpu.memref_squeeze %dma_wait3A_402 : memref<1x!tpu.dma_semaphore, #tpu.memory_space<semaphore_mem>> -> memref<!tpu.dma_semaphore, #tpu.memory_space<semaphore_mem>>
    tpu.wait_indirect_dma semaphore(%dma_wait3A_403 : memref<!tpu.dma_semaphore, #tpu.memory_space<semaphore_mem>>) src(%dma_wait3A_395 : memref<48x128xf32, #tpu.memory_space<vmem>>) dst(%dma_wait3A_401 : memref<10008x128xf32, #tpu.memory_space<vmem_shared>>)
    %dma_wait3A_404 = arith.constant 3 : i32
    %dma_wait3A_405 = arith.constant 3 : i32
    %dma_wait3A_406 = arith.constant 3 : i32
    %dma_wait3A_407 = arith.constant 0 : i32
    %dma_wait3A_408 = arith.constant 0 : i32
    %dma_wait3A_409 = tpu.memref_slice %arg9[%dma_wait3A_404, %dma_wait3A_407, %dma_wait3A_408] : memref<7x48x128xf32, #tpu.memory_space<vmem>> -> memref<1x48x128xf32, #tpu.memory_space<vmem>>
    %dma_wait3A_410 = tpu.memref_squeeze %dma_wait3A_409 : memref<1x48x128xf32, #tpu.memory_space<vmem>> -> memref<48x128xf32, #tpu.memory_space<vmem>>
    %dma_wait3A_411 = arith.constant 0 : i32
    %dma_wait3A_412 = tpu.memref_slice %arg8[%dma_wait3A_405, %dma_wait3A_411] : memref<7x48xi32, #tpu.memory_space<vmem>> -> memref<1x48xi32, #tpu.memory_space<vmem>>
    %dma_wait3A_413 = tpu.memref_squeeze %dma_wait3A_412 : memref<1x48xi32, #tpu.memory_space<vmem>> -> memref<48xi32, #tpu.memory_space<vmem>>
    %dma_wait3A_414 = arith.constant 0 : i32
    %dma_wait3A_415 = arith.constant 0 : i32
    %dma_wait3A_416 = tpu.memref_slice %arg10[%dma_wait3A_414, %dma_wait3A_415] : memref<10008x128xf32, #tpu.memory_space<vmem_shared>> -> memref<10008x128xf32, #tpu.memory_space<vmem_shared>>
    %dma_wait3A_417 = tpu.memref_slice %arg13[%dma_wait3A_406] : memref<7x!tpu.dma_semaphore, #tpu.memory_space<semaphore_mem>> -> memref<1x!tpu.dma_semaphore, #tpu.memory_space<semaphore_mem>>
    %dma_wait3A_418 = tpu.memref_squeeze %dma_wait3A_417 : memref<1x!tpu.dma_semaphore, #tpu.memory_space<semaphore_mem>> -> memref<!tpu.dma_semaphore, #tpu.memory_space<semaphore_mem>>
    tpu.wait_indirect_dma semaphore(%dma_wait3A_418 : memref<!tpu.dma_semaphore, #tpu.memory_space<semaphore_mem>>) src(%dma_wait3A_410 : memref<48x128xf32, #tpu.memory_space<vmem>>) dst(%dma_wait3A_416 : memref<10008x128xf32, #tpu.memory_space<vmem_shared>>)
    %dma_wait3A_419 = arith.constant 4 : i32
    %dma_wait3A_420 = arith.constant 4 : i32
    %dma_wait3A_421 = arith.constant 4 : i32
    %dma_wait3A_422 = arith.constant 0 : i32
    %dma_wait3A_423 = arith.constant 0 : i32
    %dma_wait3A_424 = tpu.memref_slice %arg9[%dma_wait3A_419, %dma_wait3A_422, %dma_wait3A_423] : memref<7x48x128xf32, #tpu.memory_space<vmem>> -> memref<1x48x128xf32, #tpu.memory_space<vmem>>
    %dma_wait3A_425 = tpu.memref_squeeze %dma_wait3A_424 : memref<1x48x128xf32, #tpu.memory_space<vmem>> -> memref<48x128xf32, #tpu.memory_space<vmem>>
    %dma_wait3A_426 = arith.constant 0 : i32
    %dma_wait3A_427 = tpu.memref_slice %arg8[%dma_wait3A_420, %dma_wait3A_426] : memref<7x48xi32, #tpu.memory_space<vmem>> -> memref<1x48xi32, #tpu.memory_space<vmem>>
    %dma_wait3A_428 = tpu.memref_squeeze %dma_wait3A_427 : memref<1x48xi32, #tpu.memory_space<vmem>> -> memref<48xi32, #tpu.memory_space<vmem>>
    %dma_wait3A_429 = arith.constant 0 : i32
    %dma_wait3A_430 = arith.constant 0 : i32
    %dma_wait3A_431 = tpu.memref_slice %arg10[%dma_wait3A_429, %dma_wait3A_430] : memref<10008x128xf32, #tpu.memory_space<vmem_shared>> -> memref<10008x128xf32, #tpu.memory_space<vmem_shared>>
    %dma_wait3A_432 = tpu.memref_slice %arg13[%dma_wait3A_421] : memref<7x!tpu.dma_semaphore, #tpu.memory_space<semaphore_mem>> -> memref<1x!tpu.dma_semaphore, #tpu.memory_space<semaphore_mem>>
    %dma_wait3A_433 = tpu.memref_squeeze %dma_wait3A_432 : memref<1x!tpu.dma_semaphore, #tpu.memory_space<semaphore_mem>> -> memref<!tpu.dma_semaphore, #tpu.memory_space<semaphore_mem>>
    tpu.wait_indirect_dma semaphore(%dma_wait3A_433 : memref<!tpu.dma_semaphore, #tpu.memory_space<semaphore_mem>>) src(%dma_wait3A_425 : memref<48x128xf32, #tpu.memory_space<vmem>>) dst(%dma_wait3A_431 : memref<10008x128xf32, #tpu.memory_space<vmem_shared>>)
    %dma_wait3A_434 = arith.constant 5 : i32
    %dma_wait3A_435 = arith.constant 5 : i32
    %dma_wait3A_436 = arith.constant 5 : i32
    %dma_wait3A_437 = arith.constant 0 : i32
    %dma_wait3A_438 = arith.constant 0 : i32
    %dma_wait3A_439 = tpu.memref_slice %arg9[%dma_wait3A_434, %dma_wait3A_437, %dma_wait3A_438] : memref<7x48x128xf32, #tpu.memory_space<vmem>> -> memref<1x48x128xf32, #tpu.memory_space<vmem>>
    %dma_wait3A_440 = tpu.memref_squeeze %dma_wait3A_439 : memref<1x48x128xf32, #tpu.memory_space<vmem>> -> memref<48x128xf32, #tpu.memory_space<vmem>>
    %dma_wait3A_441 = arith.constant 0 : i32
    %dma_wait3A_442 = tpu.memref_slice %arg8[%dma_wait3A_435, %dma_wait3A_441] : memref<7x48xi32, #tpu.memory_space<vmem>> -> memref<1x48xi32, #tpu.memory_space<vmem>>
    %dma_wait3A_443 = tpu.memref_squeeze %dma_wait3A_442 : memref<1x48xi32, #tpu.memory_space<vmem>> -> memref<48xi32, #tpu.memory_space<vmem>>
    %dma_wait3A_444 = arith.constant 0 : i32
    %dma_wait3A_445 = arith.constant 0 : i32
    %dma_wait3A_446 = tpu.memref_slice %arg10[%dma_wait3A_444, %dma_wait3A_445] : memref<10008x128xf32, #tpu.memory_space<vmem_shared>> -> memref<10008x128xf32, #tpu.memory_space<vmem_shared>>
    %dma_wait3A_447 = tpu.memref_slice %arg13[%dma_wait3A_436] : memref<7x!tpu.dma_semaphore, #tpu.memory_space<semaphore_mem>> -> memref<1x!tpu.dma_semaphore, #tpu.memory_space<semaphore_mem>>
    %dma_wait3A_448 = tpu.memref_squeeze %dma_wait3A_447 : memref<1x!tpu.dma_semaphore, #tpu.memory_space<semaphore_mem>> -> memref<!tpu.dma_semaphore, #tpu.memory_space<semaphore_mem>>
    tpu.wait_indirect_dma semaphore(%dma_wait3A_448 : memref<!tpu.dma_semaphore, #tpu.memory_space<semaphore_mem>>) src(%dma_wait3A_440 : memref<48x128xf32, #tpu.memory_space<vmem>>) dst(%dma_wait3A_446 : memref<10008x128xf32, #tpu.memory_space<vmem_shared>>)
    %dma_wait3A_449 = arith.constant 6 : i32
    %dma_wait3A_450 = arith.constant 6 : i32
    %dma_wait3A_451 = arith.constant 6 : i32
    %dma_wait3A_452 = arith.constant 0 : i32
    %dma_wait3A_453 = arith.constant 0 : i32
    %dma_wait3A_454 = tpu.memref_slice %arg9[%dma_wait3A_449, %dma_wait3A_452, %dma_wait3A_453] : memref<7x48x128xf32, #tpu.memory_space<vmem>> -> memref<1x48x128xf32, #tpu.memory_space<vmem>>
    %dma_wait3A_455 = tpu.memref_squeeze %dma_wait3A_454 : memref<1x48x128xf32, #tpu.memory_space<vmem>> -> memref<48x128xf32, #tpu.memory_space<vmem>>
    %dma_wait3A_456 = arith.constant 0 : i32
    %dma_wait3A_457 = tpu.memref_slice %arg8[%dma_wait3A_450, %dma_wait3A_456] : memref<7x48xi32, #tpu.memory_space<vmem>> -> memref<1x48xi32, #tpu.memory_space<vmem>>
    %dma_wait3A_458 = tpu.memref_squeeze %dma_wait3A_457 : memref<1x48xi32, #tpu.memory_space<vmem>> -> memref<48xi32, #tpu.memory_space<vmem>>
    %dma_wait3A_459 = arith.constant 0 : i32
    %dma_wait3A_460 = arith.constant 0 : i32
    %dma_wait3A_461 = tpu.memref_slice %arg10[%dma_wait3A_459, %dma_wait3A_460] : memref<10008x128xf32, #tpu.memory_space<vmem_shared>> -> memref<10008x128xf32, #tpu.memory_space<vmem_shared>>
    %dma_wait3A_462 = tpu.memref_slice %arg13[%dma_wait3A_451] : memref<7x!tpu.dma_semaphore, #tpu.memory_space<semaphore_mem>> -> memref<1x!tpu.dma_semaphore, #tpu.memory_space<semaphore_mem>>
    %dma_wait3A_463 = tpu.memref_squeeze %dma_wait3A_462 : memref<1x!tpu.dma_semaphore, #tpu.memory_space<semaphore_mem>> -> memref<!tpu.dma_semaphore, #tpu.memory_space<semaphore_mem>>
    tpu.wait_indirect_dma semaphore(%dma_wait3A_463 : memref<!tpu.dma_semaphore, #tpu.memory_space<semaphore_mem>>) src(%dma_wait3A_455 : memref<48x128xf32, #tpu.memory_space<vmem>>) dst(%dma_wait3A_461 : memref<10008x128xf32, #tpu.memory_space<vmem_shared>>)
    %barrier3A_464 = arith.constant 0 : index
    tpu.barrier barrier_id(%barrier3A_464)
    %lt3A_465 = arith.constant 15 : i32
    %lt3A_466 = arith.cmpi slt, %arg1, %lt3A_465 : i32
    %convert_element_type3A_467 = arith.extui %lt3A_466 : i1 to i32
    %cond3A_468 = arith.constant 0 : i32
    %cond3A_469 = arith.cmpi ne, %convert_element_type3A_467, %cond3A_468 : i32
    scf.if %cond3A_469 {
      "tpu.region"() ({
        %run_scoped3A = tpu.sem_alloc : memref<!tpu.dma_semaphore, #tpu.memory_space<semaphore_mem>>
        %dma_start3A_475 = arith.constant 0 : i32
        %dma_start3A_476 = tpu.memref_slice %arg5[%arg0, %mul3A_2, %dma_start3A_475] : memref<2x10008x128xf32, #tpu.memory_space<hbm>> -> memref<1x632x128xf32, #tpu.memory_space<hbm>>
        %dma_start3A_477 = tpu.memref_squeeze %dma_start3A_476 : memref<1x632x128xf32, #tpu.memory_space<hbm>> -> memref<632x128xf32, #tpu.memory_space<hbm>>
        %dma_start3A_478 = arith.constant 0 : i32
        %dma_start3A_479 = tpu.memref_slice %arg10[%mul3A_2, %dma_start3A_478] : memref<10008x128xf32, #tpu.memory_space<vmem_shared>> -> memref<632x128xf32, #tpu.memory_space<vmem_shared>>
        tpu.enqueue_dma source(%dma_start3A_479 : memref<632x128xf32, #tpu.memory_space<vmem_shared>>) target(%dma_start3A_477 : memref<632x128xf32, #tpu.memory_space<hbm>>) target_semaphore(%run_scoped3A : memref<!tpu.dma_semaphore, #tpu.memory_space<semaphore_mem>>)
        %dma_wait3A_480 = arith.constant 0 : i32
        %dma_wait3A_481 = tpu.memref_slice %arg5[%arg0, %mul3A_2, %dma_wait3A_480] : memref<2x10008x128xf32, #tpu.memory_space<hbm>> -> memref<1x632x128xf32, #tpu.memory_space<hbm>>
        %dma_wait3A_482 = tpu.memref_squeeze %dma_wait3A_481 : memref<1x632x128xf32, #tpu.memory_space<hbm>> -> memref<632x128xf32, #tpu.memory_space<hbm>>
        %dma_wait3A_483 = arith.constant 0 : i32
        %dma_wait3A_484 = tpu.memref_slice %arg10[%mul3A_2, %dma_wait3A_483] : memref<10008x128xf32, #tpu.memory_space<vmem_shared>> -> memref<632x128xf32, #tpu.memory_space<vmem_shared>>
        tpu.wait_dma2 semaphore(%run_scoped3A : memref<!tpu.dma_semaphore, #tpu.memory_space<semaphore_mem>>) src(%dma_wait3A_484 : memref<632x128xf32, #tpu.memory_space<vmem_shared>>) dst(%dma_wait3A_482 : memref<632x128xf32, #tpu.memory_space<hbm>>)
        tpu.yield
      }) : () -> ()
    } else {
    }
    %eq3A_470 = arith.constant 15 : i32
    %eq3A_471 = arith.cmpi eq, %arg1, %eq3A_470 : i32
    %convert_element_type3A_472 = arith.extui %eq3A_471 : i1 to i32
    %cond3A_473 = arith.constant 0 : i32
    %cond3A_474 = arith.cmpi ne, %convert_element_type3A_472, %cond3A_473 : i32
    scf.if %cond3A_474 {
      "tpu.region"() ({
        %run_scoped3A = tpu.sem_alloc : memref<!tpu.dma_semaphore, #tpu.memory_space<semaphore_mem>>
        %dma_start3A_475 = arith.constant 0 : i32
        %dma_start3A_476 = tpu.memref_slice %arg5[%arg0, %mul3A_2, %dma_start3A_475] : memref<2x10008x128xf32, #tpu.memory_space<hbm>> -> memref<1x528x128xf32, #tpu.memory_space<hbm>>
        %dma_start3A_477 = tpu.memref_squeeze %dma_start3A_476 : memref<1x528x128xf32, #tpu.memory_space<hbm>> -> memref<528x128xf32, #tpu.memory_space<hbm>>
        %dma_start3A_478 = arith.constant 0 : i32
        %dma_start3A_479 = tpu.memref_slice %arg10[%mul3A_2, %dma_start3A_478] : memref<10008x128xf32, #tpu.memory_space<vmem_shared>> -> memref<528x128xf32, #tpu.memory_space<vmem_shared>>
        tpu.enqueue_dma source(%dma_start3A_479 : memref<528x128xf32, #tpu.memory_space<vmem_shared>>) target(%dma_start3A_477 : memref<528x128xf32, #tpu.memory_space<hbm>>) target_semaphore(%run_scoped3A : memref<!tpu.dma_semaphore, #tpu.memory_space<semaphore_mem>>)
        %dma_wait3A_480 = arith.constant 0 : i32
        %dma_wait3A_481 = tpu.memref_slice %arg5[%arg0, %mul3A_2, %dma_wait3A_480] : memref<2x10008x128xf32, #tpu.memory_space<hbm>> -> memref<1x528x128xf32, #tpu.memory_space<hbm>>
        %dma_wait3A_482 = tpu.memref_squeeze %dma_wait3A_481 : memref<1x528x128xf32, #tpu.memory_space<hbm>> -> memref<528x128xf32, #tpu.memory_space<hbm>>
        %dma_wait3A_483 = arith.constant 0 : i32
        %dma_wait3A_484 = tpu.memref_slice %arg10[%mul3A_2, %dma_wait3A_483] : memref<10008x128xf32, #tpu.memory_space<vmem_shared>> -> memref<528x128xf32, #tpu.memory_space<vmem_shared>>
        tpu.wait_dma2 semaphore(%run_scoped3A : memref<!tpu.dma_semaphore, #tpu.memory_space<semaphore_mem>>) src(%dma_wait3A_484 : memref<528x128xf32, #tpu.memory_space<vmem_shared>>) dst(%dma_wait3A_482 : memref<528x128xf32, #tpu.memory_space<hbm>>)
        tpu.yield
      }) : () -> ()
    } else {
    }
    return
  }
}

module attributes {stable_mosaic.version = 14 : i64} {
  func.func @_enc_body(%arg0: i32, %arg1: memref<5000x128xf32, #tpu.memory_space<vmem>>, %arg2: memref<1x128xf32, #tpu.memory_space<vmem>>, %arg3: memref<1x128xf32, #tpu.memory_space<vmem>>, %arg4: memref<128x128xf32, #tpu.memory_space<vmem>>, %arg5: memref<1x128xf32, #tpu.memory_space<vmem>>, %arg6: memref<1x128xf32, #tpu.memory_space<vmem>>, %arg7: memref<1x128xf32, #tpu.memory_space<vmem>>, %arg8: memref<128x128xf32, #tpu.memory_space<vmem>>, %arg9: memref<1x128xf32, #tpu.memory_space<vmem>>, %arg10: memref<5000x128xf32, #tpu.memory_space<vmem>>) attributes {dimension_semantics = [#tpu.dimension_semantics<arbitrary>], iteration_bounds = array<i64: 2>, scalar_prefetch = 0 : i64, scratch_operands = 0 : i64, tpu.core_type = #tpu.core_type<tc>, window_params = [{transform_indices = @transform_0, window_bounds = array<i64: 5000, 128>}, {pipeline_mode = #tpu.pipeline_mode<synchronous>, transform_indices = @transform_1, window_bounds = array<i64: 1, 128>}, {pipeline_mode = #tpu.pipeline_mode<synchronous>, transform_indices = @transform_2, window_bounds = array<i64: 1, 128>}, {pipeline_mode = #tpu.pipeline_mode<synchronous>, transform_indices = @transform_3, window_bounds = array<i64: 128, 128>}, {pipeline_mode = #tpu.pipeline_mode<synchronous>, transform_indices = @transform_4, window_bounds = array<i64: 1, 128>}, {pipeline_mode = #tpu.pipeline_mode<synchronous>, transform_indices = @transform_5, window_bounds = array<i64: 1, 128>}, {pipeline_mode = #tpu.pipeline_mode<synchronous>, transform_indices = @transform_6, window_bounds = array<i64: 1, 128>}, {pipeline_mode = #tpu.pipeline_mode<synchronous>, transform_indices = @transform_7, window_bounds = array<i64: 128, 128>}, {pipeline_mode = #tpu.pipeline_mode<synchronous>, transform_indices = @transform_8, window_bounds = array<i64: 1, 128>}, {transform_indices = @transform_9, window_bounds = array<i64: 5000, 128>}]} {
    %get3A = arith.constant 0 : index
    %get3A_0 = arith.constant 0 : index
    %get3A_1 = vector.load %arg1[%get3A, %get3A_0] : memref<5000x128xf32, #tpu.memory_space<vmem>>, vector<5000x128xf32>
    %get3A_2 = arith.constant 0 : index
    %get3A_3 = arith.constant 0 : index
    %get3A_4 = vector.load %arg2[%get3A_2, %get3A_3] : memref<1x128xf32, #tpu.memory_space<vmem>>, vector<1x128xf32>
    %get3A_5 = arith.constant 0 : index
    %get3A_6 = arith.constant 0 : index
    %get3A_7 = vector.load %arg3[%get3A_5, %get3A_6] : memref<1x128xf32, #tpu.memory_space<vmem>>, vector<1x128xf32>
    %get3A_8 = arith.constant 0 : index
    %get3A_9 = arith.constant 0 : index
    %get3A_10 = vector.load %arg4[%get3A_8, %get3A_9] : memref<128x128xf32, #tpu.memory_space<vmem>>, vector<128x128xf32>
    %get3A_11 = arith.constant 0 : index
    %get3A_12 = arith.constant 0 : index
    %get3A_13 = vector.load %arg5[%get3A_11, %get3A_12] : memref<1x128xf32, #tpu.memory_space<vmem>>, vector<1x128xf32>
    %get3A_14 = arith.constant 0 : index
    %get3A_15 = arith.constant 0 : index
    %get3A_16 = vector.load %arg6[%get3A_14, %get3A_15] : memref<1x128xf32, #tpu.memory_space<vmem>>, vector<1x128xf32>
    %get3A_17 = arith.constant 0 : index
    %get3A_18 = arith.constant 0 : index
    %get3A_19 = vector.load %arg7[%get3A_17, %get3A_18] : memref<1x128xf32, #tpu.memory_space<vmem>>, vector<1x128xf32>
    %get3A_20 = arith.constant 0 : index
    %get3A_21 = arith.constant 0 : index
    %get3A_22 = vector.load %arg8[%get3A_20, %get3A_21] : memref<128x128xf32, #tpu.memory_space<vmem>>, vector<128x128xf32>
    %get3A_23 = arith.constant 0 : index
    %get3A_24 = arith.constant 0 : index
    %get3A_25 = vector.load %arg9[%get3A_23, %get3A_24] : memref<1x128xf32, #tpu.memory_space<vmem>>, vector<1x128xf32>
    %reduce_sum3A = arith.constant dense<0.000000e+00> : vector<5000xf32>
    %reduce_sum3A_26 = vector.multi_reduction <add>, %get3A_1, %reduce_sum3A [1] : vector<5000x128xf32> to vector<5000xf32>
    %broadcast_in_dim3A = vector.shape_cast %reduce_sum3A_26 : vector<5000xf32> to vector<5000x1xf32>
    %div3A = arith.constant 1.280000e+02 : f32
    %div3A_27 = vector.broadcast %div3A : f32 to vector<5000x1xf32>
    %div3A_28 = arith.divf %broadcast_in_dim3A, %div3A_27 : vector<5000x1xf32>
    %sub3A = vector.broadcast %div3A_28 : vector<5000x1xf32> to vector<5000x128xf32>
    %sub3A_29 = arith.subf %get3A_1, %sub3A : vector<5000x128xf32>
    %integer_pow3A = arith.mulf %sub3A_29, %sub3A_29 : vector<5000x128xf32>
    %reduce_sum3A_30 = arith.constant dense<0.000000e+00> : vector<5000xf32>
    %reduce_sum3A_31 = vector.multi_reduction <add>, %integer_pow3A, %reduce_sum3A_30 [1] : vector<5000x128xf32> to vector<5000xf32>
    %broadcast_in_dim3A_32 = vector.shape_cast %reduce_sum3A_31 : vector<5000xf32> to vector<5000x1xf32>
    %div3A_33 = arith.constant 1.280000e+02 : f32
    %div3A_34 = vector.broadcast %div3A_33 : f32 to vector<5000x1xf32>
    %div3A_35 = arith.divf %broadcast_in_dim3A_32, %div3A_34 : vector<5000x1xf32>
    %sub3A_36 = vector.broadcast %div3A_28 : vector<5000x1xf32> to vector<5000x128xf32>
    %sub3A_37 = arith.subf %get3A_1, %sub3A_36 : vector<5000x128xf32>
    %add3A = arith.constant 9.99999974E-6 : f32
    %add3A_38 = vector.broadcast %add3A : f32 to vector<5000x1xf32>
    %add3A_39 = arith.addf %div3A_35, %add3A_38 : vector<5000x1xf32>
    %rsqrt3A = math.rsqrt %add3A_39 : vector<5000x1xf32>
    %mul3A = vector.broadcast %rsqrt3A : vector<5000x1xf32> to vector<5000x128xf32>
    %mul3A_40 = arith.mulf %sub3A_37, %mul3A : vector<5000x128xf32>
    %mul3A_41 = vector.broadcast %get3A_4 : vector<1x128xf32> to vector<5000x128xf32>
    %mul3A_42 = arith.mulf %mul3A_40, %mul3A_41 : vector<5000x128xf32>
    %add3A_43 = vector.broadcast %get3A_7 : vector<1x128xf32> to vector<5000x128xf32>
    %add3A_44 = arith.addf %mul3A_42, %add3A_43 : vector<5000x128xf32>
    %dot_general3A = arith.constant dense<0.000000e+00> : vector<5000x128xf32>
    %dot_general3A_45 = tpu.matmul %add3A_44, %get3A_10, %dot_general3A {dimension_numbers = #tpu.dot_dimension_numbers<[1], [0], [0], [1], [0, 0, 1, 1], [], []>, transpose_lhs_hint = false} : vector<5000x128xf32>, vector<128x128xf32>, vector<5000x128xf32> -> vector<5000x128xf32>
    %add3A_46 = vector.broadcast %get3A_13 : vector<1x128xf32> to vector<5000x128xf32>
    %add3A_47 = arith.addf %dot_general3A_45, %add3A_46 : vector<5000x128xf32>
    %max3A = arith.constant 0.000000e+00 : f32
    %max3A_48 = vector.broadcast %max3A : f32 to vector<5000x128xf32>
    %max3A_49 = arith.maximumf %add3A_47, %max3A_48 : vector<5000x128xf32>
    %reduce_sum3A_50 = arith.constant dense<0.000000e+00> : vector<5000xf32>
    %reduce_sum3A_51 = vector.multi_reduction <add>, %max3A_49, %reduce_sum3A_50 [1] : vector<5000x128xf32> to vector<5000xf32>
    %broadcast_in_dim3A_52 = vector.shape_cast %reduce_sum3A_51 : vector<5000xf32> to vector<5000x1xf32>
    %div3A_53 = arith.constant 1.280000e+02 : f32
    %div3A_54 = vector.broadcast %div3A_53 : f32 to vector<5000x1xf32>
    %div3A_55 = arith.divf %broadcast_in_dim3A_52, %div3A_54 : vector<5000x1xf32>
    %sub3A_56 = vector.broadcast %div3A_55 : vector<5000x1xf32> to vector<5000x128xf32>
    %sub3A_57 = arith.subf %max3A_49, %sub3A_56 : vector<5000x128xf32>
    %integer_pow3A_58 = arith.mulf %sub3A_57, %sub3A_57 : vector<5000x128xf32>
    %reduce_sum3A_59 = arith.constant dense<0.000000e+00> : vector<5000xf32>
    %reduce_sum3A_60 = vector.multi_reduction <add>, %integer_pow3A_58, %reduce_sum3A_59 [1] : vector<5000x128xf32> to vector<5000xf32>
    %broadcast_in_dim3A_61 = vector.shape_cast %reduce_sum3A_60 : vector<5000xf32> to vector<5000x1xf32>
    %div3A_62 = arith.constant 1.280000e+02 : f32
    %div3A_63 = vector.broadcast %div3A_62 : f32 to vector<5000x1xf32>
    %div3A_64 = arith.divf %broadcast_in_dim3A_61, %div3A_63 : vector<5000x1xf32>
    %sub3A_65 = vector.broadcast %div3A_55 : vector<5000x1xf32> to vector<5000x128xf32>
    %sub3A_66 = arith.subf %max3A_49, %sub3A_65 : vector<5000x128xf32>
    %add3A_67 = arith.constant 9.99999974E-6 : f32
    %add3A_68 = vector.broadcast %add3A_67 : f32 to vector<5000x1xf32>
    %add3A_69 = arith.addf %div3A_64, %add3A_68 : vector<5000x1xf32>
    %rsqrt3A_70 = math.rsqrt %add3A_69 : vector<5000x1xf32>
    %mul3A_71 = vector.broadcast %rsqrt3A_70 : vector<5000x1xf32> to vector<5000x128xf32>
    %mul3A_72 = arith.mulf %sub3A_66, %mul3A_71 : vector<5000x128xf32>
    %mul3A_73 = vector.broadcast %get3A_16 : vector<1x128xf32> to vector<5000x128xf32>
    %mul3A_74 = arith.mulf %mul3A_72, %mul3A_73 : vector<5000x128xf32>
    %add3A_75 = vector.broadcast %get3A_19 : vector<1x128xf32> to vector<5000x128xf32>
    %add3A_76 = arith.addf %mul3A_74, %add3A_75 : vector<5000x128xf32>
    %dot_general3A_77 = arith.constant dense<0.000000e+00> : vector<5000x128xf32>
    %dot_general3A_78 = tpu.matmul %add3A_76, %get3A_22, %dot_general3A_77 {dimension_numbers = #tpu.dot_dimension_numbers<[1], [0], [0], [1], [0, 0, 1, 1], [], []>, transpose_lhs_hint = false} : vector<5000x128xf32>, vector<128x128xf32>, vector<5000x128xf32> -> vector<5000x128xf32>
    %add3A_79 = vector.broadcast %get3A_25 : vector<1x128xf32> to vector<5000x128xf32>
    %add3A_80 = arith.addf %dot_general3A_78, %add3A_79 : vector<5000x128xf32>
    %max3A_81 = arith.constant 0.000000e+00 : f32
    %max3A_82 = vector.broadcast %max3A_81 : f32 to vector<5000x128xf32>
    %max3A_83 = arith.maximumf %add3A_80, %max3A_82 : vector<5000x128xf32>
    %swap3A = arith.constant 0 : index
    %swap3A_84 = arith.constant 0 : index
    %swap3A_85 = vector.load %arg10[%swap3A, %swap3A_84] : memref<5000x128xf32, #tpu.memory_space<vmem>>, vector<5000x128xf32>
    tpu.vector_store %arg10[%swap3A, %swap3A_84], %max3A_83 {strides = array<i32>} : memref<5000x128xf32, #tpu.memory_space<vmem>>, vector<5000x128xf32>,
    return
  }
  func.func @transform_0(%arg0: i32) -> (i32, i32) {
    %c0_i32 = arith.constant 0 : i32
    %c0_i32_0 = arith.constant 0 : i32
    return %arg0, %c0_i32 : i32, i32
  }
  func.func @transform_1(%arg0: i32) -> (i32, i32) {
    %c0_i32 = arith.constant 0 : i32
    %c0_i32_0 = arith.constant 0 : i32
    %c0_i32_1 = arith.constant 0 : i32
    return %c0_i32, %c0_i32_0 : i32, i32
  }
  func.func @transform_2(%arg0: i32) -> (i32, i32) {
    %c0_i32 = arith.constant 0 : i32
    %c0_i32_0 = arith.constant 0 : i32
    %c0_i32_1 = arith.constant 0 : i32
    return %c0_i32, %c0_i32_0 : i32, i32
  }
  func.func @transform_3(%arg0: i32) -> (i32, i32) {
    %c0_i32 = arith.constant 0 : i32
    %c0_i32_0 = arith.constant 0 : i32
    %c0_i32_1 = arith.constant 0 : i32
    return %c0_i32, %c0_i32_0 : i32, i32
  }
  func.func @transform_4(%arg0: i32) -> (i32, i32) {
    %c0_i32 = arith.constant 0 : i32
    %c0_i32_0 = arith.constant 0 : i32
    %c0_i32_1 = arith.constant 0 : i32
    return %c0_i32, %c0_i32_0 : i32, i32
  }
  func.func @transform_5(%arg0: i32) -> (i32, i32) {
    %c0_i32 = arith.constant 0 : i32
    %c0_i32_0 = arith.constant 0 : i32
    %c0_i32_1 = arith.constant 0 : i32
    return %c0_i32, %c0_i32_0 : i32, i32
  }
  func.func @transform_6(%arg0: i32) -> (i32, i32) {
    %c0_i32 = arith.constant 0 : i32
    %c0_i32_0 = arith.constant 0 : i32
    %c0_i32_1 = arith.constant 0 : i32
    return %c0_i32, %c0_i32_0 : i32, i32
  }
  func.func @transform_7(%arg0: i32) -> (i32, i32) {
    %c0_i32 = arith.constant 0 : i32
    %c0_i32_0 = arith.constant 0 : i32
    %c0_i32_1 = arith.constant 0 : i32
    return %c0_i32, %c0_i32_0 : i32, i32
  }
  func.func @transform_8(%arg0: i32) -> (i32, i32) {
    %c0_i32 = arith.constant 0 : i32
    %c0_i32_0 = arith.constant 0 : i32
    %c0_i32_1 = arith.constant 0 : i32
    return %c0_i32, %c0_i32_0 : i32, i32
  }
  func.func @transform_9(%arg0: i32) -> (i32, i32) {
    %c0_i32 = arith.constant 0 : i32
    %c0_i32_0 = arith.constant 0 : i32
    return %arg0, %c0_i32 : i32, i32
  }
}

module attributes {stable_mosaic.version = 14 : i64} {
  func.func @_dec_body(%arg0: i32, %arg1: memref<1x5000x128xf32, #tpu.memory_space<vmem>>, %arg2: memref<1x5000x128xf32, #tpu.memory_space<vmem>>, %arg3: memref<1x128xf32, #tpu.memory_space<vmem>>, %arg4: memref<1x128xf32, #tpu.memory_space<vmem>>, %arg5: memref<128x128xf32, #tpu.memory_space<vmem>>, %arg6: memref<1x128xf32, #tpu.memory_space<vmem>>, %arg7: memref<1x128xf32, #tpu.memory_space<vmem>>, %arg8: memref<1x128xf32, #tpu.memory_space<vmem>>, %arg9: memref<128x128xf32, #tpu.memory_space<vmem>>, %arg10: memref<1x128xf32, #tpu.memory_space<vmem>>, %arg11: memref<5000x128xf32, #tpu.memory_space<vmem>>) attributes {dimension_semantics = [#tpu.dimension_semantics<arbitrary>], iteration_bounds = array<i64: 2>, scalar_prefetch = 0 : i64, scratch_operands = 0 : i64, tpu.core_type = #tpu.core_type<tc>, window_params = [{transform_indices = @transform_0, window_bounds = array<i64: 1, 5000, 128>}, {transform_indices = @transform_1, window_bounds = array<i64: 1, 5000, 128>}, {pipeline_mode = #tpu.pipeline_mode<synchronous>, transform_indices = @transform_2, window_bounds = array<i64: 1, 128>}, {pipeline_mode = #tpu.pipeline_mode<synchronous>, transform_indices = @transform_3, window_bounds = array<i64: 1, 128>}, {pipeline_mode = #tpu.pipeline_mode<synchronous>, transform_indices = @transform_4, window_bounds = array<i64: 128, 128>}, {pipeline_mode = #tpu.pipeline_mode<synchronous>, transform_indices = @transform_5, window_bounds = array<i64: 1, 128>}, {pipeline_mode = #tpu.pipeline_mode<synchronous>, transform_indices = @transform_6, window_bounds = array<i64: 1, 128>}, {pipeline_mode = #tpu.pipeline_mode<synchronous>, transform_indices = @transform_7, window_bounds = array<i64: 1, 128>}, {pipeline_mode = #tpu.pipeline_mode<synchronous>, transform_indices = @transform_8, window_bounds = array<i64: 128, 128>}, {pipeline_mode = #tpu.pipeline_mode<synchronous>, transform_indices = @transform_9, window_bounds = array<i64: 1, 128>}, {transform_indices = @transform_10, window_bounds = array<i64: 5000, 128>}]} {
    %get3A = arith.constant 0 : index
    %get3A_0 = arith.constant 0 : index
    %get3A_1 = arith.constant 0 : index
    %get3A_2 = vector.load %arg1[%get3A, %get3A_0, %get3A_1] : memref<1x5000x128xf32, #tpu.memory_space<vmem>>, vector<1x5000x128xf32>
    %get3A_3 = vector.shape_cast %get3A_2 : vector<1x5000x128xf32> to vector<5000x128xf32>
    %get3A_4 = arith.constant 0 : index
    %get3A_5 = arith.constant 0 : index
    %get3A_6 = arith.constant 0 : index
    %get3A_7 = vector.load %arg2[%get3A_4, %get3A_5, %get3A_6] : memref<1x5000x128xf32, #tpu.memory_space<vmem>>, vector<1x5000x128xf32>
    %get3A_8 = vector.shape_cast %get3A_7 : vector<1x5000x128xf32> to vector<5000x128xf32>
    %add3A = arith.addf %get3A_3, %get3A_8 : vector<5000x128xf32>
    %get3A_9 = arith.constant 0 : index
    %get3A_10 = arith.constant 0 : index
    %get3A_11 = vector.load %arg3[%get3A_9, %get3A_10] : memref<1x128xf32, #tpu.memory_space<vmem>>, vector<1x128xf32>
    %get3A_12 = arith.constant 0 : index
    %get3A_13 = arith.constant 0 : index
    %get3A_14 = vector.load %arg4[%get3A_12, %get3A_13] : memref<1x128xf32, #tpu.memory_space<vmem>>, vector<1x128xf32>
    %get3A_15 = arith.constant 0 : index
    %get3A_16 = arith.constant 0 : index
    %get3A_17 = vector.load %arg5[%get3A_15, %get3A_16] : memref<128x128xf32, #tpu.memory_space<vmem>>, vector<128x128xf32>
    %get3A_18 = arith.constant 0 : index
    %get3A_19 = arith.constant 0 : index
    %get3A_20 = vector.load %arg6[%get3A_18, %get3A_19] : memref<1x128xf32, #tpu.memory_space<vmem>>, vector<1x128xf32>
    %get3A_21 = arith.constant 0 : index
    %get3A_22 = arith.constant 0 : index
    %get3A_23 = vector.load %arg7[%get3A_21, %get3A_22] : memref<1x128xf32, #tpu.memory_space<vmem>>, vector<1x128xf32>
    %get3A_24 = arith.constant 0 : index
    %get3A_25 = arith.constant 0 : index
    %get3A_26 = vector.load %arg8[%get3A_24, %get3A_25] : memref<1x128xf32, #tpu.memory_space<vmem>>, vector<1x128xf32>
    %get3A_27 = arith.constant 0 : index
    %get3A_28 = arith.constant 0 : index
    %get3A_29 = vector.load %arg9[%get3A_27, %get3A_28] : memref<128x128xf32, #tpu.memory_space<vmem>>, vector<128x128xf32>
    %get3A_30 = arith.constant 0 : index
    %get3A_31 = arith.constant 0 : index
    %get3A_32 = vector.load %arg10[%get3A_30, %get3A_31] : memref<1x128xf32, #tpu.memory_space<vmem>>, vector<1x128xf32>
    %reduce_sum3A = arith.constant dense<0.000000e+00> : vector<5000xf32>
    %reduce_sum3A_33 = vector.multi_reduction <add>, %add3A, %reduce_sum3A [1] : vector<5000x128xf32> to vector<5000xf32>
    %broadcast_in_dim3A = vector.shape_cast %reduce_sum3A_33 : vector<5000xf32> to vector<5000x1xf32>
    %div3A = arith.constant 1.280000e+02 : f32
    %div3A_34 = vector.broadcast %div3A : f32 to vector<5000x1xf32>
    %div3A_35 = arith.divf %broadcast_in_dim3A, %div3A_34 : vector<5000x1xf32>
    %sub3A = vector.broadcast %div3A_35 : vector<5000x1xf32> to vector<5000x128xf32>
    %sub3A_36 = arith.subf %add3A, %sub3A : vector<5000x128xf32>
    %integer_pow3A = arith.mulf %sub3A_36, %sub3A_36 : vector<5000x128xf32>
    %reduce_sum3A_37 = arith.constant dense<0.000000e+00> : vector<5000xf32>
    %reduce_sum3A_38 = vector.multi_reduction <add>, %integer_pow3A, %reduce_sum3A_37 [1] : vector<5000x128xf32> to vector<5000xf32>
    %broadcast_in_dim3A_39 = vector.shape_cast %reduce_sum3A_38 : vector<5000xf32> to vector<5000x1xf32>
    %div3A_40 = arith.constant 1.280000e+02 : f32
    %div3A_41 = vector.broadcast %div3A_40 : f32 to vector<5000x1xf32>
    %div3A_42 = arith.divf %broadcast_in_dim3A_39, %div3A_41 : vector<5000x1xf32>
    %sub3A_43 = vector.broadcast %div3A_35 : vector<5000x1xf32> to vector<5000x128xf32>
    %sub3A_44 = arith.subf %add3A, %sub3A_43 : vector<5000x128xf32>
    %add3A_45 = arith.constant 9.99999974E-6 : f32
    %add3A_46 = vector.broadcast %add3A_45 : f32 to vector<5000x1xf32>
    %add3A_47 = arith.addf %div3A_42, %add3A_46 : vector<5000x1xf32>
    %rsqrt3A = math.rsqrt %add3A_47 : vector<5000x1xf32>
    %mul3A = vector.broadcast %rsqrt3A : vector<5000x1xf32> to vector<5000x128xf32>
    %mul3A_48 = arith.mulf %sub3A_44, %mul3A : vector<5000x128xf32>
    %mul3A_49 = vector.broadcast %get3A_11 : vector<1x128xf32> to vector<5000x128xf32>
    %mul3A_50 = arith.mulf %mul3A_48, %mul3A_49 : vector<5000x128xf32>
    %add3A_51 = vector.broadcast %get3A_14 : vector<1x128xf32> to vector<5000x128xf32>
    %add3A_52 = arith.addf %mul3A_50, %add3A_51 : vector<5000x128xf32>
    %dot_general3A = arith.constant dense<0.000000e+00> : vector<5000x128xf32>
    %dot_general3A_53 = tpu.matmul %add3A_52, %get3A_17, %dot_general3A {dimension_numbers = #tpu.dot_dimension_numbers<[1], [0], [0], [1], [0, 0, 1, 1], [], []>, transpose_lhs_hint = false} : vector<5000x128xf32>, vector<128x128xf32>, vector<5000x128xf32> -> vector<5000x128xf32>
    %add3A_54 = vector.broadcast %get3A_20 : vector<1x128xf32> to vector<5000x128xf32>
    %add3A_55 = arith.addf %dot_general3A_53, %add3A_54 : vector<5000x128xf32>
    %max3A = arith.constant 0.000000e+00 : f32
    %max3A_56 = vector.broadcast %max3A : f32 to vector<5000x128xf32>
    %max3A_57 = arith.maximumf %add3A_55, %max3A_56 : vector<5000x128xf32>
    %reduce_sum3A_58 = arith.constant dense<0.000000e+00> : vector<5000xf32>
    %reduce_sum3A_59 = vector.multi_reduction <add>, %max3A_57, %reduce_sum3A_58 [1] : vector<5000x128xf32> to vector<5000xf32>
    %broadcast_in_dim3A_60 = vector.shape_cast %reduce_sum3A_59 : vector<5000xf32> to vector<5000x1xf32>
    %div3A_61 = arith.constant 1.280000e+02 : f32
    %div3A_62 = vector.broadcast %div3A_61 : f32 to vector<5000x1xf32>
    %div3A_63 = arith.divf %broadcast_in_dim3A_60, %div3A_62 : vector<5000x1xf32>
    %sub3A_64 = vector.broadcast %div3A_63 : vector<5000x1xf32> to vector<5000x128xf32>
    %sub3A_65 = arith.subf %max3A_57, %sub3A_64 : vector<5000x128xf32>
    %integer_pow3A_66 = arith.mulf %sub3A_65, %sub3A_65 : vector<5000x128xf32>
    %reduce_sum3A_67 = arith.constant dense<0.000000e+00> : vector<5000xf32>
    %reduce_sum3A_68 = vector.multi_reduction <add>, %integer_pow3A_66, %reduce_sum3A_67 [1] : vector<5000x128xf32> to vector<5000xf32>
    %broadcast_in_dim3A_69 = vector.shape_cast %reduce_sum3A_68 : vector<5000xf32> to vector<5000x1xf32>
    %div3A_70 = arith.constant 1.280000e+02 : f32
    %div3A_71 = vector.broadcast %div3A_70 : f32 to vector<5000x1xf32>
    %div3A_72 = arith.divf %broadcast_in_dim3A_69, %div3A_71 : vector<5000x1xf32>
    %sub3A_73 = vector.broadcast %div3A_63 : vector<5000x1xf32> to vector<5000x128xf32>
    %sub3A_74 = arith.subf %max3A_57, %sub3A_73 : vector<5000x128xf32>
    %add3A_75 = arith.constant 9.99999974E-6 : f32
    %add3A_76 = vector.broadcast %add3A_75 : f32 to vector<5000x1xf32>
    %add3A_77 = arith.addf %div3A_72, %add3A_76 : vector<5000x1xf32>
    %rsqrt3A_78 = math.rsqrt %add3A_77 : vector<5000x1xf32>
    %mul3A_79 = vector.broadcast %rsqrt3A_78 : vector<5000x1xf32> to vector<5000x128xf32>
    %mul3A_80 = arith.mulf %sub3A_74, %mul3A_79 : vector<5000x128xf32>
    %mul3A_81 = vector.broadcast %get3A_23 : vector<1x128xf32> to vector<5000x128xf32>
    %mul3A_82 = arith.mulf %mul3A_80, %mul3A_81 : vector<5000x128xf32>
    %add3A_83 = vector.broadcast %get3A_26 : vector<1x128xf32> to vector<5000x128xf32>
    %add3A_84 = arith.addf %mul3A_82, %add3A_83 : vector<5000x128xf32>
    %dot_general3A_85 = arith.constant dense<0.000000e+00> : vector<5000x128xf32>
    %dot_general3A_86 = tpu.matmul %add3A_84, %get3A_29, %dot_general3A_85 {dimension_numbers = #tpu.dot_dimension_numbers<[1], [0], [0], [1], [0, 0, 1, 1], [], []>, transpose_lhs_hint = false} : vector<5000x128xf32>, vector<128x128xf32>, vector<5000x128xf32> -> vector<5000x128xf32>
    %add3A_87 = vector.broadcast %get3A_32 : vector<1x128xf32> to vector<5000x128xf32>
    %add3A_88 = arith.addf %dot_general3A_86, %add3A_87 : vector<5000x128xf32>
    %max3A_89 = arith.constant 0.000000e+00 : f32
    %max3A_90 = vector.broadcast %max3A_89 : f32 to vector<5000x128xf32>
    %max3A_91 = arith.maximumf %add3A_88, %max3A_90 : vector<5000x128xf32>
    %swap3A = arith.constant 0 : index
    %swap3A_92 = arith.constant 0 : index
    %swap3A_93 = vector.load %arg11[%swap3A, %swap3A_92] : memref<5000x128xf32, #tpu.memory_space<vmem>>, vector<5000x128xf32>
    tpu.vector_store %arg11[%swap3A, %swap3A_92], %max3A_91 {strides = array<i32>} : memref<5000x128xf32, #tpu.memory_space<vmem>>, vector<5000x128xf32>,
    return
  }
  func.func @transform_0(%arg0: i32) -> (i32, i32, i32) {
    %c0_i32 = arith.constant 0 : i32
    %c0_i32_0 = arith.constant 0 : i32
    %c0_i32_1 = arith.constant 0 : i32
    return %c0_i32, %arg0, %c0_i32_0 : i32, i32, i32
  }
  func.func @transform_1(%arg0: i32) -> (i32, i32, i32) {
    %c1_i32 = arith.constant 1 : i32
    %c0_i32 = arith.constant 0 : i32
    %c0_i32_0 = arith.constant 0 : i32
    return %c1_i32, %arg0, %c0_i32 : i32, i32, i32
  }
  func.func @transform_2(%arg0: i32) -> (i32, i32) {
    %c0_i32 = arith.constant 0 : i32
    %c0_i32_0 = arith.constant 0 : i32
    %c0_i32_1 = arith.constant 0 : i32
    return %c0_i32, %c0_i32_0 : i32, i32
  }
  func.func @transform_3(%arg0: i32) -> (i32, i32) {
    %c0_i32 = arith.constant 0 : i32
    %c0_i32_0 = arith.constant 0 : i32
    %c0_i32_1 = arith.constant 0 : i32
    return %c0_i32, %c0_i32_0 : i32, i32
  }
  func.func @transform_4(%arg0: i32) -> (i32, i32) {
    %c0_i32 = arith.constant 0 : i32
    %c0_i32_0 = arith.constant 0 : i32
    %c0_i32_1 = arith.constant 0 : i32
    return %c0_i32, %c0_i32_0 : i32, i32
  }
  func.func @transform_5(%arg0: i32) -> (i32, i32) {
    %c0_i32 = arith.constant 0 : i32
    %c0_i32_0 = arith.constant 0 : i32
    %c0_i32_1 = arith.constant 0 : i32
    return %c0_i32, %c0_i32_0 : i32, i32
  }
  func.func @transform_6(%arg0: i32) -> (i32, i32) {
    %c0_i32 = arith.constant 0 : i32
    %c0_i32_0 = arith.constant 0 : i32
    %c0_i32_1 = arith.constant 0 : i32
    return %c0_i32, %c0_i32_0 : i32, i32
  }
  func.func @transform_7(%arg0: i32) -> (i32, i32) {
    %c0_i32 = arith.constant 0 : i32
    %c0_i32_0 = arith.constant 0 : i32
    %c0_i32_1 = arith.constant 0 : i32
    return %c0_i32, %c0_i32_0 : i32, i32
  }
  func.func @transform_8(%arg0: i32) -> (i32, i32) {
    %c0_i32 = arith.constant 0 : i32
    %c0_i32_0 = arith.constant 0 : i32
    %c0_i32_1 = arith.constant 0 : i32
    return %c0_i32, %c0_i32_0 : i32, i32
  }
  func.func @transform_9(%arg0: i32) -> (i32, i32) {
    %c0_i32 = arith.constant 0 : i32
    %c0_i32_0 = arith.constant 0 : i32
    %c0_i32_1 = arith.constant 0 : i32
    return %c0_i32, %c0_i32_0 : i32, i32
  }
  func.func @transform_10(%arg0: i32) -> (i32, i32) {
    %c0_i32 = arith.constant 0 : i32
    %c0_i32_0 = arith.constant 0 : i32
    return %arg0, %c0_i32 : i32, i32
  }
}

</mosaic_0001>

<sc_bundles>
// kernel: kernel.5.cloned.1.call-start
scs
__scs_entry_jumppad:
0x0: {  	(pc) =	sbr.rel $0x88, $3  }
0x1: {  	(tag) =	ssettag $0x0;
	lr =	simm.s32 $0x1  }
0x2: {  	[smem:$0x3F8E] =	sst lr;
	_ =	strace $0xD0000000  }
0x3: {  	_ = 	snop  }
0x4: {  	_ = 	snop  }
0x5: {  	_ = 	snop  }
0x6: {  	_ = 	snop  }
0x7: {  	_ = 	snop  }
__scs_overlays_trampoline_lowered:
0x8: {  	[smem:$0x3F9D] =	sst s0  }
0x9: {  	[smem:$0x3F9E] =	sst s1  }
0xa: {  	[smem:$0x3F9F] =	sst s2  }
0xb: {  	[smem:$0x3FA0] =	sst s3  }
0xc: {  	[smem:$0x3FA1] =	sst s4  }
0xd: {  	[smem:$0x3FA2] =	sst s5  }
0xe: {  	[smem:$0x3FA3] =	sst s6  }
0xf: {  	[smem:$0x3FA4] =	sst s7  }
0x10: {  	[smem:$0x3FA5] =	sst s8  }
0x11: {  	[smem:$0x3FA6] =	sst s9;
	s0 =	simm.s32 @!p0 $0x0  }
0x12: {  	s1 =	sld [smem:$0x3F8C];
	s0 =	simm.s32 @p0 $0x1  }
0x13: {  	[smem:$0x3FA7] =	sst s0;
	s0 =	simm.s32 @!p1 $0x0  }
0x14: {  	s2 =	sld [smem:$0x3F8B];
	s0 =	simm.s32 @p1 $0x1  }
0x15: {  	[smem:$0x3FA8] =	sst s0;
	s0 =	simm.s32 @!p2 $0x0  }
0x16: {  	s3 =	sld [smem:$0x3FDB];
	s0 =	simm.s32 @p2 $0x1  }
0x17: {  	s4 =	simm.s32 $0x1BF5;
	[smem:$0x3FAA] =	sst s0  }
0x18: {  	s0 =	sld [smem:$0x3F8D];
	_ =	swait.ge [sflag:s4], $0x0  }
0x19: {  	s7 =	sld [smem:$0x3F8E]  }
0x1a: {  	s8 =	sadd.s32 $0xFFFFE003, lr  }
0x1b: {  	s9 =	sadd.s32 $0xFFFFFEF7, lr;
	s5 =	simm.s32 $0xFFFFFFFF;
	p2 =	slt.u32 s8, $0xFFFFF086  }
0x1c: {  	p1 =	slt.u32 s9, $0xF7A;
	s5 =	simm.s32 @!p2 $0x0  }
0x1d: {  	s5 =	simm.s32 @p1 $0x1;
	p0 =	seq.s32 s7, s2  }
0x1e: {  	s7 =	smul.u32 @!p0 $0xF7A, s2;
	p2 =	seq.s32 @!p0 s5, $0x0  }
0x1f: {  	s9 =	smul.u32 $0xF7A, s1;
	s8 =	simm.s32 @!p0 $0x1BF5;
	p2 =	por !p2, p0  }
0x20: {  	[sflag:s8] =	ssyncset.s32 @!p0 $0xFFFFF086;
	s6 =	sadd.s32 @!p0 s3, s7;
	s7 =	simm.s32 @!p0 $0x108  }
0x21: {  	s3 =	sadd.s32 s3, s9;
	s6 =	sadd.s32 @!p0 $0x88, s6;
	s7 =	simm.s32 @p2 $0x1082  }
0x22: {  	[simem:s7], [sflag:s8] =	dma.local @!p0 [hbm:s6], $0xF7A  }
0x23: {  	s9 =	sor.u32 $0xD0000000, s2;
	s6 =	simm.s32 $0x108;
	_ =	swait.ge @!p0 [sflag:s8], $0x0  }
0x24: {  	s3 =	sadd.s32 $0x88, s3;
	s6 =	simm.s32 @!p1 $0x1082;
	[sflag:s4] =	ssyncset.s32 $0xFFFFF086  }
0x25: {  	[simem:s6], [sflag:s4] =	dma.local [hbm:s3], $0xF7A  }
0x26: {  	[smem:$0x3F8E] =	sst s1;
	(tag) =	ssettag s2;
	_ =	strace s9  }
0x27: {  	s1 =	sld [smem:$0x3F9E]  }
0x28: {  	s2 =	sld [smem:$0x3F9F]  }
0x29: {  	s4 =	sld [smem:$0x3FA1]  }
0x2a: {  	p0 =	seq.s32 s5, $0x0;
	s5 =	sld [smem:$0x3FA2]  }
0x2b: {  	s6 =	sld [smem:$0x3FA3]  }
0x2c: {  	s7 =	sld [smem:$0x3FA4]  }
0x2d: {  	s3 =	simm.s32 $0x108;
	s8 =	sld [smem:$0x3FA5]  }
0x2e: {  	s3 =	simm.s32 @!p0 $0x1082;
	s9 =	sld [smem:$0x3FA6]  }
0x2f: {  	lr =	sadd.s32 s0, s3;
	s0 =	sld [smem:$0x3F9D]  }
0x30: {  	s3 =	sld [smem:$0x3FA0]  }
0x31: {  	[smem:$0x3FA9] =	sst s10  }
0x32: {  	s10 =	sld [smem:$0x3FA7];
	_ =	sdelay $0x3  }
0x33: {  	p0 =	seq.s32 s10, $0x1;
	s10 =	sld [smem:$0x3FA9];
	_ =	sdelay $0x3  }
0x34: {  	[smem:$0x3FA9] =	sst s10  }
0x35: {  	s10 =	sld [smem:$0x3FA8];
	_ =	sdelay $0x3  }
0x36: {  	p1 =	seq.s32 s10, $0x1;
	s10 =	sld [smem:$0x3FA9];
	_ =	sdelay $0x3  }
0x37: {  	[smem:$0x3FA9] =	sst s10  }
0x38: {  	s10 =	sld [smem:$0x3FAA]  }
0x39: {  	_ = 	snop;
	(pc) =	sbr.ind lr, $3  }
0x3a: {  	_ = 	snop  }
0x3b: {  	_ = 	snop  }
0x3c: {  	p2 =	seq.s32 s10, $0x1;
	s10 =	sld [smem:$0x3FA9]  }
0x3d: {  	_ =	shalt  }
0x3e: {  	_ =	shalt  }
0x3f: {  	_ =	shalt  }
0x40: {  	_ =	shalt  }
0x41: {  	_ =	shalt  }
0x42: {  	_ =	shalt  }
0x43: {  	_ =	shalt  }
0x44: {  	_ =	shalt  }
0x45: {  	_ =	shalt  }
0x46: {  	_ =	shalt  }
0x47: {  	_ =	shalt  }
0x48: {  	_ =	shalt  }
0x49: {  	_ =	shalt  }
0x4a: {  	_ =	shalt  }
0x4b: {  	_ =	shalt  }
0x4c: {  	_ =	shalt  }
0x4d: {  	_ =	shalt  }
0x4e: {  	_ =	shalt  }
0x4f: {  	_ =	shalt  }
0x50: {  	_ =	shalt  }
0x51: {  	_ =	shalt  }
0x52: {  	_ =	shalt  }
0x53: {  	_ =	shalt  }
0x54: {  	_ =	shalt  }
0x55: {  	_ =	shalt  }
0x56: {  	_ =	shalt  }
0x57: {  	_ =	shalt  }
0x58: {  	_ =	shalt  }
0x59: {  	_ =	shalt  }
0x5a: {  	_ =	shalt  }
0x5b: {  	_ =	shalt  }
0x5c: {  	_ =	shalt  }
0x5d: {  	_ =	shalt  }
0x5e: {  	_ =	shalt  }
0x5f: {  	_ =	shalt  }
0x60: {  	_ =	shalt  }
0x61: {  	_ =	shalt  }
0x62: {  	_ =	shalt  }
0x63: {  	_ =	shalt  }
0x64: {  	_ =	shalt  }
0x65: {  	_ =	shalt  }
0x66: {  	_ =	shalt  }
0x67: {  	_ =	shalt  }
0x68: {  	_ =	shalt  }
0x69: {  	_ =	shalt  }
0x6a: {  	_ =	shalt  }
0x6b: {  	_ =	shalt  }
0x6c: {  	_ =	shalt  }
0x6d: {  	_ =	shalt  }
0x6e: {  	_ =	shalt  }
0x6f: {  	_ =	shalt  }
0x70: {  	_ =	shalt  }
0x71: {  	_ =	shalt  }
0x72: {  	_ =	shalt  }
0x73: {  	_ =	shalt  }
0x74: {  	_ =	shalt  }
0x75: {  	_ =	shalt  }
0x76: {  	_ =	shalt  }
0x77: {  	_ =	shalt  }
0x78: {  	_ =	shalt  }
0x79: {  	_ =	shalt  }
0x7a: {  	_ =	shalt  }
0x7b: {  	_ =	shalt  }
0x7c: {  	_ =	shalt  }
0x7d: {  	_ =	shalt  }
0x7e: {  	_ =	shalt  }
0x7f: {  	_ =	shalt  }
0x80: {  	_ =	shalt  }
0x81: {  	_ =	shalt  }
0x82: {  	_ =	shalt  }
0x83: {  	_ =	shalt  }
0x84: {  	_ =	shalt  }
0x85: {  	_ =	shalt  }
0x86: {  	_ =	shalt  }
0x87: {  	_ =	shalt  }
.Lfunc_end0:
.L_simem_size_0:
called_computation_lowered:
.L_overlay_start_0:
0x88: {  	s2 =	sld [smem:$0x3FD9]  }
0x89: {  	s3 =	sld [smem:$0x3FFE];
	_ =	sdelay $0x1  }
0x8a: {  	s1 =	srdreg.scid  }
0x8b: {  	s0 =	sand.u32 $0x1, s1  }
0x8c: {  	s17 =	sshll.u32 s0, $0xA;
	s2 =	sadd.s32 s3, s2  }
0x8d: {  	s2 =	sadd.s32 s2, s17  }
0x8e: {  	[smem:$0x3FB5] =	sst s2  }
0x8f: {  	_ = 	snop  }
0x90: {  	s2 =	sld [smem:$0x3FD0];
	(tm) =	ssettm $0x1  }
0x91: {  	s18 =	sld [smem:$0x3FFB];
	_ =	sdelay $0x3  }
0x92: {  	_ =	strace s18  }
0x93: {  	s3 =	sld [smem:$0x3FFC];
	_ =	sdelay $0x3  }
0x94: {  	_ =	strace s3  }
0x95: {  	s3 =	sld [smem:$0x3FFD];
	_ =	sdelay $0x3  }
0x96: {  	_ =	strace s3  }
0x97: {  	_ =	strace $0x8FFFFFFF  }
0x98: {  	s19 =	sld [smem:$0x3FDB];
	_ =	sdelay $0x1  }
0x99: {  	s4 =	simm.s32 $_scs_section_size  }
0x9a: {  	s5 =	simm.s32 $_size__tile_overlayer_lowered;
	s6 =	simm.s32 $_tile_overlayer_lowered  }
0x9b: {  	s22 =	simm.s32 $0x1BFF;
	s21 =	sshll.u32 s6, $0x1;
	s3 =	sadd.s32 s4, s19  }
0x9c: {  	s7 =	simm.s32 $0x0;
	s20 =	sshll.u32 s5, $0x1;
	s5 =	sadd.s32 s21, s3  }
0x9d: {  	[timem:s7], [sflag:s22] =	dma.local [hbm:s5], s20  }
0x9e: {  	_ =	swait.ge [sflag:s22], s20  }
0x9f: {  	s4 =	ssub.s32 $0x0, s20;
	[sflag:s22] =	ssyncset.done $0x0  }
0xa0: {  	[sflag:s22] =	ssyncadd.s32 s4;
	_ =	sdelay $0x1  }
0xa1: {  	s23 =	simm.s32 $0x1B8B  }
0xa2: {  	_ =	swait.ge [sflag:s23], $0x1  }
0xa3: {  	[sflag:s23] =	ssyncset.done $0x0  }
0xa4: {  	s25 =	simm.s32 $0x1B8E;
	s24 =	sld [smem:$0x3FFE];
	[sflag:s23] =	ssyncadd.s32 $0xFFFFFFFF  }
0xa5: {  	s26 =	simm.s32 $execute0_lowered;
	[smem:$0x3FD2] =	sst s25  }
0xa6: {  	s5 =	sshll.u32 s26, $0x1;
	_ =	strace $0x80000046;
	[dreg:$0x1] =	wrdreg $0xFFFFFFFF  }
0xa7: {  	s28 =	simm.s32 $_size_execute0_lowered;
	s3 =	sadd.s32 s3, s5;
	[dreg:$0x0] =	wrdreg $0x0  }
0xa8: {  	s5 =	sshll.u32 s28, $0x1;
	[dreg:$0x2] =	wrdreg s3  }
0xa9: {  	[dreg:$0x3] =	wrdreg s5  }
0xaa: {  	[dreg:$0x4] =	wrdreg $0xC0  }
0xab: {  	_ =	task [dreg:s7], $0x5FFFF  }
0xac: {  	[dreg:$0x1] =	wrdreg $0xFFFFFFFF  }
0xad: {  	[dreg:$0x0] =	wrdreg $0x60  }
0xae: {  	[dreg:$0x2] =	wrdreg s2  }
0xaf: {  	[dreg:$0x3] =	wrdreg s24  }
0xb0: {  	[dreg:$0x4] =	wrdreg $0xB4000  }
0xb1: {  	[dreg:$0x5] =	wrdreg $0x9  }
0xb2: {  	_ =	task.clear_ibuf [dreg:s7], $0x6FFFF;
	_ =	strace $0x90000046  }
0xb3: {  	s29 =	simm.s32 $0x9;
	_ =	strace $0x80000048  }
0xb4: {  	_ =	swait.ge [sflag:s29], $0x1  }
0xb5: {  	[sflag:s29] =	ssyncadd.s32 $0xFFFFFFFF  }
0xb6: {  	_ =	strace $0x90000048  }
0xb7: {  	_ =	sfence  }
0xb8: {  	s30 =	sld [smem:$0x0];
	_ =	sdelay $0x2  }
0xb9: {  	s31 =	sshll.u32 s1, $0xD;
	s1 =	sshrl.u32 s1, $0x2  }
0xba: {  	s3 =	sand.u32 $0x4000, s31;
	s1 =	sadd.s32 s1, s30  }
0xbb: {  	s0 =	sor.u32 s3, s0;
	s1 =	sshll.u32 s1, $0x11  }
0xbc: {  	s0 =	sor.u32 s1, s0  }
0xbd: {  	s0 =	sadd.s32 $0x8F2B, s0  }
0xbe: {  	[sflag:s0] =	ssyncadd.remote.s32 $0x1  }
0xbf: {  	_ =	sfence.sel $0xFFFF  }
0xc0: {  	[dreg:$0x0] =	wrdreg $0xFFFFFFFF;
	(pc) =	sbr.abs _section_cstart, $3  }
0xc1: {  	[dreg:$0x1] =	wrdreg $0xFFFFFFFF  }
0xc2: {  	_ =	task.clear_ibuf [dreg:s7], $0x2FFFF;
	_ =	strace $0x9FFFFFFF  }
0xc3: {  	(tm) =	ssettm $0x7FFFFFFF  }
tec
execute0_lowered:
.L_overlay_start_1:
0x0: {  	(tag) =	ssettag $0x1  }
0x1: {  	s1 =	rddreg [dreg:$0x0]  }
0x2: {  	s0 =	rddreg [dreg:$0x1]  }
0x3: {  	s3 =	rddreg [dreg:$0x2]  }
0x4: {  	s4 =	simm.s32 $0x0;
	s12 =	stileid.u32;
	s6 =	srdreg.scid  }
0x5: {  	s29 =	simm.s32 $0x30;
	s30 =	simm.s32 $0x6;
	s2 =	smul.u32 $0x2780, s12  }
0x6: {  	[smem:$0x7FF] =	sst s4;
	s5 =	sadd.s32 $0x2800, s0;
	s8 =	smul.u32 $0x4F000, s12  }
0x7: {  	s6 =	sand.u32 $0x1, s6;
	s7 =	sshll.u32 s12, $0x1;
	s14 =	smul.u32 $0x13C00, s12  }
0x8: {  	s9 =	sadd.s32 $0x33E00, s0;
	s16 =	smul.u32 $0x5160, s12;
	p0 =	seq.s32 s12, $0xF  }
0x9: {  	s12 =	simm.s32 $0x5400;
	_ =	strace $0x80000047;
	s10 =	ssub.s32 $0x2, s6  }
0xa: {  	s7 =	sor.u32 s6, s7;
	s2 =	sadd.s32 s2, s0;
	s11 =	sshrl.u32 s10, $0x1  }
0xb: {  	s7 =	smul.u32 $0x28B0, s7;
	s8 =	sshrl.u32 s8, $0x2;
	s0 =	sadd.s32 $0x31C80, s0  }
0xc: {  	s10 =	ssub.s32 s10, s11;
	s8 =	sadd.s32 s8, s3;
	[dreg:$0x6] =	wrdreg s0  }
0xd: {  	s2 =	sadd.s32 $0xCC00, s2;
	s11 =	smul.u32 $0x138C00, s6;
	[dreg:$0x4] =	wrdreg s8  }
0xe: {  	s6 =	smul.u32 $0x28B0, s6;
	[dreg:$0x5] =	wrdreg s2;
	s2 =	sadd.s32 $0x128400, s3  }
0xf: {  	s7 =	sshrl.u32 s7, $0x3;
	s19 =	smax.u32 s10, $0x1;
	s10 =	simm.s32 $0x4  }
0x10: {  	s13 =	sadd.s32 s5, s7;
	s0 =	sadd.s32 s14, s11;
	s8 =	sshrl.u32 s11, $0x3  }
0x11: {  	s18 =	sadd.s32 s6, s16;
	[dreg:$0xd] =	wrdreg s19;
	s28 =	sshrl.u32 @p0 s2, $0x3  }
0x12: {  	s19 =	simm.s32 $0x5;
	s14 =	simm.s32 $0xE;
	s16 =	simm.s32 $0x0  }
0x13: {  	s7 =	sadd.s32 $0x6, s13;
	s15 =	sadd.s32 $0xC, s13;
	[dreg:$0x7] =	wrdreg s13  }
0x14: {  	s11 =	sadd.s32 $0x12, s13;
	s0 =	sshrl.u32 s0, $0x3;
	s8 =	sadd.s32 s9, s8  }
0x15: {  	s20 =	sadd.s32 $0x1E0, s18;
	s21 =	sadd.s32 $0x180, s18;
	[dreg:$0x11] =	wrdreg s28  }
0x16: {  	s24 =	sadd.s32 $0x150, s18;
	s25 =	sadd.s32 $0x120, s18;
	[dreg:$0x8] =	wrdreg s7  }
0x17: {  	s26 =	sadd.s32 $0xF0, s18;
	s13 =	simm.s32 $0x8;
	[dreg:$0x9] =	wrdreg s15  }
0x18: {  	[dreg:$0xa] =	wrdreg s11;
	s0 =	sadd.s32 s9, s0;
	s17 =	sadd.s32 $0x25080, s8  }
0x19: {  	s7 =	sadd.s32 $0x1B0, s18;
	s6 =	sshrl.u32 s20, $0x3;
	s23 =	sshrl.u32 s21, $0x3  }
0x1a: {  	[dreg:$0x10] =	wrdreg s24;
	s31 =	sshrl.u32 s26, $0x3;
	s8 =	smov.u32 s5  }
0x1b: {  	s11 =	simm.s32 $0x7;
	s15 =	simm.s32 $0x9C00;
	[dreg:$0xb] =	wrdreg s0  }
0x1c: {  	s9 =	simm.s32 $0xB;
	s26 =	simm.s32 $0xD;
	[dreg:$0xc] =	wrdreg s17  }
0x1d: {  	s7 =	sshrl.u32 s7, $0x3;
	s6 =	sadd.s32 s6, s5;
	s0 =	sadd.s32 $0xC0, s18  }
0x1e: {  	s21 =	sadd.s32 s31, s5;
	s17 =	simm.s32 $0x8400;
	s18 =	simm.s32 $0xA  }
.Ltmp0:
0x1f: {  	[dreg:$0x12] =	wrdreg s6;
	s22 =	sadd.s32 s7, s5;
	(pc) =	sbr.rel .LBB2_1-.Ltmp0, $4  }
0x20: {  	s6 =	sadd.s32 s23, s5;
	s0 =	sshrl.u32 s0, $0x3;
	[dreg:$0xe] =	wrdreg s22  }
0x21: {  	s23 =	simm.s32 $0x9;
	s7 =	simm.s32 $0xC;
	[dreg:$0xf] =	wrdreg s6  }
0x22: {  	s6 =	sshrl.u32 s25, $0x3;
	s22 =	sadd.s32 s0, s5;
	s25 =	simm.s32 $0xC00  }
0x23: {  	s20 =	sadd.s32 s6, s5;
	s5 =	simm.s32 $0x2400;
	s6 =	simm.s32 $0x6C00  }
.LBB2_6:
0x24: {  	s0 =	simm.s32 $0xF  }
0x25: {  	_ =	swait.ge [sflag:s0], $0x1800  }
0x26: {  	[sflag:s0] =	ssyncset.done $0x0  }
0x27: {  	s24 =	simm.s32 $0x10;
	[sflag:s0] =	ssyncadd.s32 $0xFFFFE800  }
0x28: {  	_ =	swait.ge [sflag:s24], $0x1800  }
0x29: {  	[sflag:s24] =	ssyncset.done $0x0  }
0x2a: {  	s31 =	simm.s32 $0x11;
	[sflag:s24] =	ssyncadd.s32 $0xFFFFE800  }
0x2b: {  	_ =	swait.ge [sflag:s31], $0x1800  }
0x2c: {  	[sflag:s31] =	ssyncset.done $0x0  }
0x2d: {  	s2 =	simm.s32 $0x12;
	[sflag:s31] =	ssyncadd.s32 $0xFFFFE800  }
0x2e: {  	_ =	swait.ge [sflag:s2], $0x1800  }
0x2f: {  	[sflag:s2] =	ssyncset.done $0x0  }
0x30: {  	s5 =	simm.s32 $0x13;
	[sflag:s2] =	ssyncadd.s32 $0xFFFFE800  }
0x31: {  	_ =	swait.ge [sflag:s5], $0x1800  }
0x32: {  	[sflag:s5] =	ssyncset.done $0x0  }
0x33: {  	s16 =	simm.s32 $0x14;
	[sflag:s5] =	ssyncadd.s32 $0xFFFFE800  }
0x34: {  	_ =	swait.ge [sflag:s16], $0x1800  }
0x35: {  	[sflag:s16] =	ssyncset.done $0x0  }
0x36: {  	s24 =	simm.s32 $0x15;
	[sflag:s16] =	ssyncadd.s32 $0xFFFFE800  }
0x37: {  	_ =	swait.ge [sflag:s24], $0x1800  }
0x38: {  	[sflag:s24] =	ssyncset.done $0x0  }
0x39: {  	[sflag:s24] =	ssyncadd.s32 $0xFFFFE800  }
0x3a: {  	[bflag:$0x0] =	sbarrier.arrive $0xFFFF  }
0x3b: {  	s2 =	rddreg [dreg:$0xc]  }
0x3c: {  	s0 =	simm.s32 @p0 $0x1FD6;
	s28 =	rddreg [dreg:$0x11]  }
0x3d: {  	[hbm:s2], [sflag:s0] =	dma.local @p0 [spmem:s28], $0x2100  }
0x3e: {  	s0 =	simm.s32 @p0 $0x16  }
0x3f: {  	_ =	swait.ge @p0 [sflag:s0], $0x2100  }
0x40: {  	s2 =	rddreg [dreg:$0x14]  }
0x41: {  	[sflag:s0] =	ssyncset.done @p0 $0x0;
	s5 =	rddreg [dreg:$0x15]  }
0x42: {  	[sflag:s0] =	ssyncadd.s32 @p0 $0xFFFFDF00;
	s0 =	rddreg [dreg:$0xb]  }
0x43: {  	[hbm:s0], [sflag:s2] =	dma.local @!p0 [spmem:s5], $0x2780  }
0x44: {  	s0 =	simm.s32 @!p0 $0x16  }
0x45: {  	_ =	swait.ge @!p0 [sflag:s0], $0x2780  }
0x46: {  	s16 =	rddreg [dreg:$0x13]  }
0x47: {  	s31 =	rddreg [dreg:$0xd];
	s16 =	sadd.s32 $0x1, s16  }
0x48: {  	p1 =	sne.s32 s16, s31  }
.Ltmp1:
0x49: {  	_ = 	snop;
	(pc) =	sbr.rel @!p1 .LBB2_7-.Ltmp1, $3  }
0x4a: {  	_ =	sdelay $0x1  }
0x4b: {  	[sflag:s0] =	ssyncset.done @!p0 $0x0  }
0x4c: {  	s5 =	simm.s32 $0x2400;
	[sflag:s0] =	ssyncadd.s32 @!p0 $0xFFFFD880  }
.LBB2_1:
0x4d: {  	[dreg:$0x13] =	wrdreg s16  }
0x4e: {  	s24 =	simm.s32 @p0 $0x1FD6;
	s0 =	rddreg [dreg:$0x6]  }
0x4f: {  	[spmem:s28], [sflag:s24] =	dma.local @p0 [hbm:s0], $0x2100  }
0x50: {  	s24 =	simm.s32 @p0 $0x16  }
0x51: {  	s0 =	stileid.u32;
	_ =	swait.ge @p0 [sflag:s24], $0x2100  }
0x52: {  	s31 =	sshll.u32 @!p0 s0, $0x6;
	s0 =	rddreg [dreg:$0x4]  }
0x53: {  	s2 =	sor.u32 @!p0 $0x1C16, s31;
	s16 =	sshrl.u32 @!p0 s0, $0x3;
	s0 =	rddreg [dreg:$0x5]  }
0x54: {  	[sflag:s24] =	ssyncset.done @p0 $0x0;
	[dreg:$0x14] =	wrdreg s2  }
0x55: {  	[sflag:s24] =	ssyncadd.s32 @p0 $0xFFFFDF00;
	s24 =	simm.s32 @!p0 $0x16;
	[dreg:$0x15] =	wrdreg s16  }
0x56: {  	[spmem:s16], [sflag:s2] =	dma.local @!p0 [hbm:s0], $0x2780  }
0x57: {  	_ =	swait.ge @!p0 [sflag:s24], $0x2780  }
0x58: {  	[sflag:s24] =	ssyncset.done @!p0 $0x0  }
0x59: {  	[sflag:s24] =	ssyncadd.s32 @!p0 $0xFFFFD880  }
0x5a: {  	[bflag:$0x0] =	sbarrier.arrive $0xFFFF  }
0x5b: {  	s28 =	rddreg [dreg:$0x7]  }
0x5c: {  	[tilespmem:s4], [sflag:$0x1] =	stream.linear.gather [hbm4b:s28+s4], $0x30, $0x38;
	[tilespmem:$0x1ECC0] =	vst v63  }
0x5d: {  	s16 =	simm.s32 $0x80;
	s2 =	rddreg [dreg:$0x8]  }
0x5e: {  	[tilespmem:s16], [sflag:$0x2] =	stream.linear.gather [hbm4b:s2+s4], $0x30, $0x38;
	[tilespmem:$0x1ECC0] =	vst v63  }
0x5f: {  	s24 =	rddreg [dreg:$0x9];
	s28 =	simm.s32 $0x100  }
0x60: {  	[tilespmem:s28], [sflag:$0x3] =	stream.linear.gather [hbm4b:s24+s4], $0x30, $0x38;
	[tilespmem:$0x1ECC0] =	vst v63  }
0x61: {  	s2 =	rddreg [dreg:$0xa];
	s16 =	simm.s32 $0x180;
	s24 =	simm.s32 $0x1  }
0x62: {  	[tilespmem:s16], [sflag:$0x4] =	stream.linear.gather [hbm4b:s2+s4], $0x30, $0x38;
	[tilespmem:$0x1ECC0] =	vst v63  }
0x63: {  	_ =	swait.ge [sflag:s24], $0x30  }
0x64: {  	[sflag:s24] =	ssyncset.done $0x0  }
0x65: {  	[sflag:s24] =	ssyncadd.s32 $0xFFFFFFD0  }
0x66: {  	v0 =	vld [tilespmem:$0x0];
	_ =	sdelay $0x1  }
0x67: {  	v1 =	vld [tilespmem:$0x10];
	_ =	sdelay $0x1  }
0x68: {  	v2 =	vld [tilespmem:$0x20]  }
0x69: {  	v3 =	vand.u32 $0xFFFF, v0  }
0x6a: {  	v0 =	vshra.s32 v0, $0x10;
	[tilespmem:$0x400] =	vst v3  }
0x6b: {  	v44 =	vand.u32 $0xFFFF, v1;
	[tilespmem:$0x800] =	vst v0  }
0x6c: {  	v45 =	vshra.s32 v1, $0x10;
	[tilespmem:$0x410] =	vst v44  }
0x6d: {  	v46 =	vand.u32 $0xFFFF, v2;
	[tilespmem:$0x810] =	vst v45  }
0x6e: {  	v47 =	vshra.s32 v2, $0x10;
	[tilespmem:$0x420] =	vst v46  }
0x6f: {  	s28 =	simm.s32 $0x400;
	s2 =	simm.s32 $0x2;
	[tilespmem:$0x820] =	vst v47  }
0x70: {  	[tilespmem:s25], [sflag:$0x8] =	stream.indirect.gather [hbm4b:s1+s29], $0x80, s28, s29, $0xb8;
	[tilespmem:$0x1ECC0] =	vst v63  }
0x71: {  	_ =	swait.ge [sflag:s2], $0x30  }
0x72: {  	[sflag:s2] =	ssyncset.done $0x0  }
0x73: {  	[sflag:s2] =	ssyncadd.s32 $0xFFFFFFD0  }
0x74: {  	v48 =	vld [tilespmem:$0x80];
	_ =	sdelay $0x1  }
0x75: {  	v49 =	vld [tilespmem:$0x90];
	_ =	sdelay $0x1  }
0x76: {  	v50 =	vld [tilespmem:$0xA0]  }
0x77: {  	v51 =	vand.u32 $0xFFFF, v48  }
0x78: {  	v0 =	vshra.s32 v48, $0x10;
	[tilespmem:$0x480] =	vst v51  }
0x79: {  	v52 =	vand.u32 $0xFFFF, v49;
	[tilespmem:$0x880] =	vst v0  }
0x7a: {  	v53 =	vshra.s32 v49, $0x10;
	[tilespmem:$0x490] =	vst v52  }
0x7b: {  	v54 =	vand.u32 $0xFFFF, v50;
	[tilespmem:$0x890] =	vst v53  }
0x7c: {  	v55 =	vshra.s32 v50, $0x10;
	[tilespmem:$0x4A0] =	vst v54  }
0x7d: {  	s16 =	simm.s32 $0x480;
	s24 =	simm.s32 $0x3;
	[tilespmem:$0x8A0] =	vst v55  }
0x7e: {  	[tilespmem:s5], [sflag:$0x9] =	stream.indirect.gather [hbm4b:s1+s29], $0x80, s16, s29, $0xb8;
	[tilespmem:$0x1ECC0] =	vst v63  }
0x7f: {  	_ =	swait.ge [sflag:s24], $0x30  }
0x80: {  	[sflag:s24] =	ssyncset.done $0x0  }
0x81: {  	[sflag:s24] =	ssyncadd.s32 $0xFFFFFFD0  }
0x82: {  	v56 =	vld [tilespmem:$0x100];
	_ =	sdelay $0x1  }
0x83: {  	v57 =	vld [tilespmem:$0x110];
	_ =	sdelay $0x1  }
0x84: {  	v58 =	vld [tilespmem:$0x120]  }
0x85: {  	v59 =	vand.u32 $0xFFFF, v56  }
0x86: {  	v0 =	vshra.s32 v56, $0x10;
	[tilespmem:$0x500] =	vst v59  }
0x87: {  	v60 =	vand.u32 $0xFFFF, v57;
	[tilespmem:$0x900] =	vst v0  }
.Ltmp2:
0x88: {  	v61 =	vshra.s32 v57, $0x10;
	[tilespmem:$0x510] =	vst v60;
	(pc) =	sbr.rel .LBB2_2-.Ltmp2, $4  }
0x89: {  	v62 =	vand.u32 $0xFFFF, v58;
	[tilespmem:$0x910] =	vst v61  }
0x8a: {  	s31 =	simm.s32 $0x0;
	v63 =	vshra.s32 v58, $0x10;
	[tilespmem:$0x520] =	vst v62  }
0x8b: {  	s25 =	simm.s32 $0x500;
	s28 =	simm.s32 $0x3C00;
	s24 =	rddreg [dreg:$0x10];
	[tilespmem:$0x920] =	vst v63  }
0x8c: {  	[tilespmem:s28], [sflag:$0xA] =	stream.indirect.gather [hbm4b:s1+s29], $0x80, s25, s29, $0xb8;
	[tilespmem:$0x1ECC0] =	vst v63  }
.LBB2_4:
0x8d: {  	_ =	swait.ge [sflag:s7], $0x1800  }
0x8e: {  	[sflag:s7] =	ssyncset.done $0x0  }
0x8f: {  	s25 =	simm.s32 $0xC00;
	s0 =	simm.s32 $0xA00;
	[sflag:s7] =	ssyncadd.s32 $0xFFFFE800  }
0x90: {  	[spmem:s3] =	stream.indirect.scatter.add.f32 [tilespmem:s6], [sflag:$0x13], $0x80, s0, s29, $0xb8;
	[tilespmem:$0x1ECC0] =	vst v63  }
.LBB2_5:
0x91: {  	_ =	swait.ge [sflag:s26], $0x1800  }
0x92: {  	[sflag:s26] =	ssyncset.done $0x0  }
0x93: {  	s0 =	simm.s32 $0xA80;
	s2 =	simm.s32 @!p1 $0x12;
	[sflag:s26] =	ssyncadd.s32 $0xFFFFE800  }
0x94: {  	[spmem:s3] =	stream.indirect.scatter.add.f32 [tilespmem:s17], [sflag:$0x14], $0x80, s0, s29, $0xb8;
	[tilespmem:$0x1ECC0] =	vst v63  }
0x95: {  	_ =	swait.ge @!p1 [sflag:s2], $0x1800  }
0x96: {  	s28 =	simm.s32 @!p1 $0x0;
	[sflag:s2] =	ssyncset.done @!p1 $0x0;
	s0 =	rddreg [dreg:$0x12]  }
0x97: {  	[sflag:s2] =	ssyncadd.s32 @!p1 $0xFFFFE800;
	s2 =	sadd.s32 @!p1 s31, s0;
	s0 =	simm.s32 @!p1 $0x180  }
0x98: {  	[tilespmem:s0], [sflag:$0x4] =	stream.linear.gather @!p1 [hbm4b:s2+s28], $0x30, $0x38;
	[tilespmem:$0x1ECC0] =	vst v63  }
0x99: {  	s0 =	simm.s32 @!p1 $0x3  }
0x9a: {  	_ =	swait.ge @!p1 [sflag:s0], $0x30  }
0x9b: {  	[sflag:s0] =	ssyncset.done @!p1 $0x0  }
0x9c: {  	[sflag:s0] =	ssyncadd.s32 @!p1 $0xFFFFFFD0  }
0x9d: {  	v0 =	vld @!p1 [tilespmem:$0x100];
	_ =	sdelay $0x1  }
0x9e: {  	v1 =	vld @!p1 [tilespmem:$0x110];
	_ =	sdelay $0x1  }
0x9f: {  	v2 =	vld @!p1 [tilespmem:$0x120]  }
0xa0: {  	v3 =	vand.u32 @!p1 $0xFFFF, v0  }
0xa1: {  	v0 =	vshra.s32 @!p1 v0, $0x10;
	[tilespmem:$0x500] =	vst @!p1 v3  }
0xa2: {  	[tilespmem:$0x900] =	vst @!p1 v0;
	v0 =	vand.u32 @!p1 $0xFFFF, v1  }
0xa3: {  	[tilespmem:$0x510] =	vst @!p1 v0;
	v0 =	vshra.s32 @!p1 v1, $0x10  }
0xa4: {  	[tilespmem:$0x910] =	vst @!p1 v0;
	v0 =	vand.u32 @!p1 $0xFFFF, v2  }
0xa5: {  	s31 =	sadd.s32 $0x2A, s31;
	[tilespmem:$0x520] =	vst @!p1 v0;
	v0 =	vshra.s32 @!p1 v2, $0x10  }
0xa6: {  	s2 =	simm.s32 @!p1 $0x500;
	s28 =	simm.s32 @!p1 $0x3C00;
	s0 =	simm.s32 @!p1 $0x30;
	[tilespmem:$0x920] =	vst @!p1 v0  }
0xa7: {  	[tilespmem:s28], [sflag:$0xA] =	stream.indirect.gather @!p1 [hbm4b:s1+s0], $0x80, s2, s0, $0xb8;
	[tilespmem:$0x1ECC0] =	vst v63  }
0xa8: {  	p1 =	sne.s32 s31, $0x516  }
.Ltmp3:
0xa9: {  	_ = 	snop;
	(pc) =	sbr.rel @!p1 .LBB2_6-.Ltmp3, $4  }
0xaa: {  	_ =	swait.ge [sflag:s14], $0x1800  }
0xab: {  	[sflag:s14] =	ssyncset.done $0x0  }
0xac: {  	s24 =	sadd.s32 $0x150, s24;
	s28 =	simm.s32 $0xB00;
	[sflag:s14] =	ssyncadd.s32 $0xFFFFE800  }
0xad: {  	[spmem:s3] =	stream.indirect.scatter.add.f32 [tilespmem:s15], [sflag:$0x15], $0x80, s28, s29, $0xb8;
	[tilespmem:$0x1ECC0] =	vst v63  }
.LBB2_2:
0xae: {  	p1 =	seq.s32 s31, $0x0  }
0xaf: {  	s2 =	simm.s32 @!p1 $0x13  }
0xb0: {  	_ =	swait.ge @!p1 [sflag:s2], $0x1800  }
0xb1: {  	[sflag:s2] =	ssyncset.done @!p1 $0x0  }
0xb2: {  	s25 =	sadd.s32 s31, s22;
	s0 =	simm.s32 $0x200;
	[sflag:s2] =	ssyncadd.s32 @!p1 $0xFFFFE800  }
0xb3: {  	[tilespmem:s0], [sflag:$0x5] =	stream.linear.gather [hbm4b:s25+s4], $0x30, $0x38;
	[tilespmem:$0x1ECC0] =	vst v63  }
0xb4: {  	_ =	swait.ge [sflag:s10], $0x30  }
0xb5: {  	[sflag:s10] =	ssyncset.done $0x0  }
0xb6: {  	[sflag:s10] =	ssyncadd.s32 $0xFFFFFFD0  }
0xb7: {  	v0 =	vld [tilespmem:$0x180];
	_ =	sdelay $0x1  }
0xb8: {  	v1 =	vld [tilespmem:$0x190];
	_ =	sdelay $0x1  }
0xb9: {  	v2 =	vld [tilespmem:$0x1A0]  }
0xba: {  	v3 =	vand.u32 $0xFFFF, v0  }
0xbb: {  	v0 =	vshra.s32 v0, $0x10;
	[tilespmem:$0x580] =	vst v3  }
0xbc: {  	v36 =	vand.u32 $0xFFFF, v1;
	[tilespmem:$0x980] =	vst v0  }
0xbd: {  	v37 =	vshra.s32 v1, $0x10;
	[tilespmem:$0x590] =	vst v36  }
0xbe: {  	v38 =	vand.u32 $0xFFFF, v2;
	[tilespmem:$0x990] =	vst v37  }
0xbf: {  	v39 =	vshra.s32 v2, $0x10;
	[tilespmem:$0x5A0] =	vst v38  }
0xc0: {  	s28 =	simm.s32 $0x580;
	[tilespmem:$0x9A0] =	vst v39  }
0xc1: {  	[tilespmem:s12], [sflag:$0xB] =	stream.indirect.gather [hbm4b:s1+s29], $0x80, s28, s29, $0xb8;
	[tilespmem:$0x1ECC0] =	vst v63  }
0xc2: {  	_ =	swait.ge [sflag:s13], $0x1800  }
0xc3: {  	[sflag:s13] =	ssyncset.done $0x0  }
0xc4: {  	s5 =	simm.s32 $0xC00;
	s2 =	simm.s32 $0x800;
	[sflag:s13] =	ssyncadd.s32 $0xFFFFE800  }
0xc5: {  	[spmem:s3] =	stream.indirect.scatter.add.f32 [tilespmem:s5], [sflag:$0xF], $0x80, s2, s29, $0xb8;
	[tilespmem:$0x1ECC0] =	vst v63  }
0xc6: {  	s2 =	simm.s32 @!p1 $0x14  }
0xc7: {  	_ =	swait.ge @!p1 [sflag:s2], $0x1800  }
0xc8: {  	[sflag:s2] =	ssyncset.done @!p1 $0x0  }
0xc9: {  	s16 =	sadd.s32 s31, s21;
	s25 =	simm.s32 $0x280;
	[sflag:s2] =	ssyncadd.s32 @!p1 $0xFFFFE800  }
0xca: {  	[tilespmem:s25], [sflag:$0x6] =	stream.linear.gather [hbm4b:s16+s4], $0x30, $0x38;
	[tilespmem:$0x1ECC0] =	vst v63  }
0xcb: {  	_ =	swait.ge [sflag:s19], $0x30  }
0xcc: {  	[sflag:s19] =	ssyncset.done $0x0  }
0xcd: {  	[sflag:s19] =	ssyncadd.s32 $0xFFFFFFD0  }
0xce: {  	v40 =	vld [tilespmem:$0x200];
	_ =	sdelay $0x1  }
0xcf: {  	v41 =	vld [tilespmem:$0x210];
	_ =	sdelay $0x1  }
0xd0: {  	v42 =	vld [tilespmem:$0x220]  }
0xd1: {  	v43 =	vand.u32 $0xFFFF, v40  }
0xd2: {  	v0 =	vshra.s32 v40, $0x10;
	[tilespmem:$0x600] =	vst v43  }
0xd3: {  	v44 =	vand.u32 $0xFFFF, v41;
	[tilespmem:$0xA00] =	vst v0  }
0xd4: {  	v45 =	vshra.s32 v41, $0x10;
	[tilespmem:$0x610] =	vst v44  }
0xd5: {  	v46 =	vand.u32 $0xFFFF, v42;
	[tilespmem:$0xA10] =	vst v45  }
0xd6: {  	v47 =	vshra.s32 v42, $0x10;
	[tilespmem:$0x620] =	vst v46  }
0xd7: {  	s28 =	simm.s32 $0x600;
	[tilespmem:$0xA20] =	vst v47  }
0xd8: {  	[tilespmem:s6], [sflag:$0xC] =	stream.indirect.gather [hbm4b:s1+s29], $0x80, s28, s29, $0xb8;
	[tilespmem:$0x1ECC0] =	vst v63  }
0xd9: {  	_ =	swait.ge [sflag:s23], $0x1800  }
0xda: {  	[sflag:s23] =	ssyncset.done $0x0  }
0xdb: {  	s2 =	simm.s32 $0x880;
	s16 =	simm.s32 $0x2400;
	[sflag:s23] =	ssyncadd.s32 $0xFFFFE800  }
0xdc: {  	[spmem:s3] =	stream.indirect.scatter.add.f32 [tilespmem:s16], [sflag:$0x10], $0x80, s2, s29, $0xb8;
	[tilespmem:$0x1ECC0] =	vst v63  }
0xdd: {  	s2 =	simm.s32 @!p1 $0x15  }
0xde: {  	_ =	swait.ge @!p1 [sflag:s2], $0x1800  }
0xdf: {  	[sflag:s2] =	ssyncset.done @!p1 $0x0  }
0xe0: {  	s25 =	sadd.s32 s31, s20;
	s28 =	simm.s32 $0x300;
	[sflag:s2] =	ssyncadd.s32 @!p1 $0xFFFFE800  }
0xe1: {  	[tilespmem:s28], [sflag:$0x7] =	stream.linear.gather [hbm4b:s25+s4], $0x30, $0x38;
	[tilespmem:$0x1ECC0] =	vst v63  }
0xe2: {  	_ =	swait.ge [sflag:s30], $0x30  }
0xe3: {  	[sflag:s30] =	ssyncset.done $0x0  }
0xe4: {  	[sflag:s30] =	ssyncadd.s32 $0xFFFFFFD0  }
0xe5: {  	v48 =	vld [tilespmem:$0x280];
	_ =	sdelay $0x1  }
0xe6: {  	v49 =	vld [tilespmem:$0x290];
	_ =	sdelay $0x1  }
0xe7: {  	v50 =	vld [tilespmem:$0x2A0]  }
0xe8: {  	v51 =	vand.u32 $0xFFFF, v48  }
0xe9: {  	v0 =	vshra.s32 v48, $0x10;
	[tilespmem:$0x680] =	vst v51  }
0xea: {  	v52 =	vand.u32 $0xFFFF, v49;
	[tilespmem:$0xA80] =	vst v0  }
0xeb: {  	v53 =	vshra.s32 v49, $0x10;
	[tilespmem:$0x690] =	vst v52  }
0xec: {  	v54 =	vand.u32 $0xFFFF, v50;
	[tilespmem:$0xA90] =	vst v53  }
0xed: {  	v55 =	vshra.s32 v50, $0x10;
	[tilespmem:$0x6A0] =	vst v54  }
0xee: {  	s2 =	simm.s32 $0x680;
	[tilespmem:$0xAA0] =	vst v55  }
0xef: {  	[tilespmem:s17], [sflag:$0xD] =	stream.indirect.gather [hbm4b:s1+s29], $0x80, s2, s29, $0xb8;
	[tilespmem:$0x1ECC0] =	vst v63  }
0xf0: {  	_ =	swait.ge [sflag:s18], $0x1800  }
0xf1: {  	p1 =	seq.s32 s31, $0x4EC;
	s25 =	simm.s32 $0x3C00;
	[sflag:s18] =	ssyncset.done $0x0  }
0xf2: {  	s28 =	simm.s32 $0x900;
	s2 =	simm.s32 @!p1 $0xF;
	[sflag:s18] =	ssyncadd.s32 $0xFFFFE800  }
0xf3: {  	[spmem:s3] =	stream.indirect.scatter.add.f32 [tilespmem:s25], [sflag:$0x11], $0x80, s28, s29, $0xb8;
	[tilespmem:$0x1ECC0] =	vst v63  }
0xf4: {  	_ =	swait.ge @!p1 [sflag:s2], $0x1800  }
0xf5: {  	s28 =	sshrl.u32 @!p1 s24, $0x3;
	[sflag:s2] =	ssyncset.done @!p1 $0x0  }
0xf6: {  	[sflag:s2] =	ssyncadd.s32 @!p1 $0xFFFFE800;
	s2 =	sadd.s32 @!p1 s8, s28;
	s28 =	simm.s32 @!p1 $0x0  }
0xf7: {  	[tilespmem:s28], [sflag:$0x1] =	stream.linear.gather @!p1 [hbm4b:s2+s28], $0x30, $0x38;
	[tilespmem:$0x1ECC0] =	vst v63  }
0xf8: {  	_ =	swait.ge [sflag:s11], $0x30  }
0xf9: {  	[sflag:s11] =	ssyncset.done $0x0  }
0xfa: {  	[sflag:s11] =	ssyncadd.s32 $0xFFFFFFD0  }
0xfb: {  	v56 =	vld [tilespmem:$0x300];
	_ =	sdelay $0x1  }
0xfc: {  	v57 =	vld [tilespmem:$0x310];
	_ =	sdelay $0x1  }
0xfd: {  	v58 =	vld [tilespmem:$0x320]  }
0xfe: {  	v59 =	vand.u32 $0xFFFF, v56  }
0xff: {  	v0 =	vshra.s32 v56, $0x10;
	[tilespmem:$0x700] =	vst v59  }
0x100: {  	v60 =	vand.u32 $0xFFFF, v57;
	[tilespmem:$0xB00] =	vst v0  }
0x101: {  	v61 =	vshra.s32 v57, $0x10;
	[tilespmem:$0x710] =	vst v60  }
0x102: {  	v62 =	vand.u32 $0xFFFF, v58;
	[tilespmem:$0xB10] =	vst v61  }
0x103: {  	v63 =	vshra.s32 v58, $0x10;
	[tilespmem:$0x720] =	vst v62  }
0x104: {  	s25 =	simm.s32 $0x700;
	[tilespmem:$0xB20] =	vst v63  }
0x105: {  	[tilespmem:s15], [sflag:$0xE] =	stream.indirect.gather [hbm4b:s1+s29], $0x80, s25, s29, $0xb8;
	[tilespmem:$0x1ECC0] =	vst v63  }
.Ltmp4:
0x106: {  	_ = 	snop;
	(pc) =	sbr.rel @p1 .LBB2_4-.Ltmp4, $4  }
0x107: {  	_ =	swait.ge [sflag:s9], $0x1800  }
0x108: {  	[sflag:s9] =	ssyncset.done $0x0  }
0x109: {  	s28 =	simm.s32 $0x980;
	[sflag:s9] =	ssyncadd.s32 $0xFFFFE800  }
0x10a: {  	[spmem:s3] =	stream.indirect.scatter.add.f32 [tilespmem:s12], [sflag:$0x12], $0x80, s28, s29, $0xb8;
	[tilespmem:$0x1ECC0] =	vst v63  }
0x10b: {  	s0 =	simm.s32 $0x10  }
0x10c: {  	_ =	swait.ge [sflag:s0], $0x1800  }
0x10d: {  	s25 =	simm.s32 $0x80;
	[sflag:s0] =	ssyncset.done $0x0;
	s2 =	rddreg [dreg:$0xf]  }
0x10e: {  	s28 =	simm.s32 $0x1;
	[sflag:s0] =	ssyncadd.s32 $0xFFFFE800;
	s2 =	sadd.s32 s31, s2  }
0x10f: {  	[tilespmem:s25], [sflag:$0x2] =	stream.linear.gather [hbm4b:s2+s4], $0x30, $0x38;
	[tilespmem:$0x1ECC0] =	vst v63  }
0x110: {  	_ =	swait.ge [sflag:s28], $0x30  }
0x111: {  	[sflag:s28] =	ssyncset.done $0x0  }
0x112: {  	[sflag:s28] =	ssyncadd.s32 $0xFFFFFFD0  }
0x113: {  	v0 =	vld [tilespmem:$0x0];
	_ =	sdelay $0x1  }
0x114: {  	v1 =	vld [tilespmem:$0x10];
	_ =	sdelay $0x1  }
0x115: {  	v2 =	vld [tilespmem:$0x20]  }
0x116: {  	v3 =	vand.u32 $0xFFFF, v0  }
0x117: {  	v0 =	vshra.s32 v0, $0x10;
	[tilespmem:$0x400] =	vst v3  }
0x118: {  	v52 =	vand.u32 $0xFFFF, v1;
	[tilespmem:$0x800] =	vst v0  }
0x119: {  	v53 =	vshra.s32 v1, $0x10;
	[tilespmem:$0x410] =	vst v52  }
0x11a: {  	v54 =	vand.u32 $0xFFFF, v2;
	[tilespmem:$0x810] =	vst v53  }
0x11b: {  	v55 =	vshra.s32 v2, $0x10;
	[tilespmem:$0x420] =	vst v54  }
0x11c: {  	s2 =	simm.s32 $0x400;
	[tilespmem:$0x820] =	vst v55  }
0x11d: {  	[tilespmem:s5], [sflag:$0x8] =	stream.indirect.gather [hbm4b:s1+s29], $0x80, s2, s29, $0xb8;
	[tilespmem:$0x1ECC0] =	vst v63  }
0x11e: {  	_ =	swait.ge [sflag:s7], $0x1800  }
0x11f: {  	[sflag:s7] =	ssyncset.done $0x0  }
0x120: {  	s28 =	simm.s32 $0x11;
	s5 =	simm.s32 $0xA00;
	[sflag:s7] =	ssyncadd.s32 $0xFFFFE800  }
0x121: {  	[spmem:s3] =	stream.indirect.scatter.add.f32 [tilespmem:s6], [sflag:$0x13], $0x80, s5, s29, $0xb8;
	[tilespmem:$0x1ECC0] =	vst v63  }
0x122: {  	_ =	swait.ge [sflag:s28], $0x1800  }
0x123: {  	[sflag:s28] =	ssyncset.done $0x0;
	s2 =	rddreg [dreg:$0xe]  }
0x124: {  	[sflag:s28] =	ssyncadd.s32 $0xFFFFE800;
	s5 =	sadd.s32 s31, s2;
	s28 =	simm.s32 $0x100  }
0x125: {  	[tilespmem:s28], [sflag:$0x3] =	stream.linear.gather [hbm4b:s5+s4], $0x30, $0x38;
	[tilespmem:$0x1ECC0] =	vst v63  }
0x126: {  	s5 =	simm.s32 $0x2  }
0x127: {  	_ =	swait.ge [sflag:s5], $0x30  }
0x128: {  	[sflag:s5] =	ssyncset.done $0x0  }
0x129: {  	[sflag:s5] =	ssyncadd.s32 $0xFFFFFFD0  }
0x12a: {  	v56 =	vld [tilespmem:$0x80];
	_ =	sdelay $0x1  }
0x12b: {  	v57 =	vld [tilespmem:$0x90];
	_ =	sdelay $0x1  }
0x12c: {  	v58 =	vld [tilespmem:$0xA0]  }
0x12d: {  	v59 =	vand.u32 $0xFFFF, v56  }
0x12e: {  	v0 =	vshra.s32 v56, $0x10;
	[tilespmem:$0x480] =	vst v59  }
0x12f: {  	v60 =	vand.u32 $0xFFFF, v57;
	[tilespmem:$0x880] =	vst v0  }
.Ltmp5:
0x130: {  	v61 =	vshra.s32 v57, $0x10;
	[tilespmem:$0x490] =	vst v60;
	(pc) =	sbr.rel .LBB2_5-.Ltmp5, $4  }
0x131: {  	v62 =	vand.u32 $0xFFFF, v58;
	[tilespmem:$0x890] =	vst v61  }
0x132: {  	v63 =	vshra.s32 v58, $0x10;
	[tilespmem:$0x4A0] =	vst v62  }
0x133: {  	s25 =	simm.s32 $0xC00;
	s28 =	simm.s32 $0x480;
	[tilespmem:$0x8A0] =	vst v63  }
0x134: {  	[tilespmem:s16], [sflag:$0x9] =	stream.indirect.gather [hbm4b:s1+s29], $0x80, s28, s29, $0xb8;
	[tilespmem:$0x1ECC0] =	vst v63  }
.LBB2_7:
0x135: {  	_ =	sfence.sel $0x180000  }
0x136: {  	[bflag:$0x0] =	sbarrier.arrive $0xFFFF  }
0x137: {  	_ =	strace $0x90000047  }
0x138: {  	s0 =	stileid.u32;
	[bflag:$0x2] =	sbarrier.arrive $0xFFFF  }
0x139: {  	p0 =	sne.s32 s0, $0x0;
	s0 =	rddreg [dreg:$0x3]  }
0x13a: {  	s0 =	sadd.s32 @!p0 $0x100000, s0  }
0x13b: {  	[sflag:s0] =	ssyncadd.tile.s32 @!p0 $0x1;
	_ =	shalt  }
.Lfunc_end2:
_tile_overlayer_lowered:
.L_overlay_start_2:
0x13c: {  	(tag) =	ssettag $0x2  }
0x13d: {  	s0 =	rddreg [dreg:$0x0];
	s2 =	stileid.u32  }
0x13e: {  	s1 =	rddreg [dreg:$0x1];
	p0 =	sne.s32 s2, $0x0  }
0x13f: {  	s3 =	rddreg [dreg:$0x2];
	[bflag:$0x3] =	sbarrier.arrive $0xFFFF;
	s2 =	simm.s32 @!p0 $0x1C16  }
0x140: {  	[timem:s3], [sflag:s2] =	dma.local @!p0 [hbm:s0], s1  }
0x141: {  	s0 =	simm.s32 @!p0 $0x16  }
0x142: {  	_ =	swait.ge @!p0 [sflag:s0], s1  }
0x143: {  	s1 =	ssub.s32 @!p0 $0x0, s1;
	[sflag:s0] =	ssyncset.done @!p0 $0x0  }
0x144: {  	[sflag:s0] =	ssyncadd.s32 @!p0 s1  }
0x145: {  	[bflag:$0x3] =	sbarrier.arrive $0xFFFF  }
0x146: {  	_ =	shalt  }

</sc_bundles>
